<compile_context>
chip_gen: v7x
topology: tpu7x:2x2x1
jax: 0.10.2.dev20260603
libtpu: 0.0.44.dev20260713+nightly
codegen_flags: <defaults>
</compile_context>

<pallas_src>
import functools

import jax
import jax.numpy as jnp
from jax import lax
from jax.experimental import pallas as pl
from jax.experimental.pallas import tpu as pltpu
from jax.experimental.pallas import tpu_sc as plsc

N = 10000
E = 160000
NODE_IN = 128
EDGE_IN = 16
H = 16
STEPS = 3
S2S_ITERS = 3
READOUT = 1024

NC = 2
NS = 16
NW = NC * NS
EC = 125
EH = E
CHW = EH // (NW * EC)
ROWS = EH // EC
NPAD = 10240
STRIPE = NPAD // NS



def _proj_body(x_ref, wp_ref, bp_ref, h_ref):
    h = jnp.dot(x_ref[...], wp_ref[...], preferred_element_type=jnp.float32)
    h_ref[...] = jax.nn.relu(h + bp_ref[...])


def _msg_body(hs_ref, ea_ref, r_ref, t_ref, wm_ref, b3_ref, msg_ref):
    hs = hs_ref[...]
    ea = ea_ref[...]
    hs_b = hs.astype(jnp.bfloat16)
    ea_b = ea.astype(jnp.bfloat16)
    o = jnp.dot(ea_b, r_ref[...], preferred_element_type=jnp.float32) * \
        jnp.dot(hs_b, t_ref[...], preferred_element_type=jnp.float32)
    msg_ref[...] = (
        jnp.dot(o.astype(jnp.bfloat16), wm_ref[...],
                preferred_element_type=jnp.float32)
        + jnp.dot(hs, b3_ref[...], preferred_element_type=jnp.float32)
    )


def _gru_math(neigh, hidden, wih_t, whh_t, bih, bhh, bnn):
    m = jax.nn.relu(neigh + bnn)
    gi = jnp.dot(m, wih_t, preferred_element_type=jnp.float32) + bih
    gh = jnp.dot(hidden, whh_t, preferred_element_type=jnp.float32) + bhh
    r = jax.nn.sigmoid(gi[:, 0:H] + gh[:, 0:H])
    z = jax.nn.sigmoid(gi[:, H:2 * H] + gh[:, H:2 * H])
    n = jnp.tanh(gi[:, 2 * H:3 * H] + r * gh[:, 2 * H:3 * H])
    return (1.0 - z) * n + z * hidden


NPR = N // 8


def _gru_groups(np_ref, hid_ref, wih_ref, whh_ref, bih_ref, bhh_ref, bnn_ref):
    outs = []
    for g in range(8):
        sl = slice(g * H, (g + 1) * H)
        neigh = np_ref[0, 0:NPR, sl] + np_ref[1, 0:NPR, sl]
        outs.append(_gru_math(neigh, hid_ref[:, sl], wih_ref[...],
                              whh_ref[...], bih_ref[...], bhh_ref[...],
                              bnn_ref[...]))
    return outs


def _gru_body(np_ref, hid_ref, wih_ref, whh_ref, bih_ref, bhh_ref,
              bnn_ref, out_ref):
    out_ref[...] = jnp.concatenate(
        _gru_groups(np_ref, hid_ref, wih_ref, whh_ref, bih_ref, bhh_ref,
                    bnn_ref), axis=1)


def _tail_body(np_ref, hid_ref, wih_ref, whh_ref, bih_ref, bhh_ref,
               bnn_ref, h0_ref, lwih_ref, lwhh_ref, lbih_ref, lbhh_ref,
               wsp_ref, bsp_ref, a_ref, out_ref):
    hg = _gru_groups(np_ref, hid_ref, wih_ref, whh_ref, bih_ref, bhh_ref,
                     bnn_ref)
    feat = [jnp.concatenate([h0_ref[:, g * H:(g + 1) * H], hg[g]], axis=1)
            for g in range(8)]
    q_star = jnp.zeros((1, 4 * H), jnp.float32)
    lh = jnp.zeros((1, 2 * H), jnp.float32)
    lc = jnp.zeros((1, 2 * H), jnp.float32)
    for _ in range(S2S_ITERS):
        gates = (jnp.dot(q_star, lwih_ref[...], preferred_element_type=jnp.float32)
                 + lbih_ref[...]
                 + jnp.dot(lh, lwhh_ref[...], preferred_element_type=jnp.float32)
                 + lbhh_ref[...])
        gi = jax.nn.sigmoid(gates[:, 0:2 * H])
        gf = jax.nn.sigmoid(gates[:, 2 * H:4 * H])
        gg = jnp.tanh(gates[:, 4 * H:6 * H])
        go = jax.nn.sigmoid(gates[:, 6 * H:8 * H])
        lc = gf * lc + gi * gg
        lh = go * jnp.tanh(lc)
        e = jnp.concatenate(
            [jnp.sum(f * lh, axis=1, keepdims=True) for f in feat],
            axis=1)
        mx = jnp.max(jnp.max(e, axis=1, keepdims=True), axis=0, keepdims=True)
        ex = jnp.exp(e - mx)
        ssum = jnp.sum(jnp.sum(ex, axis=1, keepdims=True), axis=0,
                       keepdims=True)
        alpha = ex / ssum
        readout = sum(
            jnp.sum(feat[g] * alpha[:, g:g + 1], axis=0, keepdims=True)
            for g in range(8))
        q_star = jnp.concatenate([lh, readout], axis=1)
    out = jnp.dot(q_star, wsp_ref[...], preferred_element_type=jnp.float32) \
        + bsp_ref[...]
    a = a_ref[0, 0]
    out_ref[...] = jnp.where(out >= 0.0, out, a * out)



def _sc_gather_body(h_hbm, src_hbm, out_hbm, idx_v, rows_v, sem):
    c = lax.axis_index("c")
    s = lax.axis_index("s")
    base = (c * NS + s) * CHW
    pltpu.sync_copy(src_hbm.at[pl.ds(base, CHW)], idx_v)

    def fire(j, carry):
        pltpu.async_copy(h_hbm.at[idx_v.at[j]], rows_v.at[j], sem)
        return carry

    lax.fori_loop(0, CHW, fire, 0)
    pltpu.make_async_copy(out_hbm.at[pl.ds(base, CHW)], rows_v, sem).wait()
    pltpu.sync_copy(rows_v, out_hbm.at[pl.ds(base, CHW)])


def _sc_scatter_body(msg_hbm, dst_hbm, zeros_hbm, out_hbm, idx_v, rows_v,
                     accum, sem):
    c = lax.axis_index("c")
    s = lax.axis_index("s")
    base = (c * NS + s) * CHW
    pltpu.sync_copy(dst_hbm.at[pl.ds(base, CHW)], idx_v)
    pltpu.sync_copy(msg_hbm.at[pl.ds(base, CHW)], rows_v)

    @pl.when(s == 0)
    def _():
        pltpu.sync_copy(zeros_hbm, accum)

    plsc.subcore_barrier()

    def add_chunk(j, carry):
        pltpu.async_copy(rows_v.at[j], accum.at[idx_v.at[j]], sem, add=True)
        return carry

    lax.fori_loop(0, CHW, add_chunk, 0)
    pltpu.make_async_copy(msg_hbm.at[pl.ds(base, CHW)], rows_v, sem).wait()
    plsc.subcore_barrier()
    pltpu.sync_copy(accum.at[pl.ds(s * STRIPE, STRIPE)],
                    out_hbm.at[c, pl.ds(s * STRIPE, STRIPE)])


@functools.cache
def _build_sc_kernels():
    mesh = plsc.VectorSubcoreMesh(core_axis_name="c", subcore_axis_name="s",
                                  num_cores=NC, num_subcores=NS)
    gather = pl.kernel(
        _sc_gather_body,
        out_type=jax.ShapeDtypeStruct((ROWS, EC, H), jnp.float32),
        mesh=mesh,
        scratch_types=[
            pltpu.VMEM((CHW, EC), jnp.int32),
            pltpu.VMEM((CHW, EC, H), jnp.float32),
            pltpu.SemaphoreType.DMA,
        ],
        compiler_params=pltpu.CompilerParams(use_tc_tiling_on_sc=False),
    )
    scatter = pl.kernel(
        _sc_scatter_body,
        out_type=jax.ShapeDtypeStruct((NC, NPAD, H), jnp.float32),
        mesh=mesh,
        scratch_types=[
            pltpu.VMEM((CHW, EC), jnp.int32),
            pltpu.VMEM((CHW, EC, H), jnp.float32),
            pltpu.VMEM_SHARED((NPAD, H), jnp.float32),
            pltpu.SemaphoreType.DMA,
        ],
        compiler_params=pltpu.CompilerParams(use_tc_tiling_on_sc=False),
    )
    return gather, scatter



def kernel(x, edge_index, edge_attr, W_proj, b_proj, W_edge, b_edge, b_nn,
           gru_W_ih, gru_W_hh, gru_b_ih, gru_b_hh,
           lstm_W_ih, lstm_W_hh, lstm_b_ih, lstm_b_hh,
           W_sp, b_sp, prelu_a):
    f32 = jnp.float32
    src3 = edge_index[0].reshape(ROWS, EC)
    dst3 = edge_index[1].reshape(ROWS, EC)

    eye = jnp.eye(H, dtype=f32)
    eye8 = jnp.eye(8, dtype=f32)
    r_mat = jnp.kron(eye8, jnp.kron(eye, jnp.ones((1, H), f32))).astype(jnp.bfloat16)
    t_mat = jnp.kron(eye8, jnp.kron(jnp.ones((1, H), f32), eye)).astype(jnp.bfloat16)
    w_mat = jnp.kron(eye8, W_edge.reshape(EDGE_IN * H, H)).astype(jnp.bfloat16)
    b3 = jnp.kron(eye8, b_edge.reshape(H, H))
    zeros_pad = jnp.zeros((NPAD, H), f32)

    bp = b_proj.reshape(1, H)
    bnn = b_nn.reshape(1, H)
    wih_t = gru_W_ih.T
    whh_t = gru_W_hh.T
    bih = gru_b_ih.reshape(1, 3 * H)
    bhh = gru_b_hh.reshape(1, 3 * H)
    lwih_t = lstm_W_ih.T
    lwhh_t = lstm_W_hh.T
    lbih = lstm_b_ih.reshape(1, 8 * H)
    lbhh = lstm_b_hh.reshape(1, 8 * H)
    bsp = b_sp.reshape(1, READOUT)
    a2 = prelu_a.reshape(1, 1)

    h0 = pl.pallas_call(
        _proj_body,
        out_shape=jax.ShapeDtypeStruct((N, H), f32),
    )(x, W_proj, bp)

    EP = EH // 8
    BLK = 2000
    msg_call = pl.pallas_call(
        _msg_body,
        grid=(EP // BLK,),
        in_specs=[
            pl.BlockSpec((BLK, 128), lambda i: (i, 0)),
            pl.BlockSpec((BLK, 128), lambda i: (i, 0)),
            pl.BlockSpec((128, 2048), lambda i: (0, 0)),
            pl.BlockSpec((128, 2048), lambda i: (0, 0)),
            pl.BlockSpec((2048, 128), lambda i: (0, 0)),
            pl.BlockSpec((128, 128), lambda i: (0, 0)),
        ],
        out_specs=pl.BlockSpec((BLK, 128), lambda i: (i, 0)),
        out_shape=jax.ShapeDtypeStruct((EP, 128), f32),
    )
    ea_p = edge_attr.reshape(EP, 128)

    gru_call = pl.pallas_call(
        _gru_body,
        out_shape=jax.ShapeDtypeStruct((NPR, 128), f32),
    )

    sc_gather, sc_scatter = _build_sc_kernels()
    h0_p = h0.reshape(NPR, 128)
    hidden_p = h0_p
    for step in range(STEPS):
        hs3 = sc_gather(hidden_p.reshape(N, H), src3)
        hs_p = hs3.reshape(EP, 128)
        msg_p = msg_call(hs_p, ea_p, r_mat, t_mat, w_mat, b3)
        msg3 = msg_p.reshape(ROWS, EC, H)
        neigh_parts = sc_scatter(msg3, dst3, zeros_pad)
        np_p = neigh_parts.reshape(NC, NPAD // 8, 128)
        if step < STEPS - 1:
            hidden_p = gru_call(np_p, hidden_p, wih_t, whh_t,
                                bih, bhh, bnn)
        else:
            out = pl.pallas_call(
                _tail_body,
                out_shape=jax.ShapeDtypeStruct((1, READOUT), f32),
            )(np_p, hidden_p, wih_t, whh_t, bih, bhh, bnn,
              h0_p, lwih_t, lwhh_t, lbih, lbhh, W_sp, bsp, a2)
    return out

# --- scband reference (transcript-rebuilt; emitter-appended) ---
"""Pipeline reference for scband-mpnn-6167573037057 (READ-ONLY COPY).

The authoritative reference and input builder live on the scoring server;
editing this copy changes nothing except your own understanding.
"""

import jax, jax.numpy as jnp
import numpy as np

N = 10000
E = 160000
NODE_IN = 128
EDGE_IN = 16
H = 16
STEPS = 3
S2S_ITERS = 3
READOUT = 1024


def setup_inputs(seed: int = 0) -> dict:
    key = jax.random.key(seed)
    ks = jax.random.split(key, 12)

    def lin(k, fin, fout):
        return (jax.random.normal(k, (fin, fout), dtype=jnp.float32) / np.sqrt(fin)).astype(jnp.float32)

    inp = {}
    inp["x"] = jax.random.normal(ks[0], (N, NODE_IN), dtype=jnp.float32)
    inp["edge_index"] = jax.random.randint(ks[1], (2, E), 0, N, dtype=jnp.int32)
    inp["edge_attr"] = jax.random.normal(ks[2], (E, EDGE_IN), dtype=jnp.float32)
    # project_node_feats: Linear(node_in, H)
    inp["W_proj"] = lin(ks[3], NODE_IN, H)
    inp["b_proj"] = jnp.zeros((H,), jnp.float32)
    # NNConv edge network: Linear(edge_in, H*H) + NNConv bias
    inp["W_edge"] = lin(ks[4], EDGE_IN, H * H)
    inp["b_edge"] = jnp.zeros((H * H,), jnp.float32)
    inp["b_nn"] = jnp.zeros((H,), jnp.float32)
    # GRU(H, H), 1 layer
    inp["gru_W_ih"] = (jax.random.normal(ks[5], (3 * H, H)) / np.sqrt(H)).astype(jnp.float32)
    inp["gru_W_hh"] = (jax.random.normal(ks[6], (3 * H, H)) / np.sqrt(H)).astype(jnp.float32)
    inp["gru_b_ih"] = jnp.zeros((3 * H,), jnp.float32)
    inp["gru_b_hh"] = jnp.zeros((3 * H,), jnp.float32)
    # Set2Set LSTM: input 4H (q_star), hidden 2H
    inp["lstm_W_ih"] = (jax.random.normal(ks[7], (8 * H, 4 * H)) / np.sqrt(4 * H)).astype(jnp.float32)
    inp["lstm_W_hh"] = (jax.random.normal(ks[8], (8 * H, 2 * H)) / np.sqrt(2 * H)).astype(jnp.float32)
    inp["lstm_b_ih"] = jnp.zeros((8 * H,), jnp.float32)
    inp["lstm_b_hh"] = jnp.zeros((8 * H,), jnp.float32)
    # sparsify: Linear(4H, READOUT) + PReLU
    inp["W_sp"] = lin(ks[9], 4 * H, READOUT)
    inp["b_sp"] = jnp.zeros((READOUT,), jnp.float32)
    inp["prelu_a"] = jnp.asarray(0.25, jnp.float32)
    return inp


def reference(x, edge_index, edge_attr, W_proj, b_proj, W_edge, b_edge, b_nn,
              gru_W_ih, gru_W_hh, gru_b_ih, gru_b_hh,
              lstm_W_ih, lstm_W_hh, lstm_b_ih, lstm_b_hh,
              W_sp, b_sp, prelu_a):
    src = edge_index[0]
    dst = edge_index[1]
    # project node features
    h = jax.nn.relu(x @ W_proj + b_proj)
    hidden = h
    h0 = h
    # per-edge weight matrices (NNConv edge_func), [E, H, H]
    W_e = (edge_attr @ W_edge + b_edge).reshape(-1, H, H)
    for _ in range(STEPS):
        msg = jnp.einsum('eh,ehk->ek', jnp.take(h, src, axis=0), W_e)
        neigh = jax.ops.segment_sum(msg, dst, num_segments=N)
        m = jax.nn.relu(neigh + b_nn)
        # GRU cell (PyTorch convention)
        gi = m @ gru_W_ih.T + gru_b_ih
        gh = hidden @ gru_W_hh.T + gru_b_hh
        i_r, i_z, i_n = jnp.split(gi, 3, axis=1)
        h_r, h_z, h_n = jnp.split(gh, 3, axis=1)
        r = jax.nn.sigmoid(i_r + h_r)
        z = jax.nn.sigmoid(i_z + h_z)
        n = jnp.tanh(i_n + r * h_n)
        hidden = (1.0 - z) * n + z * hidden
        h = hidden
    feat = jnp.concatenate([h0, h], axis=1)  # [N, 2H]
    # Set2Set readout (single graph, batch_size = 1)
    q_star = jnp.zeros((1, 4 * H), dtype=x.dtype)
    lh = jnp.zeros((1, 2 * H), dtype=x.dtype)
    lc = jnp.zeros((1, 2 * H), dtype=x.dtype)
    for _ in range(S2S_ITERS):
        gates = q_star @ lstm_W_ih.T + lstm_b_ih + lh @ lstm_W_hh.T + lstm_b_hh
        gi_, gf_, gg_, go_ = jnp.split(gates, 4, axis=1)
        gi_ = jax.nn.sigmoid(gi_)
        gf_ = jax.nn.sigmoid(gf_)
        gg_ = jnp.tanh(gg_)
        go_ = jax.nn.sigmoid(go_)
        lc = gf_ * lc + gi_ * gg_
        lh = go_ * jnp.tanh(lc)
        q = lh  # [1, 2H]
        e = jnp.sum(feat * q, axis=-1)  # [N]
        alpha = jax.nn.softmax(e)
        readout = jnp.sum(feat * alpha[:, None], axis=0, keepdims=True)  # [1, 2H]
        q_star = jnp.concatenate([q, readout], axis=1)  # [1, 4H]
    out = q_star @ W_sp + b_sp
    out = jnp.where(out >= 0, out, prelu_a * out)  # PReLU
    return out  # [1, READOUT]

if __name__ == "__main__":
    import jax
    _d = setup_inputs()
    print(jax.jit(kernel)(*tuple(_d.values())))

</pallas_src>

<mosaic_0001>
#map = affine_map<(d0, d1) -> (0, 0)>
#map1 = affine_map<(d0, d1) -> (0, 0, 0)>
module attributes {stable_mosaic.version = 14 : i64} {
  func.func @_sc_gather_body(%arg0: i32, %arg1: i32, %arg2: memref<10000x16xf32, #tpu.memory_space<hbm>>, %arg3: memref<1280x125xi32, #tpu.memory_space<hbm>>, %arg4: memref<1280x125x16xf32, #tpu.memory_space<hbm>>, %arg5: memref<40x125xi32, #tpu.memory_space<vmem>>, %arg6: memref<40x125x16xf32, #tpu.memory_space<vmem>>, %arg7: memref<!tpu.dma_semaphore, #tpu.memory_space<semaphore_mem>>) attributes {dimension_semantics = [#tpu.dimension_semantics<core_parallel>, #tpu.dimension_semantics<subcore_parallel>], iteration_bounds = array<i64: 2, 16>, scalar_prefetch = 0 : i64, scratch_operands = 3 : i64, tpu.core_type = #tpu.core_type<sc_vector_subcore>, window_params = [{transform_indices = #map}, {transform_indices = #map}, {transform_indices = #map1}]} {
    %mul3A = arith.constant 16 : i32
    %mul3A_0 = arith.muli %arg0, %mul3A : i32
    %add3A = arith.addi %mul3A_0, %arg1 : i32
    %mul3A_1 = arith.constant 40 : i32
    %mul3A_2 = arith.muli %add3A, %mul3A_1 : i32
    "tpu.region"() ({
      %run_scoped3A = tpu.sem_alloc : memref<!tpu.dma_semaphore, #tpu.memory_space<semaphore_mem>>
      %dma_start3A = arith.constant 0 : i32
      %dma_start3A_13 = tpu.memref_slice %arg3[%mul3A_2, %dma_start3A] : memref<1280x125xi32, #tpu.memory_space<hbm>> -> memref<40x125xi32, #tpu.memory_space<hbm>>
      %dma_start3A_14 = arith.constant 0 : i32
      %dma_start3A_15 = tpu.memref_slice %arg3[%mul3A_2, %dma_start3A_14] : memref<1280x125xi32, #tpu.memory_space<hbm>> -> memref<40x125xi32, #tpu.memory_space<hbm>>
      tpu.enqueue_dma source(%dma_start3A_15 : memref<40x125xi32, #tpu.memory_space<hbm>>) target(%arg5 : memref<40x125xi32, #tpu.memory_space<vmem>>) target_semaphore(%run_scoped3A : memref<!tpu.dma_semaphore, #tpu.memory_space<semaphore_mem>>)
      %dma_wait3A_16 = arith.constant 0 : i32
      %dma_wait3A_17 = tpu.memref_slice %arg3[%mul3A_2, %dma_wait3A_16] : memref<1280x125xi32, #tpu.memory_space<hbm>> -> memref<40x125xi32, #tpu.memory_space<hbm>>
      %dma_wait3A_18 = arith.constant 0 : i32
      %dma_wait3A_19 = tpu.memref_slice %arg3[%mul3A_2, %dma_wait3A_18] : memref<1280x125xi32, #tpu.memory_space<hbm>> -> memref<40x125xi32, #tpu.memory_space<hbm>>
      tpu.wait_dma2 semaphore(%run_scoped3A : memref<!tpu.dma_semaphore, #tpu.memory_space<semaphore_mem>>) src(%dma_wait3A_19 : memref<40x125xi32, #tpu.memory_space<hbm>>) dst(%arg5 : memref<40x125xi32, #tpu.memory_space<vmem>>)
      tpu.yield
    }) : () -> ()
    %scan3A = arith.constant 0 : i32
    %scan3A_3 = arith.constant 0 : i32
    %scan3A_4 = arith.constant 40 : i32
    %scan3A_5 = arith.addi %scan3A_3, %scan3A_4 : i32
    %scan3A_6 = arith.constant 1 : i32
    scf.for %scan3A_13 = %scan3A_3 to %scan3A_5 step %scan3A_6  : i32 {
      %dma_start3A = arith.constant 0 : i32
      %dma_start3A_14 = arith.constant 0 : i32
      %dma_start3A_15 = tpu.memref_slice %arg6[%scan3A_13, %dma_start3A, %dma_start3A_14] : memref<40x125x16xf32, #tpu.memory_space<vmem>> -> memref<1x125x16xf32, #tpu.memory_space<vmem>>
      %dma_start3A_16 = tpu.memref_squeeze %dma_start3A_15 : memref<1x125x16xf32, #tpu.memory_space<vmem>> -> memref<125x16xf32, #tpu.memory_space<vmem>>
      %dma_start3A_17 = arith.constant 0 : i32
      %dma_start3A_18 = tpu.memref_slice %arg5[%scan3A_13, %dma_start3A_17] : memref<40x125xi32, #tpu.memory_space<vmem>> -> memref<1x125xi32, #tpu.memory_space<vmem>>
      %dma_start3A_19 = tpu.memref_squeeze %dma_start3A_18 : memref<1x125xi32, #tpu.memory_space<vmem>> -> memref<125xi32, #tpu.memory_space<vmem>>
      %dma_start3A_20 = arith.constant 0 : i32
      %dma_start3A_21 = arith.constant 0 : i32
      %dma_start3A_22 = tpu.memref_slice %arg2[%dma_start3A_20, %dma_start3A_21] : memref<10000x16xf32, #tpu.memory_space<hbm>> -> memref<10000x16xf32, #tpu.memory_space<hbm>>
      tpu.enqueue_indirect_dma source(%dma_start3A_22 : memref<10000x16xf32, #tpu.memory_space<hbm>>) target(%dma_start3A_16 : memref<125x16xf32, #tpu.memory_space<vmem>>) offsets(%dma_start3A_19 : memref<125xi32, #tpu.memory_space<vmem>>) semaphore(%arg7 : memref<!tpu.dma_semaphore, #tpu.memory_space<semaphore_mem>>)
    }
    %scan3A_7 = arith.constant 40 : i32
    %dma_wait3A = arith.constant 0 : i32
    %dma_wait3A_8 = arith.constant 0 : i32
    %dma_wait3A_9 = tpu.memref_slice %arg4[%mul3A_2, %dma_wait3A, %dma_wait3A_8] : memref<1280x125x16xf32, #tpu.memory_space<hbm>> -> memref<40x125x16xf32, #tpu.memory_space<hbm>>
    %dma_wait3A_10 = arith.constant 0 : i32
    %dma_wait3A_11 = arith.constant 0 : i32
    %dma_wait3A_12 = tpu.memref_slice %arg4[%mul3A_2, %dma_wait3A_10, %dma_wait3A_11] : memref<1280x125x16xf32, #tpu.memory_space<hbm>> -> memref<40x125x16xf32, #tpu.memory_space<hbm>>
    tpu.wait_dma2 semaphore(%arg7 : memref<!tpu.dma_semaphore, #tpu.memory_space<semaphore_mem>>) src(%dma_wait3A_12 : memref<40x125x16xf32, #tpu.memory_space<hbm>>) dst(%arg6 : memref<40x125x16xf32, #tpu.memory_space<vmem>>)
    "tpu.region"() ({
      %run_scoped3A = tpu.sem_alloc : memref<!tpu.dma_semaphore, #tpu.memory_space<semaphore_mem>>
      %dma_start3A = arith.constant 0 : i32
      %dma_start3A_13 = arith.constant 0 : i32
      %dma_start3A_14 = tpu.memref_slice %arg4[%mul3A_2, %dma_start3A, %dma_start3A_13] : memref<1280x125x16xf32, #tpu.memory_space<hbm>> -> memref<40x125x16xf32, #tpu.memory_space<hbm>>
      %dma_start3A_15 = arith.constant 0 : i32
      %dma_start3A_16 = arith.constant 0 : i32
      %dma_start3A_17 = tpu.memref_slice %arg4[%mul3A_2, %dma_start3A_15, %dma_start3A_16] : memref<1280x125x16xf32, #tpu.memory_space<hbm>> -> memref<40x125x16xf32, #tpu.memory_space<hbm>>
      tpu.enqueue_dma source(%arg6 : memref<40x125x16xf32, #tpu.memory_space<vmem>>) target(%dma_start3A_17 : memref<40x125x16xf32, #tpu.memory_space<hbm>>) target_semaphore(%run_scoped3A : memref<!tpu.dma_semaphore, #tpu.memory_space<semaphore_mem>>)
      %dma_wait3A_18 = arith.constant 0 : i32
      %dma_wait3A_19 = arith.constant 0 : i32
      %dma_wait3A_20 = tpu.memref_slice %arg4[%mul3A_2, %dma_wait3A_18, %dma_wait3A_19] : memref<1280x125x16xf32, #tpu.memory_space<hbm>> -> memref<40x125x16xf32, #tpu.memory_space<hbm>>
      %dma_wait3A_21 = arith.constant 0 : i32
      %dma_wait3A_22 = arith.constant 0 : i32
      %dma_wait3A_23 = tpu.memref_slice %arg4[%mul3A_2, %dma_wait3A_21, %dma_wait3A_22] : memref<1280x125x16xf32, #tpu.memory_space<hbm>> -> memref<40x125x16xf32, #tpu.memory_space<hbm>>
      tpu.wait_dma2 semaphore(%run_scoped3A : memref<!tpu.dma_semaphore, #tpu.memory_space<semaphore_mem>>) src(%arg6 : memref<40x125x16xf32, #tpu.memory_space<vmem>>) dst(%dma_wait3A_23 : memref<40x125x16xf32, #tpu.memory_space<hbm>>)
      tpu.yield
    }) : () -> ()
    return
  }
}

#map = affine_map<(d0, d1) -> (0, 0, 0)>
#map1 = affine_map<(d0, d1) -> (0, 0)>
module attributes {stable_mosaic.version = 14 : i64} {
  func.func @_sc_scatter_body(%arg0: i32, %arg1: i32, %arg2: memref<1280x125x16xf32, #tpu.memory_space<hbm>>, %arg3: memref<1280x125xi32, #tpu.memory_space<hbm>>, %arg4: memref<10240x16xf32, #tpu.memory_space<hbm>>, %arg5: memref<2x10240x16xf32, #tpu.memory_space<hbm>>, %arg6: memref<40x125xi32, #tpu.memory_space<vmem>>, %arg7: memref<40x125x16xf32, #tpu.memory_space<vmem>>, %arg8: memref<10240x16xf32, #tpu.memory_space<vmem_shared>>, %arg9: memref<!tpu.dma_semaphore, #tpu.memory_space<semaphore_mem>>) attributes {dimension_semantics = [#tpu.dimension_semantics<core_parallel>, #tpu.dimension_semantics<subcore_parallel>], iteration_bounds = array<i64: 2, 16>, scalar_prefetch = 0 : i64, scratch_operands = 4 : i64, tpu.core_type = #tpu.core_type<sc_vector_subcore>, window_params = [{transform_indices = #map}, {transform_indices = #map1}, {transform_indices = #map1}, {transform_indices = #map}]} {
    %mul3A = arith.constant 16 : i32
    %mul3A_0 = arith.muli %arg0, %mul3A : i32
    %add3A = arith.addi %mul3A_0, %arg1 : i32
    %mul3A_1 = arith.constant 40 : i32
    %mul3A_2 = arith.muli %add3A, %mul3A_1 : i32
    "tpu.region"() ({
      %run_scoped3A = tpu.sem_alloc : memref<!tpu.dma_semaphore, #tpu.memory_space<semaphore_mem>>
      %dma_start3A = arith.constant 0 : i32
      %dma_start3A_20 = tpu.memref_slice %arg3[%mul3A_2, %dma_start3A] : memref<1280x125xi32, #tpu.memory_space<hbm>> -> memref<40x125xi32, #tpu.memory_space<hbm>>
      %dma_start3A_21 = arith.constant 0 : i32
      %dma_start3A_22 = tpu.memref_slice %arg3[%mul3A_2, %dma_start3A_21] : memref<1280x125xi32, #tpu.memory_space<hbm>> -> memref<40x125xi32, #tpu.memory_space<hbm>>
      tpu.enqueue_dma source(%dma_start3A_22 : memref<40x125xi32, #tpu.memory_space<hbm>>) target(%arg6 : memref<40x125xi32, #tpu.memory_space<vmem>>) target_semaphore(%run_scoped3A : memref<!tpu.dma_semaphore, #tpu.memory_space<semaphore_mem>>)
      %dma_wait3A_23 = arith.constant 0 : i32
      %dma_wait3A_24 = tpu.memref_slice %arg3[%mul3A_2, %dma_wait3A_23] : memref<1280x125xi32, #tpu.memory_space<hbm>> -> memref<40x125xi32, #tpu.memory_space<hbm>>
      %dma_wait3A_25 = arith.constant 0 : i32
      %dma_wait3A_26 = tpu.memref_slice %arg3[%mul3A_2, %dma_wait3A_25] : memref<1280x125xi32, #tpu.memory_space<hbm>> -> memref<40x125xi32, #tpu.memory_space<hbm>>
      tpu.wait_dma2 semaphore(%run_scoped3A : memref<!tpu.dma_semaphore, #tpu.memory_space<semaphore_mem>>) src(%dma_wait3A_26 : memref<40x125xi32, #tpu.memory_space<hbm>>) dst(%arg6 : memref<40x125xi32, #tpu.memory_space<vmem>>)
      tpu.yield
    }) : () -> ()
    "tpu.region"() ({
      %run_scoped3A = tpu.sem_alloc : memref<!tpu.dma_semaphore, #tpu.memory_space<semaphore_mem>>
      %dma_start3A = arith.constant 0 : i32
      %dma_start3A_20 = arith.constant 0 : i32
      %dma_start3A_21 = tpu.memref_slice %arg2[%mul3A_2, %dma_start3A, %dma_start3A_20] : memref<1280x125x16xf32, #tpu.memory_space<hbm>> -> memref<40x125x16xf32, #tpu.memory_space<hbm>>
      %dma_start3A_22 = arith.constant 0 : i32
      %dma_start3A_23 = arith.constant 0 : i32
      %dma_start3A_24 = tpu.memref_slice %arg2[%mul3A_2, %dma_start3A_22, %dma_start3A_23] : memref<1280x125x16xf32, #tpu.memory_space<hbm>> -> memref<40x125x16xf32, #tpu.memory_space<hbm>>
      tpu.enqueue_dma source(%dma_start3A_24 : memref<40x125x16xf32, #tpu.memory_space<hbm>>) target(%arg7 : memref<40x125x16xf32, #tpu.memory_space<vmem>>) target_semaphore(%run_scoped3A : memref<!tpu.dma_semaphore, #tpu.memory_space<semaphore_mem>>)
      %dma_wait3A_25 = arith.constant 0 : i32
      %dma_wait3A_26 = arith.constant 0 : i32
      %dma_wait3A_27 = tpu.memref_slice %arg2[%mul3A_2, %dma_wait3A_25, %dma_wait3A_26] : memref<1280x125x16xf32, #tpu.memory_space<hbm>> -> memref<40x125x16xf32, #tpu.memory_space<hbm>>
      %dma_wait3A_28 = arith.constant 0 : i32
      %dma_wait3A_29 = arith.constant 0 : i32
      %dma_wait3A_30 = tpu.memref_slice %arg2[%mul3A_2, %dma_wait3A_28, %dma_wait3A_29] : memref<1280x125x16xf32, #tpu.memory_space<hbm>> -> memref<40x125x16xf32, #tpu.memory_space<hbm>>
      tpu.wait_dma2 semaphore(%run_scoped3A : memref<!tpu.dma_semaphore, #tpu.memory_space<semaphore_mem>>) src(%dma_wait3A_30 : memref<40x125x16xf32, #tpu.memory_space<hbm>>) dst(%arg7 : memref<40x125x16xf32, #tpu.memory_space<vmem>>)
      tpu.yield
    }) : () -> ()
    %eq3A = arith.constant 0 : i32
    %eq3A_3 = arith.cmpi eq, %arg1, %eq3A : i32
    %convert_element_type3A = arith.extui %eq3A_3 : i1 to i32
    %cond3A = arith.constant 0 : i32
    %cond3A_4 = arith.cmpi ne, %convert_element_type3A, %cond3A : i32
    scf.if %cond3A_4 {
      "tpu.region"() ({
        %run_scoped3A = tpu.sem_alloc : memref<!tpu.dma_semaphore, #tpu.memory_space<semaphore_mem>>
        tpu.enqueue_dma source(%arg4 : memref<10240x16xf32, #tpu.memory_space<hbm>>) target(%arg8 : memref<10240x16xf32, #tpu.memory_space<vmem_shared>>) target_semaphore(%run_scoped3A : memref<!tpu.dma_semaphore, #tpu.memory_space<semaphore_mem>>)
        tpu.wait_dma2 semaphore(%run_scoped3A : memref<!tpu.dma_semaphore, #tpu.memory_space<semaphore_mem>>) src(%arg4 : memref<10240x16xf32, #tpu.memory_space<hbm>>) dst(%arg8 : memref<10240x16xf32, #tpu.memory_space<vmem_shared>>)
        tpu.yield
      }) : () -> ()
    } else {
    }
    %barrier3A = arith.constant 0 : index
    tpu.barrier barrier_id(%barrier3A)
    %scan3A = arith.constant 0 : i32
    %scan3A_5 = arith.constant 0 : i32
    %scan3A_6 = arith.constant 40 : i32
    %scan3A_7 = arith.addi %scan3A_5, %scan3A_6 : i32
    %scan3A_8 = arith.constant 1 : i32
    scf.for %scan3A_20 = %scan3A_5 to %scan3A_7 step %scan3A_8  : i32 {
      %dma_start3A = arith.constant 0 : i32
      %dma_start3A_21 = arith.constant 0 : i32
      %dma_start3A_22 = tpu.memref_slice %arg7[%scan3A_20, %dma_start3A, %dma_start3A_21] : memref<40x125x16xf32, #tpu.memory_space<vmem>> -> memref<1x125x16xf32, #tpu.memory_space<vmem>>
      %dma_start3A_23 = tpu.memref_squeeze %dma_start3A_22 : memref<1x125x16xf32, #tpu.memory_space<vmem>> -> memref<125x16xf32, #tpu.memory_space<vmem>>
      %dma_start3A_24 = arith.constant 0 : i32
      %dma_start3A_25 = tpu.memref_slice %arg6[%scan3A_20, %dma_start3A_24] : memref<40x125xi32, #tpu.memory_space<vmem>> -> memref<1x125xi32, #tpu.memory_space<vmem>>
      %dma_start3A_26 = tpu.memref_squeeze %dma_start3A_25 : memref<1x125xi32, #tpu.memory_space<vmem>> -> memref<125xi32, #tpu.memory_space<vmem>>
      %dma_start3A_27 = arith.constant 0 : i32
      %dma_start3A_28 = arith.constant 0 : i32
      %dma_start3A_29 = tpu.memref_slice %arg8[%dma_start3A_27, %dma_start3A_28] : memref<10240x16xf32, #tpu.memory_space<vmem_shared>> -> memref<10240x16xf32, #tpu.memory_space<vmem_shared>>
      tpu.enqueue_indirect_dma source(%dma_start3A_23 : memref<125x16xf32, #tpu.memory_space<vmem>>) target(%dma_start3A_29 : memref<10240x16xf32, #tpu.memory_space<vmem_shared>>) offsets(%dma_start3A_26 : memref<125xi32, #tpu.memory_space<vmem>>) semaphore(%arg9 : memref<!tpu.dma_semaphore, #tpu.memory_space<semaphore_mem>>) {add = true}
    }
    %scan3A_9 = arith.constant 40 : i32
    %dma_wait3A = arith.constant 0 : i32
    %dma_wait3A_10 = arith.constant 0 : i32
    %dma_wait3A_11 = tpu.memref_slice %arg2[%mul3A_2, %dma_wait3A, %dma_wait3A_10] : memref<1280x125x16xf32, #tpu.memory_space<hbm>> -> memref<40x125x16xf32, #tpu.memory_space<hbm>>
    %dma_wait3A_12 = arith.constant 0 : i32
    %dma_wait3A_13 = arith.constant 0 : i32
    %dma_wait3A_14 = tpu.memref_slice %arg2[%mul3A_2, %dma_wait3A_12, %dma_wait3A_13] : memref<1280x125x16xf32, #tpu.memory_space<hbm>> -> memref<40x125x16xf32, #tpu.memory_space<hbm>>
    tpu.wait_dma2 semaphore(%arg9 : memref<!tpu.dma_semaphore, #tpu.memory_space<semaphore_mem>>) src(%dma_wait3A_14 : memref<40x125x16xf32, #tpu.memory_space<hbm>>) dst(%arg7 : memref<40x125x16xf32, #tpu.memory_space<vmem>>)
    %barrier3A_15 = arith.constant 0 : index
    tpu.barrier barrier_id(%barrier3A_15)
    %mul3A_16 = arith.constant 640 : i32
    %mul3A_17 = arith.muli %arg1, %mul3A_16 : i32
    %mul3A_18 = arith.constant 640 : i32
    %mul3A_19 = arith.muli %arg1, %mul3A_18 : i32
    "tpu.region"() ({
      %run_scoped3A = tpu.sem_alloc : memref<!tpu.dma_semaphore, #tpu.memory_space<semaphore_mem>>
      %dma_start3A = arith.constant 0 : i32
      %dma_start3A_20 = tpu.memref_slice %arg5[%arg0, %mul3A_19, %dma_start3A] : memref<2x10240x16xf32, #tpu.memory_space<hbm>> -> memref<1x640x16xf32, #tpu.memory_space<hbm>>
      %dma_start3A_21 = tpu.memref_squeeze %dma_start3A_20 : memref<1x640x16xf32, #tpu.memory_space<hbm>> -> memref<640x16xf32, #tpu.memory_space<hbm>>
      %dma_start3A_22 = arith.constant 0 : i32
      %dma_start3A_23 = tpu.memref_slice %arg8[%mul3A_17, %dma_start3A_22] : memref<10240x16xf32, #tpu.memory_space<vmem_shared>> -> memref<640x16xf32, #tpu.memory_space<vmem_shared>>
      tpu.enqueue_dma source(%dma_start3A_23 : memref<640x16xf32, #tpu.memory_space<vmem_shared>>) target(%dma_start3A_21 : memref<640x16xf32, #tpu.memory_space<hbm>>) target_semaphore(%run_scoped3A : memref<!tpu.dma_semaphore, #tpu.memory_space<semaphore_mem>>)
      %dma_wait3A_24 = arith.constant 0 : i32
      %dma_wait3A_25 = tpu.memref_slice %arg5[%arg0, %mul3A_19, %dma_wait3A_24] : memref<2x10240x16xf32, #tpu.memory_space<hbm>> -> memref<1x640x16xf32, #tpu.memory_space<hbm>>
      %dma_wait3A_26 = tpu.memref_squeeze %dma_wait3A_25 : memref<1x640x16xf32, #tpu.memory_space<hbm>> -> memref<640x16xf32, #tpu.memory_space<hbm>>
      %dma_wait3A_27 = arith.constant 0 : i32
      %dma_wait3A_28 = tpu.memref_slice %arg8[%mul3A_17, %dma_wait3A_27] : memref<10240x16xf32, #tpu.memory_space<vmem_shared>> -> memref<640x16xf32, #tpu.memory_space<vmem_shared>>
      tpu.wait_dma2 semaphore(%run_scoped3A : memref<!tpu.dma_semaphore, #tpu.memory_space<semaphore_mem>>) src(%dma_wait3A_28 : memref<640x16xf32, #tpu.memory_space<vmem_shared>>) dst(%dma_wait3A_26 : memref<640x16xf32, #tpu.memory_space<hbm>>)
      tpu.yield
    }) : () -> ()
    return
  }
}

#map = affine_map<(d0, d1) -> (0, 0)>
#map1 = affine_map<(d0, d1) -> (0, 0, 0)>
module attributes {stable_mosaic.version = 14 : i64} {
  func.func @_sc_gather_body(%arg0: i32, %arg1: i32, %arg2: memref<10000x16xf32, #tpu.memory_space<hbm>>, %arg3: memref<1280x125xi32, #tpu.memory_space<hbm>>, %arg4: memref<1280x125x16xf32, #tpu.memory_space<hbm>>, %arg5: memref<40x125xi32, #tpu.memory_space<vmem>>, %arg6: memref<40x125x16xf32, #tpu.memory_space<vmem>>, %arg7: memref<!tpu.dma_semaphore, #tpu.memory_space<semaphore_mem>>) attributes {dimension_semantics = [#tpu.dimension_semantics<core_parallel>, #tpu.dimension_semantics<subcore_parallel>], iteration_bounds = array<i64: 2, 16>, scalar_prefetch = 0 : i64, scratch_operands = 3 : i64, tpu.core_type = #tpu.core_type<sc_vector_subcore>, window_params = [{transform_indices = #map}, {transform_indices = #map}, {transform_indices = #map1}]} {
    %mul3A = arith.constant 16 : i32
    %mul3A_0 = arith.muli %arg0, %mul3A : i32
    %add3A = arith.addi %mul3A_0, %arg1 : i32
    %mul3A_1 = arith.constant 40 : i32
    %mul3A_2 = arith.muli %add3A, %mul3A_1 : i32
    "tpu.region"() ({
      %run_scoped3A = tpu.sem_alloc : memref<!tpu.dma_semaphore, #tpu.memory_space<semaphore_mem>>
      %dma_start3A = arith.constant 0 : i32
      %dma_start3A_13 = tpu.memref_slice %arg3[%mul3A_2, %dma_start3A] : memref<1280x125xi32, #tpu.memory_space<hbm>> -> memref<40x125xi32, #tpu.memory_space<hbm>>
      %dma_start3A_14 = arith.constant 0 : i32
      %dma_start3A_15 = tpu.memref_slice %arg3[%mul3A_2, %dma_start3A_14] : memref<1280x125xi32, #tpu.memory_space<hbm>> -> memref<40x125xi32, #tpu.memory_space<hbm>>
      tpu.enqueue_dma source(%dma_start3A_15 : memref<40x125xi32, #tpu.memory_space<hbm>>) target(%arg5 : memref<40x125xi32, #tpu.memory_space<vmem>>) target_semaphore(%run_scoped3A : memref<!tpu.dma_semaphore, #tpu.memory_space<semaphore_mem>>)
      %dma_wait3A_16 = arith.constant 0 : i32
      %dma_wait3A_17 = tpu.memref_slice %arg3[%mul3A_2, %dma_wait3A_16] : memref<1280x125xi32, #tpu.memory_space<hbm>> -> memref<40x125xi32, #tpu.memory_space<hbm>>
      %dma_wait3A_18 = arith.constant 0 : i32
      %dma_wait3A_19 = tpu.memref_slice %arg3[%mul3A_2, %dma_wait3A_18] : memref<1280x125xi32, #tpu.memory_space<hbm>> -> memref<40x125xi32, #tpu.memory_space<hbm>>
      tpu.wait_dma2 semaphore(%run_scoped3A : memref<!tpu.dma_semaphore, #tpu.memory_space<semaphore_mem>>) src(%dma_wait3A_19 : memref<40x125xi32, #tpu.memory_space<hbm>>) dst(%arg5 : memref<40x125xi32, #tpu.memory_space<vmem>>)
      tpu.yield
    }) : () -> ()
    %scan3A = arith.constant 0 : i32
    %scan3A_3 = arith.constant 0 : i32
    %scan3A_4 = arith.constant 40 : i32
    %scan3A_5 = arith.addi %scan3A_3, %scan3A_4 : i32
    %scan3A_6 = arith.constant 1 : i32
    scf.for %scan3A_13 = %scan3A_3 to %scan3A_5 step %scan3A_6  : i32 {
      %dma_start3A = arith.constant 0 : i32
      %dma_start3A_14 = arith.constant 0 : i32
      %dma_start3A_15 = tpu.memref_slice %arg6[%scan3A_13, %dma_start3A, %dma_start3A_14] : memref<40x125x16xf32, #tpu.memory_space<vmem>> -> memref<1x125x16xf32, #tpu.memory_space<vmem>>
      %dma_start3A_16 = tpu.memref_squeeze %dma_start3A_15 : memref<1x125x16xf32, #tpu.memory_space<vmem>> -> memref<125x16xf32, #tpu.memory_space<vmem>>
      %dma_start3A_17 = arith.constant 0 : i32
      %dma_start3A_18 = tpu.memref_slice %arg5[%scan3A_13, %dma_start3A_17] : memref<40x125xi32, #tpu.memory_space<vmem>> -> memref<1x125xi32, #tpu.memory_space<vmem>>
      %dma_start3A_19 = tpu.memref_squeeze %dma_start3A_18 : memref<1x125xi32, #tpu.memory_space<vmem>> -> memref<125xi32, #tpu.memory_space<vmem>>
      %dma_start3A_20 = arith.constant 0 : i32
      %dma_start3A_21 = arith.constant 0 : i32
      %dma_start3A_22 = tpu.memref_slice %arg2[%dma_start3A_20, %dma_start3A_21] : memref<10000x16xf32, #tpu.memory_space<hbm>> -> memref<10000x16xf32, #tpu.memory_space<hbm>>
      tpu.enqueue_indirect_dma source(%dma_start3A_22 : memref<10000x16xf32, #tpu.memory_space<hbm>>) target(%dma_start3A_16 : memref<125x16xf32, #tpu.memory_space<vmem>>) offsets(%dma_start3A_19 : memref<125xi32, #tpu.memory_space<vmem>>) semaphore(%arg7 : memref<!tpu.dma_semaphore, #tpu.memory_space<semaphore_mem>>)
    }
    %scan3A_7 = arith.constant 40 : i32
    %dma_wait3A = arith.constant 0 : i32
    %dma_wait3A_8 = arith.constant 0 : i32
    %dma_wait3A_9 = tpu.memref_slice %arg4[%mul3A_2, %dma_wait3A, %dma_wait3A_8] : memref<1280x125x16xf32, #tpu.memory_space<hbm>> -> memref<40x125x16xf32, #tpu.memory_space<hbm>>
    %dma_wait3A_10 = arith.constant 0 : i32
    %dma_wait3A_11 = arith.constant 0 : i32
    %dma_wait3A_12 = tpu.memref_slice %arg4[%mul3A_2, %dma_wait3A_10, %dma_wait3A_11] : memref<1280x125x16xf32, #tpu.memory_space<hbm>> -> memref<40x125x16xf32, #tpu.memory_space<hbm>>
    tpu.wait_dma2 semaphore(%arg7 : memref<!tpu.dma_semaphore, #tpu.memory_space<semaphore_mem>>) src(%dma_wait3A_12 : memref<40x125x16xf32, #tpu.memory_space<hbm>>) dst(%arg6 : memref<40x125x16xf32, #tpu.memory_space<vmem>>)
    "tpu.region"() ({
      %run_scoped3A = tpu.sem_alloc : memref<!tpu.dma_semaphore, #tpu.memory_space<semaphore_mem>>
      %dma_start3A = arith.constant 0 : i32
      %dma_start3A_13 = arith.constant 0 : i32
      %dma_start3A_14 = tpu.memref_slice %arg4[%mul3A_2, %dma_start3A, %dma_start3A_13] : memref<1280x125x16xf32, #tpu.memory_space<hbm>> -> memref<40x125x16xf32, #tpu.memory_space<hbm>>
      %dma_start3A_15 = arith.constant 0 : i32
      %dma_start3A_16 = arith.constant 0 : i32
      %dma_start3A_17 = tpu.memref_slice %arg4[%mul3A_2, %dma_start3A_15, %dma_start3A_16] : memref<1280x125x16xf32, #tpu.memory_space<hbm>> -> memref<40x125x16xf32, #tpu.memory_space<hbm>>
      tpu.enqueue_dma source(%arg6 : memref<40x125x16xf32, #tpu.memory_space<vmem>>) target(%dma_start3A_17 : memref<40x125x16xf32, #tpu.memory_space<hbm>>) target_semaphore(%run_scoped3A : memref<!tpu.dma_semaphore, #tpu.memory_space<semaphore_mem>>)
      %dma_wait3A_18 = arith.constant 0 : i32
      %dma_wait3A_19 = arith.constant 0 : i32
      %dma_wait3A_20 = tpu.memref_slice %arg4[%mul3A_2, %dma_wait3A_18, %dma_wait3A_19] : memref<1280x125x16xf32, #tpu.memory_space<hbm>> -> memref<40x125x16xf32, #tpu.memory_space<hbm>>
      %dma_wait3A_21 = arith.constant 0 : i32
      %dma_wait3A_22 = arith.constant 0 : i32
      %dma_wait3A_23 = tpu.memref_slice %arg4[%mul3A_2, %dma_wait3A_21, %dma_wait3A_22] : memref<1280x125x16xf32, #tpu.memory_space<hbm>> -> memref<40x125x16xf32, #tpu.memory_space<hbm>>
      tpu.wait_dma2 semaphore(%run_scoped3A : memref<!tpu.dma_semaphore, #tpu.memory_space<semaphore_mem>>) src(%arg6 : memref<40x125x16xf32, #tpu.memory_space<vmem>>) dst(%dma_wait3A_23 : memref<40x125x16xf32, #tpu.memory_space<hbm>>)
      tpu.yield
    }) : () -> ()
    return
  }
}

#map = affine_map<(d0, d1) -> (0, 0, 0)>
#map1 = affine_map<(d0, d1) -> (0, 0)>
module attributes {stable_mosaic.version = 14 : i64} {
  func.func @_sc_scatter_body(%arg0: i32, %arg1: i32, %arg2: memref<1280x125x16xf32, #tpu.memory_space<hbm>>, %arg3: memref<1280x125xi32, #tpu.memory_space<hbm>>, %arg4: memref<10240x16xf32, #tpu.memory_space<hbm>>, %arg5: memref<2x10240x16xf32, #tpu.memory_space<hbm>>, %arg6: memref<40x125xi32, #tpu.memory_space<vmem>>, %arg7: memref<40x125x16xf32, #tpu.memory_space<vmem>>, %arg8: memref<10240x16xf32, #tpu.memory_space<vmem_shared>>, %arg9: memref<!tpu.dma_semaphore, #tpu.memory_space<semaphore_mem>>) attributes {dimension_semantics = [#tpu.dimension_semantics<core_parallel>, #tpu.dimension_semantics<subcore_parallel>], iteration_bounds = array<i64: 2, 16>, scalar_prefetch = 0 : i64, scratch_operands = 4 : i64, tpu.core_type = #tpu.core_type<sc_vector_subcore>, window_params = [{transform_indices = #map}, {transform_indices = #map1}, {transform_indices = #map1}, {transform_indices = #map}]} {
    %mul3A = arith.constant 16 : i32
    %mul3A_0 = arith.muli %arg0, %mul3A : i32
    %add3A = arith.addi %mul3A_0, %arg1 : i32
    %mul3A_1 = arith.constant 40 : i32
    %mul3A_2 = arith.muli %add3A, %mul3A_1 : i32
    "tpu.region"() ({
      %run_scoped3A = tpu.sem_alloc : memref<!tpu.dma_semaphore, #tpu.memory_space<semaphore_mem>>
      %dma_start3A = arith.constant 0 : i32
      %dma_start3A_20 = tpu.memref_slice %arg3[%mul3A_2, %dma_start3A] : memref<1280x125xi32, #tpu.memory_space<hbm>> -> memref<40x125xi32, #tpu.memory_space<hbm>>
      %dma_start3A_21 = arith.constant 0 : i32
      %dma_start3A_22 = tpu.memref_slice %arg3[%mul3A_2, %dma_start3A_21] : memref<1280x125xi32, #tpu.memory_space<hbm>> -> memref<40x125xi32, #tpu.memory_space<hbm>>
      tpu.enqueue_dma source(%dma_start3A_22 : memref<40x125xi32, #tpu.memory_space<hbm>>) target(%arg6 : memref<40x125xi32, #tpu.memory_space<vmem>>) target_semaphore(%run_scoped3A : memref<!tpu.dma_semaphore, #tpu.memory_space<semaphore_mem>>)
      %dma_wait3A_23 = arith.constant 0 : i32
      %dma_wait3A_24 = tpu.memref_slice %arg3[%mul3A_2, %dma_wait3A_23] : memref<1280x125xi32, #tpu.memory_space<hbm>> -> memref<40x125xi32, #tpu.memory_space<hbm>>
      %dma_wait3A_25 = arith.constant 0 : i32
      %dma_wait3A_26 = tpu.memref_slice %arg3[%mul3A_2, %dma_wait3A_25] : memref<1280x125xi32, #tpu.memory_space<hbm>> -> memref<40x125xi32, #tpu.memory_space<hbm>>
      tpu.wait_dma2 semaphore(%run_scoped3A : memref<!tpu.dma_semaphore, #tpu.memory_space<semaphore_mem>>) src(%dma_wait3A_26 : memref<40x125xi32, #tpu.memory_space<hbm>>) dst(%arg6 : memref<40x125xi32, #tpu.memory_space<vmem>>)
      tpu.yield
    }) : () -> ()
    "tpu.region"() ({
      %run_scoped3A = tpu.sem_alloc : memref<!tpu.dma_semaphore, #tpu.memory_space<semaphore_mem>>
      %dma_start3A = arith.constant 0 : i32
      %dma_start3A_20 = arith.constant 0 : i32
      %dma_start3A_21 = tpu.memref_slice %arg2[%mul3A_2, %dma_start3A, %dma_start3A_20] : memref<1280x125x16xf32, #tpu.memory_space<hbm>> -> memref<40x125x16xf32, #tpu.memory_space<hbm>>
      %dma_start3A_22 = arith.constant 0 : i32
      %dma_start3A_23 = arith.constant 0 : i32
      %dma_start3A_24 = tpu.memref_slice %arg2[%mul3A_2, %dma_start3A_22, %dma_start3A_23] : memref<1280x125x16xf32, #tpu.memory_space<hbm>> -> memref<40x125x16xf32, #tpu.memory_space<hbm>>
      tpu.enqueue_dma source(%dma_start3A_24 : memref<40x125x16xf32, #tpu.memory_space<hbm>>) target(%arg7 : memref<40x125x16xf32, #tpu.memory_space<vmem>>) target_semaphore(%run_scoped3A : memref<!tpu.dma_semaphore, #tpu.memory_space<semaphore_mem>>)
      %dma_wait3A_25 = arith.constant 0 : i32
      %dma_wait3A_26 = arith.constant 0 : i32
      %dma_wait3A_27 = tpu.memref_slice %arg2[%mul3A_2, %dma_wait3A_25, %dma_wait3A_26] : memref<1280x125x16xf32, #tpu.memory_space<hbm>> -> memref<40x125x16xf32, #tpu.memory_space<hbm>>
      %dma_wait3A_28 = arith.constant 0 : i32
      %dma_wait3A_29 = arith.constant 0 : i32
      %dma_wait3A_30 = tpu.memref_slice %arg2[%mul3A_2, %dma_wait3A_28, %dma_wait3A_29] : memref<1280x125x16xf32, #tpu.memory_space<hbm>> -> memref<40x125x16xf32, #tpu.memory_space<hbm>>
      tpu.wait_dma2 semaphore(%run_scoped3A : memref<!tpu.dma_semaphore, #tpu.memory_space<semaphore_mem>>) src(%dma_wait3A_30 : memref<40x125x16xf32, #tpu.memory_space<hbm>>) dst(%arg7 : memref<40x125x16xf32, #tpu.memory_space<vmem>>)
      tpu.yield
    }) : () -> ()
    %eq3A = arith.constant 0 : i32
    %eq3A_3 = arith.cmpi eq, %arg1, %eq3A : i32
    %convert_element_type3A = arith.extui %eq3A_3 : i1 to i32
    %cond3A = arith.constant 0 : i32
    %cond3A_4 = arith.cmpi ne, %convert_element_type3A, %cond3A : i32
    scf.if %cond3A_4 {
      "tpu.region"() ({
        %run_scoped3A = tpu.sem_alloc : memref<!tpu.dma_semaphore, #tpu.memory_space<semaphore_mem>>
        tpu.enqueue_dma source(%arg4 : memref<10240x16xf32, #tpu.memory_space<hbm>>) target(%arg8 : memref<10240x16xf32, #tpu.memory_space<vmem_shared>>) target_semaphore(%run_scoped3A : memref<!tpu.dma_semaphore, #tpu.memory_space<semaphore_mem>>)
        tpu.wait_dma2 semaphore(%run_scoped3A : memref<!tpu.dma_semaphore, #tpu.memory_space<semaphore_mem>>) src(%arg4 : memref<10240x16xf32, #tpu.memory_space<hbm>>) dst(%arg8 : memref<10240x16xf32, #tpu.memory_space<vmem_shared>>)
        tpu.yield
      }) : () -> ()
    } else {
    }
    %barrier3A = arith.constant 0 : index
    tpu.barrier barrier_id(%barrier3A)
    %scan3A = arith.constant 0 : i32
    %scan3A_5 = arith.constant 0 : i32
    %scan3A_6 = arith.constant 40 : i32
    %scan3A_7 = arith.addi %scan3A_5, %scan3A_6 : i32
    %scan3A_8 = arith.constant 1 : i32
    scf.for %scan3A_20 = %scan3A_5 to %scan3A_7 step %scan3A_8  : i32 {
      %dma_start3A = arith.constant 0 : i32
      %dma_start3A_21 = arith.constant 0 : i32
      %dma_start3A_22 = tpu.memref_slice %arg7[%scan3A_20, %dma_start3A, %dma_start3A_21] : memref<40x125x16xf32, #tpu.memory_space<vmem>> -> memref<1x125x16xf32, #tpu.memory_space<vmem>>
      %dma_start3A_23 = tpu.memref_squeeze %dma_start3A_22 : memref<1x125x16xf32, #tpu.memory_space<vmem>> -> memref<125x16xf32, #tpu.memory_space<vmem>>
      %dma_start3A_24 = arith.constant 0 : i32
      %dma_start3A_25 = tpu.memref_slice %arg6[%scan3A_20, %dma_start3A_24] : memref<40x125xi32, #tpu.memory_space<vmem>> -> memref<1x125xi32, #tpu.memory_space<vmem>>
      %dma_start3A_26 = tpu.memref_squeeze %dma_start3A_25 : memref<1x125xi32, #tpu.memory_space<vmem>> -> memref<125xi32, #tpu.memory_space<vmem>>
      %dma_start3A_27 = arith.constant 0 : i32
      %dma_start3A_28 = arith.constant 0 : i32
      %dma_start3A_29 = tpu.memref_slice %arg8[%dma_start3A_27, %dma_start3A_28] : memref<10240x16xf32, #tpu.memory_space<vmem_shared>> -> memref<10240x16xf32, #tpu.memory_space<vmem_shared>>
      tpu.enqueue_indirect_dma source(%dma_start3A_23 : memref<125x16xf32, #tpu.memory_space<vmem>>) target(%dma_start3A_29 : memref<10240x16xf32, #tpu.memory_space<vmem_shared>>) offsets(%dma_start3A_26 : memref<125xi32, #tpu.memory_space<vmem>>) semaphore(%arg9 : memref<!tpu.dma_semaphore, #tpu.memory_space<semaphore_mem>>) {add = true}
    }
    %scan3A_9 = arith.constant 40 : i32
    %dma_wait3A = arith.constant 0 : i32
    %dma_wait3A_10 = arith.constant 0 : i32
    %dma_wait3A_11 = tpu.memref_slice %arg2[%mul3A_2, %dma_wait3A, %dma_wait3A_10] : memref<1280x125x16xf32, #tpu.memory_space<hbm>> -> memref<40x125x16xf32, #tpu.memory_space<hbm>>
    %dma_wait3A_12 = arith.constant 0 : i32
    %dma_wait3A_13 = arith.constant 0 : i32
    %dma_wait3A_14 = tpu.memref_slice %arg2[%mul3A_2, %dma_wait3A_12, %dma_wait3A_13] : memref<1280x125x16xf32, #tpu.memory_space<hbm>> -> memref<40x125x16xf32, #tpu.memory_space<hbm>>
    tpu.wait_dma2 semaphore(%arg9 : memref<!tpu.dma_semaphore, #tpu.memory_space<semaphore_mem>>) src(%dma_wait3A_14 : memref<40x125x16xf32, #tpu.memory_space<hbm>>) dst(%arg7 : memref<40x125x16xf32, #tpu.memory_space<vmem>>)
    %barrier3A_15 = arith.constant 0 : index
    tpu.barrier barrier_id(%barrier3A_15)
    %mul3A_16 = arith.constant 640 : i32
    %mul3A_17 = arith.muli %arg1, %mul3A_16 : i32
    %mul3A_18 = arith.constant 640 : i32
    %mul3A_19 = arith.muli %arg1, %mul3A_18 : i32
    "tpu.region"() ({
      %run_scoped3A = tpu.sem_alloc : memref<!tpu.dma_semaphore, #tpu.memory_space<semaphore_mem>>
      %dma_start3A = arith.constant 0 : i32
      %dma_start3A_20 = tpu.memref_slice %arg5[%arg0, %mul3A_19, %dma_start3A] : memref<2x10240x16xf32, #tpu.memory_space<hbm>> -> memref<1x640x16xf32, #tpu.memory_space<hbm>>
      %dma_start3A_21 = tpu.memref_squeeze %dma_start3A_20 : memref<1x640x16xf32, #tpu.memory_space<hbm>> -> memref<640x16xf32, #tpu.memory_space<hbm>>
      %dma_start3A_22 = arith.constant 0 : i32
      %dma_start3A_23 = tpu.memref_slice %arg8[%mul3A_17, %dma_start3A_22] : memref<10240x16xf32, #tpu.memory_space<vmem_shared>> -> memref<640x16xf32, #tpu.memory_space<vmem_shared>>
      tpu.enqueue_dma source(%dma_start3A_23 : memref<640x16xf32, #tpu.memory_space<vmem_shared>>) target(%dma_start3A_21 : memref<640x16xf32, #tpu.memory_space<hbm>>) target_semaphore(%run_scoped3A : memref<!tpu.dma_semaphore, #tpu.memory_space<semaphore_mem>>)
      %dma_wait3A_24 = arith.constant 0 : i32
      %dma_wait3A_25 = tpu.memref_slice %arg5[%arg0, %mul3A_19, %dma_wait3A_24] : memref<2x10240x16xf32, #tpu.memory_space<hbm>> -> memref<1x640x16xf32, #tpu.memory_space<hbm>>
      %dma_wait3A_26 = tpu.memref_squeeze %dma_wait3A_25 : memref<1x640x16xf32, #tpu.memory_space<hbm>> -> memref<640x16xf32, #tpu.memory_space<hbm>>
      %dma_wait3A_27 = arith.constant 0 : i32
      %dma_wait3A_28 = tpu.memref_slice %arg8[%mul3A_17, %dma_wait3A_27] : memref<10240x16xf32, #tpu.memory_space<vmem_shared>> -> memref<640x16xf32, #tpu.memory_space<vmem_shared>>
      tpu.wait_dma2 semaphore(%run_scoped3A : memref<!tpu.dma_semaphore, #tpu.memory_space<semaphore_mem>>) src(%dma_wait3A_28 : memref<640x16xf32, #tpu.memory_space<vmem_shared>>) dst(%dma_wait3A_26 : memref<640x16xf32, #tpu.memory_space<hbm>>)
      tpu.yield
    }) : () -> ()
    return
  }
}

#map = affine_map<(d0, d1) -> (0, 0)>
#map1 = affine_map<(d0, d1) -> (0, 0, 0)>
module attributes {stable_mosaic.version = 14 : i64} {
  func.func @_sc_gather_body(%arg0: i32, %arg1: i32, %arg2: memref<10000x16xf32, #tpu.memory_space<hbm>>, %arg3: memref<1280x125xi32, #tpu.memory_space<hbm>>, %arg4: memref<1280x125x16xf32, #tpu.memory_space<hbm>>, %arg5: memref<40x125xi32, #tpu.memory_space<vmem>>, %arg6: memref<40x125x16xf32, #tpu.memory_space<vmem>>, %arg7: memref<!tpu.dma_semaphore, #tpu.memory_space<semaphore_mem>>) attributes {dimension_semantics = [#tpu.dimension_semantics<core_parallel>, #tpu.dimension_semantics<subcore_parallel>], iteration_bounds = array<i64: 2, 16>, scalar_prefetch = 0 : i64, scratch_operands = 3 : i64, tpu.core_type = #tpu.core_type<sc_vector_subcore>, window_params = [{transform_indices = #map}, {transform_indices = #map}, {transform_indices = #map1}]} {
    %mul3A = arith.constant 16 : i32
    %mul3A_0 = arith.muli %arg0, %mul3A : i32
    %add3A = arith.addi %mul3A_0, %arg1 : i32
    %mul3A_1 = arith.constant 40 : i32
    %mul3A_2 = arith.muli %add3A, %mul3A_1 : i32
    "tpu.region"() ({
      %run_scoped3A = tpu.sem_alloc : memref<!tpu.dma_semaphore, #tpu.memory_space<semaphore_mem>>
      %dma_start3A = arith.constant 0 : i32
      %dma_start3A_13 = tpu.memref_slice %arg3[%mul3A_2, %dma_start3A] : memref<1280x125xi32, #tpu.memory_space<hbm>> -> memref<40x125xi32, #tpu.memory_space<hbm>>
      %dma_start3A_14 = arith.constant 0 : i32
      %dma_start3A_15 = tpu.memref_slice %arg3[%mul3A_2, %dma_start3A_14] : memref<1280x125xi32, #tpu.memory_space<hbm>> -> memref<40x125xi32, #tpu.memory_space<hbm>>
      tpu.enqueue_dma source(%dma_start3A_15 : memref<40x125xi32, #tpu.memory_space<hbm>>) target(%arg5 : memref<40x125xi32, #tpu.memory_space<vmem>>) target_semaphore(%run_scoped3A : memref<!tpu.dma_semaphore, #tpu.memory_space<semaphore_mem>>)
      %dma_wait3A_16 = arith.constant 0 : i32
      %dma_wait3A_17 = tpu.memref_slice %arg3[%mul3A_2, %dma_wait3A_16] : memref<1280x125xi32, #tpu.memory_space<hbm>> -> memref<40x125xi32, #tpu.memory_space<hbm>>
      %dma_wait3A_18 = arith.constant 0 : i32
      %dma_wait3A_19 = tpu.memref_slice %arg3[%mul3A_2, %dma_wait3A_18] : memref<1280x125xi32, #tpu.memory_space<hbm>> -> memref<40x125xi32, #tpu.memory_space<hbm>>
      tpu.wait_dma2 semaphore(%run_scoped3A : memref<!tpu.dma_semaphore, #tpu.memory_space<semaphore_mem>>) src(%dma_wait3A_19 : memref<40x125xi32, #tpu.memory_space<hbm>>) dst(%arg5 : memref<40x125xi32, #tpu.memory_space<vmem>>)
      tpu.yield
    }) : () -> ()
    %scan3A = arith.constant 0 : i32
    %scan3A_3 = arith.constant 0 : i32
    %scan3A_4 = arith.constant 40 : i32
    %scan3A_5 = arith.addi %scan3A_3, %scan3A_4 : i32
    %scan3A_6 = arith.constant 1 : i32
    scf.for %scan3A_13 = %scan3A_3 to %scan3A_5 step %scan3A_6  : i32 {
      %dma_start3A = arith.constant 0 : i32
      %dma_start3A_14 = arith.constant 0 : i32
      %dma_start3A_15 = tpu.memref_slice %arg6[%scan3A_13, %dma_start3A, %dma_start3A_14] : memref<40x125x16xf32, #tpu.memory_space<vmem>> -> memref<1x125x16xf32, #tpu.memory_space<vmem>>
      %dma_start3A_16 = tpu.memref_squeeze %dma_start3A_15 : memref<1x125x16xf32, #tpu.memory_space<vmem>> -> memref<125x16xf32, #tpu.memory_space<vmem>>
      %dma_start3A_17 = arith.constant 0 : i32
      %dma_start3A_18 = tpu.memref_slice %arg5[%scan3A_13, %dma_start3A_17] : memref<40x125xi32, #tpu.memory_space<vmem>> -> memref<1x125xi32, #tpu.memory_space<vmem>>
      %dma_start3A_19 = tpu.memref_squeeze %dma_start3A_18 : memref<1x125xi32, #tpu.memory_space<vmem>> -> memref<125xi32, #tpu.memory_space<vmem>>
      %dma_start3A_20 = arith.constant 0 : i32
      %dma_start3A_21 = arith.constant 0 : i32
      %dma_start3A_22 = tpu.memref_slice %arg2[%dma_start3A_20, %dma_start3A_21] : memref<10000x16xf32, #tpu.memory_space<hbm>> -> memref<10000x16xf32, #tpu.memory_space<hbm>>
      tpu.enqueue_indirect_dma source(%dma_start3A_22 : memref<10000x16xf32, #tpu.memory_space<hbm>>) target(%dma_start3A_16 : memref<125x16xf32, #tpu.memory_space<vmem>>) offsets(%dma_start3A_19 : memref<125xi32, #tpu.memory_space<vmem>>) semaphore(%arg7 : memref<!tpu.dma_semaphore, #tpu.memory_space<semaphore_mem>>)
    }
    %scan3A_7 = arith.constant 40 : i32
    %dma_wait3A = arith.constant 0 : i32
    %dma_wait3A_8 = arith.constant 0 : i32
    %dma_wait3A_9 = tpu.memref_slice %arg4[%mul3A_2, %dma_wait3A, %dma_wait3A_8] : memref<1280x125x16xf32, #tpu.memory_space<hbm>> -> memref<40x125x16xf32, #tpu.memory_space<hbm>>
    %dma_wait3A_10 = arith.constant 0 : i32
    %dma_wait3A_11 = arith.constant 0 : i32
    %dma_wait3A_12 = tpu.memref_slice %arg4[%mul3A_2, %dma_wait3A_10, %dma_wait3A_11] : memref<1280x125x16xf32, #tpu.memory_space<hbm>> -> memref<40x125x16xf32, #tpu.memory_space<hbm>>
    tpu.wait_dma2 semaphore(%arg7 : memref<!tpu.dma_semaphore, #tpu.memory_space<semaphore_mem>>) src(%dma_wait3A_12 : memref<40x125x16xf32, #tpu.memory_space<hbm>>) dst(%arg6 : memref<40x125x16xf32, #tpu.memory_space<vmem>>)
    "tpu.region"() ({
      %run_scoped3A = tpu.sem_alloc : memref<!tpu.dma_semaphore, #tpu.memory_space<semaphore_mem>>
      %dma_start3A = arith.constant 0 : i32
      %dma_start3A_13 = arith.constant 0 : i32
      %dma_start3A_14 = tpu.memref_slice %arg4[%mul3A_2, %dma_start3A, %dma_start3A_13] : memref<1280x125x16xf32, #tpu.memory_space<hbm>> -> memref<40x125x16xf32, #tpu.memory_space<hbm>>
      %dma_start3A_15 = arith.constant 0 : i32
      %dma_start3A_16 = arith.constant 0 : i32
      %dma_start3A_17 = tpu.memref_slice %arg4[%mul3A_2, %dma_start3A_15, %dma_start3A_16] : memref<1280x125x16xf32, #tpu.memory_space<hbm>> -> memref<40x125x16xf32, #tpu.memory_space<hbm>>
      tpu.enqueue_dma source(%arg6 : memref<40x125x16xf32, #tpu.memory_space<vmem>>) target(%dma_start3A_17 : memref<40x125x16xf32, #tpu.memory_space<hbm>>) target_semaphore(%run_scoped3A : memref<!tpu.dma_semaphore, #tpu.memory_space<semaphore_mem>>)
      %dma_wait3A_18 = arith.constant 0 : i32
      %dma_wait3A_19 = arith.constant 0 : i32
      %dma_wait3A_20 = tpu.memref_slice %arg4[%mul3A_2, %dma_wait3A_18, %dma_wait3A_19] : memref<1280x125x16xf32, #tpu.memory_space<hbm>> -> memref<40x125x16xf32, #tpu.memory_space<hbm>>
      %dma_wait3A_21 = arith.constant 0 : i32
      %dma_wait3A_22 = arith.constant 0 : i32
      %dma_wait3A_23 = tpu.memref_slice %arg4[%mul3A_2, %dma_wait3A_21, %dma_wait3A_22] : memref<1280x125x16xf32, #tpu.memory_space<hbm>> -> memref<40x125x16xf32, #tpu.memory_space<hbm>>
      tpu.wait_dma2 semaphore(%run_scoped3A : memref<!tpu.dma_semaphore, #tpu.memory_space<semaphore_mem>>) src(%arg6 : memref<40x125x16xf32, #tpu.memory_space<vmem>>) dst(%dma_wait3A_23 : memref<40x125x16xf32, #tpu.memory_space<hbm>>)
      tpu.yield
    }) : () -> ()
    return
  }
}

#map = affine_map<(d0, d1) -> (0, 0, 0)>
#map1 = affine_map<(d0, d1) -> (0, 0)>
module attributes {stable_mosaic.version = 14 : i64} {
  func.func @_sc_scatter_body(%arg0: i32, %arg1: i32, %arg2: memref<1280x125x16xf32, #tpu.memory_space<hbm>>, %arg3: memref<1280x125xi32, #tpu.memory_space<hbm>>, %arg4: memref<10240x16xf32, #tpu.memory_space<hbm>>, %arg5: memref<2x10240x16xf32, #tpu.memory_space<hbm>>, %arg6: memref<40x125xi32, #tpu.memory_space<vmem>>, %arg7: memref<40x125x16xf32, #tpu.memory_space<vmem>>, %arg8: memref<10240x16xf32, #tpu.memory_space<vmem_shared>>, %arg9: memref<!tpu.dma_semaphore, #tpu.memory_space<semaphore_mem>>) attributes {dimension_semantics = [#tpu.dimension_semantics<core_parallel>, #tpu.dimension_semantics<subcore_parallel>], iteration_bounds = array<i64: 2, 16>, scalar_prefetch = 0 : i64, scratch_operands = 4 : i64, tpu.core_type = #tpu.core_type<sc_vector_subcore>, window_params = [{transform_indices = #map}, {transform_indices = #map1}, {transform_indices = #map1}, {transform_indices = #map}]} {
    %mul3A = arith.constant 16 : i32
    %mul3A_0 = arith.muli %arg0, %mul3A : i32
    %add3A = arith.addi %mul3A_0, %arg1 : i32
    %mul3A_1 = arith.constant 40 : i32
    %mul3A_2 = arith.muli %add3A, %mul3A_1 : i32
    "tpu.region"() ({
      %run_scoped3A = tpu.sem_alloc : memref<!tpu.dma_semaphore, #tpu.memory_space<semaphore_mem>>
      %dma_start3A = arith.constant 0 : i32
      %dma_start3A_20 = tpu.memref_slice %arg3[%mul3A_2, %dma_start3A] : memref<1280x125xi32, #tpu.memory_space<hbm>> -> memref<40x125xi32, #tpu.memory_space<hbm>>
      %dma_start3A_21 = arith.constant 0 : i32
      %dma_start3A_22 = tpu.memref_slice %arg3[%mul3A_2, %dma_start3A_21] : memref<1280x125xi32, #tpu.memory_space<hbm>> -> memref<40x125xi32, #tpu.memory_space<hbm>>
      tpu.enqueue_dma source(%dma_start3A_22 : memref<40x125xi32, #tpu.memory_space<hbm>>) target(%arg6 : memref<40x125xi32, #tpu.memory_space<vmem>>) target_semaphore(%run_scoped3A : memref<!tpu.dma_semaphore, #tpu.memory_space<semaphore_mem>>)
      %dma_wait3A_23 = arith.constant 0 : i32
      %dma_wait3A_24 = tpu.memref_slice %arg3[%mul3A_2, %dma_wait3A_23] : memref<1280x125xi32, #tpu.memory_space<hbm>> -> memref<40x125xi32, #tpu.memory_space<hbm>>
      %dma_wait3A_25 = arith.constant 0 : i32
      %dma_wait3A_26 = tpu.memref_slice %arg3[%mul3A_2, %dma_wait3A_25] : memref<1280x125xi32, #tpu.memory_space<hbm>> -> memref<40x125xi32, #tpu.memory_space<hbm>>
      tpu.wait_dma2 semaphore(%run_scoped3A : memref<!tpu.dma_semaphore, #tpu.memory_space<semaphore_mem>>) src(%dma_wait3A_26 : memref<40x125xi32, #tpu.memory_space<hbm>>) dst(%arg6 : memref<40x125xi32, #tpu.memory_space<vmem>>)
      tpu.yield
    }) : () -> ()
    "tpu.region"() ({
      %run_scoped3A = tpu.sem_alloc : memref<!tpu.dma_semaphore, #tpu.memory_space<semaphore_mem>>
      %dma_start3A = arith.constant 0 : i32
      %dma_start3A_20 = arith.constant 0 : i32
      %dma_start3A_21 = tpu.memref_slice %arg2[%mul3A_2, %dma_start3A, %dma_start3A_20] : memref<1280x125x16xf32, #tpu.memory_space<hbm>> -> memref<40x125x16xf32, #tpu.memory_space<hbm>>
      %dma_start3A_22 = arith.constant 0 : i32
      %dma_start3A_23 = arith.constant 0 : i32
      %dma_start3A_24 = tpu.memref_slice %arg2[%mul3A_2, %dma_start3A_22, %dma_start3A_23] : memref<1280x125x16xf32, #tpu.memory_space<hbm>> -> memref<40x125x16xf32, #tpu.memory_space<hbm>>
      tpu.enqueue_dma source(%dma_start3A_24 : memref<40x125x16xf32, #tpu.memory_space<hbm>>) target(%arg7 : memref<40x125x16xf32, #tpu.memory_space<vmem>>) target_semaphore(%run_scoped3A : memref<!tpu.dma_semaphore, #tpu.memory_space<semaphore_mem>>)
      %dma_wait3A_25 = arith.constant 0 : i32
      %dma_wait3A_26 = arith.constant 0 : i32
      %dma_wait3A_27 = tpu.memref_slice %arg2[%mul3A_2, %dma_wait3A_25, %dma_wait3A_26] : memref<1280x125x16xf32, #tpu.memory_space<hbm>> -> memref<40x125x16xf32, #tpu.memory_space<hbm>>
      %dma_wait3A_28 = arith.constant 0 : i32
      %dma_wait3A_29 = arith.constant 0 : i32
      %dma_wait3A_30 = tpu.memref_slice %arg2[%mul3A_2, %dma_wait3A_28, %dma_wait3A_29] : memref<1280x125x16xf32, #tpu.memory_space<hbm>> -> memref<40x125x16xf32, #tpu.memory_space<hbm>>
      tpu.wait_dma2 semaphore(%run_scoped3A : memref<!tpu.dma_semaphore, #tpu.memory_space<semaphore_mem>>) src(%dma_wait3A_30 : memref<40x125x16xf32, #tpu.memory_space<hbm>>) dst(%arg7 : memref<40x125x16xf32, #tpu.memory_space<vmem>>)
      tpu.yield
    }) : () -> ()
    %eq3A = arith.constant 0 : i32
    %eq3A_3 = arith.cmpi eq, %arg1, %eq3A : i32
    %convert_element_type3A = arith.extui %eq3A_3 : i1 to i32
    %cond3A = arith.constant 0 : i32
    %cond3A_4 = arith.cmpi ne, %convert_element_type3A, %cond3A : i32
    scf.if %cond3A_4 {
      "tpu.region"() ({
        %run_scoped3A = tpu.sem_alloc : memref<!tpu.dma_semaphore, #tpu.memory_space<semaphore_mem>>
        tpu.enqueue_dma source(%arg4 : memref<10240x16xf32, #tpu.memory_space<hbm>>) target(%arg8 : memref<10240x16xf32, #tpu.memory_space<vmem_shared>>) target_semaphore(%run_scoped3A : memref<!tpu.dma_semaphore, #tpu.memory_space<semaphore_mem>>)
        tpu.wait_dma2 semaphore(%run_scoped3A : memref<!tpu.dma_semaphore, #tpu.memory_space<semaphore_mem>>) src(%arg4 : memref<10240x16xf32, #tpu.memory_space<hbm>>) dst(%arg8 : memref<10240x16xf32, #tpu.memory_space<vmem_shared>>)
        tpu.yield
      }) : () -> ()
    } else {
    }
    %barrier3A = arith.constant 0 : index
    tpu.barrier barrier_id(%barrier3A)
    %scan3A = arith.constant 0 : i32
    %scan3A_5 = arith.constant 0 : i32
    %scan3A_6 = arith.constant 40 : i32
    %scan3A_7 = arith.addi %scan3A_5, %scan3A_6 : i32
    %scan3A_8 = arith.constant 1 : i32
    scf.for %scan3A_20 = %scan3A_5 to %scan3A_7 step %scan3A_8  : i32 {
      %dma_start3A = arith.constant 0 : i32
      %dma_start3A_21 = arith.constant 0 : i32
      %dma_start3A_22 = tpu.memref_slice %arg7[%scan3A_20, %dma_start3A, %dma_start3A_21] : memref<40x125x16xf32, #tpu.memory_space<vmem>> -> memref<1x125x16xf32, #tpu.memory_space<vmem>>
      %dma_start3A_23 = tpu.memref_squeeze %dma_start3A_22 : memref<1x125x16xf32, #tpu.memory_space<vmem>> -> memref<125x16xf32, #tpu.memory_space<vmem>>
      %dma_start3A_24 = arith.constant 0 : i32
      %dma_start3A_25 = tpu.memref_slice %arg6[%scan3A_20, %dma_start3A_24] : memref<40x125xi32, #tpu.memory_space<vmem>> -> memref<1x125xi32, #tpu.memory_space<vmem>>
      %dma_start3A_26 = tpu.memref_squeeze %dma_start3A_25 : memref<1x125xi32, #tpu.memory_space<vmem>> -> memref<125xi32, #tpu.memory_space<vmem>>
      %dma_start3A_27 = arith.constant 0 : i32
      %dma_start3A_28 = arith.constant 0 : i32
      %dma_start3A_29 = tpu.memref_slice %arg8[%dma_start3A_27, %dma_start3A_28] : memref<10240x16xf32, #tpu.memory_space<vmem_shared>> -> memref<10240x16xf32, #tpu.memory_space<vmem_shared>>
      tpu.enqueue_indirect_dma source(%dma_start3A_23 : memref<125x16xf32, #tpu.memory_space<vmem>>) target(%dma_start3A_29 : memref<10240x16xf32, #tpu.memory_space<vmem_shared>>) offsets(%dma_start3A_26 : memref<125xi32, #tpu.memory_space<vmem>>) semaphore(%arg9 : memref<!tpu.dma_semaphore, #tpu.memory_space<semaphore_mem>>) {add = true}
    }
    %scan3A_9 = arith.constant 40 : i32
    %dma_wait3A = arith.constant 0 : i32
    %dma_wait3A_10 = arith.constant 0 : i32
    %dma_wait3A_11 = tpu.memref_slice %arg2[%mul3A_2, %dma_wait3A, %dma_wait3A_10] : memref<1280x125x16xf32, #tpu.memory_space<hbm>> -> memref<40x125x16xf32, #tpu.memory_space<hbm>>
    %dma_wait3A_12 = arith.constant 0 : i32
    %dma_wait3A_13 = arith.constant 0 : i32
    %dma_wait3A_14 = tpu.memref_slice %arg2[%mul3A_2, %dma_wait3A_12, %dma_wait3A_13] : memref<1280x125x16xf32, #tpu.memory_space<hbm>> -> memref<40x125x16xf32, #tpu.memory_space<hbm>>
    tpu.wait_dma2 semaphore(%arg9 : memref<!tpu.dma_semaphore, #tpu.memory_space<semaphore_mem>>) src(%dma_wait3A_14 : memref<40x125x16xf32, #tpu.memory_space<hbm>>) dst(%arg7 : memref<40x125x16xf32, #tpu.memory_space<vmem>>)
    %barrier3A_15 = arith.constant 0 : index
    tpu.barrier barrier_id(%barrier3A_15)
    %mul3A_16 = arith.constant 640 : i32
    %mul3A_17 = arith.muli %arg1, %mul3A_16 : i32
    %mul3A_18 = arith.constant 640 : i32
    %mul3A_19 = arith.muli %arg1, %mul3A_18 : i32
    "tpu.region"() ({
      %run_scoped3A = tpu.sem_alloc : memref<!tpu.dma_semaphore, #tpu.memory_space<semaphore_mem>>
      %dma_start3A = arith.constant 0 : i32
      %dma_start3A_20 = tpu.memref_slice %arg5[%arg0, %mul3A_19, %dma_start3A] : memref<2x10240x16xf32, #tpu.memory_space<hbm>> -> memref<1x640x16xf32, #tpu.memory_space<hbm>>
      %dma_start3A_21 = tpu.memref_squeeze %dma_start3A_20 : memref<1x640x16xf32, #tpu.memory_space<hbm>> -> memref<640x16xf32, #tpu.memory_space<hbm>>
      %dma_start3A_22 = arith.constant 0 : i32
      %dma_start3A_23 = tpu.memref_slice %arg8[%mul3A_17, %dma_start3A_22] : memref<10240x16xf32, #tpu.memory_space<vmem_shared>> -> memref<640x16xf32, #tpu.memory_space<vmem_shared>>
      tpu.enqueue_dma source(%dma_start3A_23 : memref<640x16xf32, #tpu.memory_space<vmem_shared>>) target(%dma_start3A_21 : memref<640x16xf32, #tpu.memory_space<hbm>>) target_semaphore(%run_scoped3A : memref<!tpu.dma_semaphore, #tpu.memory_space<semaphore_mem>>)
      %dma_wait3A_24 = arith.constant 0 : i32
      %dma_wait3A_25 = tpu.memref_slice %arg5[%arg0, %mul3A_19, %dma_wait3A_24] : memref<2x10240x16xf32, #tpu.memory_space<hbm>> -> memref<1x640x16xf32, #tpu.memory_space<hbm>>
      %dma_wait3A_26 = tpu.memref_squeeze %dma_wait3A_25 : memref<1x640x16xf32, #tpu.memory_space<hbm>> -> memref<640x16xf32, #tpu.memory_space<hbm>>
      %dma_wait3A_27 = arith.constant 0 : i32
      %dma_wait3A_28 = tpu.memref_slice %arg8[%mul3A_17, %dma_wait3A_27] : memref<10240x16xf32, #tpu.memory_space<vmem_shared>> -> memref<640x16xf32, #tpu.memory_space<vmem_shared>>
      tpu.wait_dma2 semaphore(%run_scoped3A : memref<!tpu.dma_semaphore, #tpu.memory_space<semaphore_mem>>) src(%dma_wait3A_28 : memref<640x16xf32, #tpu.memory_space<vmem_shared>>) dst(%dma_wait3A_26 : memref<640x16xf32, #tpu.memory_space<hbm>>)
      tpu.yield
    }) : () -> ()
    return
  }
}

module attributes {stable_mosaic.version = 14 : i64} {
  func.func @_proj_body(%arg0: memref<10000x128xf32, #tpu.memory_space<vmem>>, %arg1: memref<128x16xf32, #tpu.memory_space<vmem>>, %arg2: memref<1x16xf32, #tpu.memory_space<vmem>>, %arg3: memref<10000x16xf32, #tpu.memory_space<vmem>>) attributes {dimension_semantics = [], scalar_prefetch = 0 : i64, scratch_operands = 0 : i64, tpu.core_type = #tpu.core_type<tc>} {
    %get3A = arith.constant 0 : index
    %get3A_0 = arith.constant 0 : index
    %get3A_1 = vector.load %arg0[%get3A, %get3A_0] : memref<10000x128xf32, #tpu.memory_space<vmem>>, vector<10000x128xf32>
    %get3A_2 = arith.constant 0 : index
    %get3A_3 = arith.constant 0 : index
    %get3A_4 = vector.load %arg1[%get3A_2, %get3A_3] : memref<128x16xf32, #tpu.memory_space<vmem>>, vector<128x16xf32>
    %dot_general3A = arith.constant dense<0.000000e+00> : vector<10000x16xf32>
    %dot_general3A_5 = tpu.matmul %get3A_1, %get3A_4, %dot_general3A {dimension_numbers = #tpu.dot_dimension_numbers<[1], [0], [0], [1], [0, 0, 1, 1], [], []>, transpose_lhs_hint = false} : vector<10000x128xf32>, vector<128x16xf32>, vector<10000x16xf32> -> vector<10000x16xf32>
    %get3A_6 = arith.constant 0 : index
    %get3A_7 = arith.constant 0 : index
    %get3A_8 = vector.load %arg2[%get3A_6, %get3A_7] : memref<1x16xf32, #tpu.memory_space<vmem>>, vector<1x16xf32>
    %add3A = vector.broadcast %get3A_8 : vector<1x16xf32> to vector<10000x16xf32>
    %add3A_9 = arith.addf %dot_general3A_5, %add3A : vector<10000x16xf32>
    %max3A = arith.constant 0.000000e+00 : f32
    %max3A_10 = vector.broadcast %max3A : f32 to vector<10000x16xf32>
    %max3A_11 = arith.maximumf %add3A_9, %max3A_10 : vector<10000x16xf32>
    %swap3A = arith.constant 0 : index
    %swap3A_12 = arith.constant 0 : index
    %swap3A_13 = vector.load %arg3[%swap3A, %swap3A_12] : memref<10000x16xf32, #tpu.memory_space<vmem>>, vector<10000x16xf32>
    tpu.vector_store %arg3[%swap3A, %swap3A_12], %max3A_11 {strides = array<i32>} : memref<10000x16xf32, #tpu.memory_space<vmem>>, vector<10000x16xf32>,
    return
  }
}

module attributes {stable_mosaic.version = 14 : i64} {
  func.func @_msg_body(%arg0: i32, %arg1: memref<2000x128xf32, #tpu.memory_space<vmem>>, %arg2: memref<2000x128xf32, #tpu.memory_space<vmem>>, %arg3: memref<128x2048xbf16, #tpu.memory_space<vmem>>, %arg4: memref<128x2048xbf16, #tpu.memory_space<vmem>>, %arg5: memref<2048x128xbf16, #tpu.memory_space<vmem>>, %arg6: memref<128x128xf32, #tpu.memory_space<vmem>>, %arg7: memref<2000x128xf32, #tpu.memory_space<vmem>>) attributes {dimension_semantics = [#tpu.dimension_semantics<arbitrary>], iteration_bounds = array<i64: 10>, scalar_prefetch = 0 : i64, scratch_operands = 0 : i64, tpu.core_type = #tpu.core_type<tc>, window_params = [{transform_indices = @transform_0, window_bounds = array<i64: 2000, 128>}, {transform_indices = @transform_1, window_bounds = array<i64: 2000, 128>}, {pipeline_mode = #tpu.pipeline_mode<synchronous>, transform_indices = @transform_2, window_bounds = array<i64: 128, 2048>}, {pipeline_mode = #tpu.pipeline_mode<synchronous>, transform_indices = @transform_3, window_bounds = array<i64: 128, 2048>}, {pipeline_mode = #tpu.pipeline_mode<synchronous>, transform_indices = @transform_4, window_bounds = array<i64: 2048, 128>}, {pipeline_mode = #tpu.pipeline_mode<synchronous>, transform_indices = @transform_5, window_bounds = array<i64: 128, 128>}, {transform_indices = @transform_6, window_bounds = array<i64: 2000, 128>}]} {
    %get3A = arith.constant 0 : index
    %get3A_0 = arith.constant 0 : index
    %get3A_1 = vector.load %arg1[%get3A, %get3A_0] : memref<2000x128xf32, #tpu.memory_space<vmem>>, vector<2000x128xf32>
    %get3A_2 = arith.constant 0 : index
    %get3A_3 = arith.constant 0 : index
    %get3A_4 = vector.load %arg2[%get3A_2, %get3A_3] : memref<2000x128xf32, #tpu.memory_space<vmem>>, vector<2000x128xf32>
    %convert_element_type3A = arith.truncf %get3A_1 : vector<2000x128xf32> to vector<2000x128xbf16>
    %convert_element_type3A_5 = arith.truncf %get3A_4 : vector<2000x128xf32> to vector<2000x128xbf16>
    %get3A_6 = arith.constant 0 : index
    %get3A_7 = arith.constant 0 : index
    %get3A_8 = vector.load %arg3[%get3A_6, %get3A_7] : memref<128x2048xbf16, #tpu.memory_space<vmem>>, vector<128x2048xbf16>
    %dot_general3A = arith.constant dense<0.000000e+00> : vector<2000x2048xf32>
    %dot_general3A_9 = tpu.matmul %convert_element_type3A_5, %get3A_8, %dot_general3A {dimension_numbers = #tpu.dot_dimension_numbers<[1], [0], [0], [1], [0, 0, 1, 1], [], []>, transpose_lhs_hint = false} : vector<2000x128xbf16>, vector<128x2048xbf16>, vector<2000x2048xf32> -> vector<2000x2048xf32>
    %get3A_10 = arith.constant 0 : index
    %get3A_11 = arith.constant 0 : index
    %get3A_12 = vector.load %arg4[%get3A_10, %get3A_11] : memref<128x2048xbf16, #tpu.memory_space<vmem>>, vector<128x2048xbf16>
    %dot_general3A_13 = arith.constant dense<0.000000e+00> : vector<2000x2048xf32>
    %dot_general3A_14 = tpu.matmul %convert_element_type3A, %get3A_12, %dot_general3A_13 {dimension_numbers = #tpu.dot_dimension_numbers<[1], [0], [0], [1], [0, 0, 1, 1], [], []>, transpose_lhs_hint = false} : vector<2000x128xbf16>, vector<128x2048xbf16>, vector<2000x2048xf32> -> vector<2000x2048xf32>
    %mul3A = arith.mulf %dot_general3A_9, %dot_general3A_14 : vector<2000x2048xf32>
    %convert_element_type3A_15 = arith.truncf %mul3A : vector<2000x2048xf32> to vector<2000x2048xbf16>
    %get3A_16 = arith.constant 0 : index
    %get3A_17 = arith.constant 0 : index
    %get3A_18 = vector.load %arg5[%get3A_16, %get3A_17] : memref<2048x128xbf16, #tpu.memory_space<vmem>>, vector<2048x128xbf16>
    %dot_general3A_19 = arith.constant dense<0.000000e+00> : vector<2000x128xf32>
    %dot_general3A_20 = tpu.matmul %convert_element_type3A_15, %get3A_18, %dot_general3A_19 {dimension_numbers = #tpu.dot_dimension_numbers<[1], [0], [0], [1], [0, 0, 1, 1], [], []>, transpose_lhs_hint = false} : vector<2000x2048xbf16>, vector<2048x128xbf16>, vector<2000x128xf32> -> vector<2000x128xf32>
    %get3A_21 = arith.constant 0 : index
    %get3A_22 = arith.constant 0 : index
    %get3A_23 = vector.load %arg6[%get3A_21, %get3A_22] : memref<128x128xf32, #tpu.memory_space<vmem>>, vector<128x128xf32>
    %dot_general3A_24 = arith.constant dense<0.000000e+00> : vector<2000x128xf32>
    %dot_general3A_25 = tpu.matmul %get3A_1, %get3A_23, %dot_general3A_24 {dimension_numbers = #tpu.dot_dimension_numbers<[1], [0], [0], [1], [0, 0, 1, 1], [], []>, transpose_lhs_hint = false} : vector<2000x128xf32>, vector<128x128xf32>, vector<2000x128xf32> -> vector<2000x128xf32>
    %add3A = arith.addf %dot_general3A_20, %dot_general3A_25 : vector<2000x128xf32>
    %swap3A = arith.constant 0 : index
    %swap3A_26 = arith.constant 0 : index
    %swap3A_27 = vector.load %arg7[%swap3A, %swap3A_26] : memref<2000x128xf32, #tpu.memory_space<vmem>>, vector<2000x128xf32>
    tpu.vector_store %arg7[%swap3A, %swap3A_26], %add3A {strides = array<i32>} : memref<2000x128xf32, #tpu.memory_space<vmem>>, vector<2000x128xf32>,
    return
  }
  func.func @transform_0(%arg0: i32) -> (i32, i32) {
    %c0_i32 = arith.constant 0 : i32
    %c0_i32_0 = arith.constant 0 : i32
    return %arg0, %c0_i32 : i32, i32
  }
  func.func @transform_1(%arg0: i32) -> (i32, i32) {
    %c0_i32 = arith.constant 0 : i32
    %c0_i32_0 = arith.constant 0 : i32
    return %arg0, %c0_i32 : i32, i32
  }
  func.func @transform_2(%arg0: i32) -> (i32, i32) {
    %c0_i32 = arith.constant 0 : i32
    %c0_i32_0 = arith.constant 0 : i32
    %c0_i32_1 = arith.constant 0 : i32
    return %c0_i32, %c0_i32_0 : i32, i32
  }
  func.func @transform_3(%arg0: i32) -> (i32, i32) {
    %c0_i32 = arith.constant 0 : i32
    %c0_i32_0 = arith.constant 0 : i32
    %c0_i32_1 = arith.constant 0 : i32
    return %c0_i32, %c0_i32_0 : i32, i32
  }
  func.func @transform_4(%arg0: i32) -> (i32, i32) {
    %c0_i32 = arith.constant 0 : i32
    %c0_i32_0 = arith.constant 0 : i32
    %c0_i32_1 = arith.constant 0 : i32
    return %c0_i32, %c0_i32_0 : i32, i32
  }
  func.func @transform_5(%arg0: i32) -> (i32, i32) {
    %c0_i32 = arith.constant 0 : i32
    %c0_i32_0 = arith.constant 0 : i32
    %c0_i32_1 = arith.constant 0 : i32
    return %c0_i32, %c0_i32_0 : i32, i32
  }
  func.func @transform_6(%arg0: i32) -> (i32, i32) {
    %c0_i32 = arith.constant 0 : i32
    %c0_i32_0 = arith.constant 0 : i32
    return %arg0, %c0_i32 : i32, i32
  }
}

module attributes {stable_mosaic.version = 14 : i64} {
  func.func @_gru_body(%arg0: memref<2x1280x128xf32, #tpu.memory_space<vmem>>, %arg1: memref<1250x128xf32, #tpu.memory_space<vmem>>, %arg2: memref<16x48xf32, #tpu.memory_space<vmem>>, %arg3: memref<16x48xf32, #tpu.memory_space<vmem>>, %arg4: memref<1x48xf32, #tpu.memory_space<vmem>>, %arg5: memref<1x48xf32, #tpu.memory_space<vmem>>, %arg6: memref<1x16xf32, #tpu.memory_space<vmem>>, %arg7: memref<1250x128xf32, #tpu.memory_space<vmem>>) attributes {dimension_semantics = [], scalar_prefetch = 0 : i64, scratch_operands = 0 : i64, tpu.core_type = #tpu.core_type<tc>} {
    %get3A = arith.constant 0 : index
    %get3A_0 = arith.constant 0 : index
    %get3A_1 = arith.constant 0 : index
    %get3A_2 = vector.load %arg0[%get3A, %get3A_0, %get3A_1] : memref<2x1280x128xf32, #tpu.memory_space<vmem>>, vector<1x1250x16xf32>
    %get3A_3 = vector.shape_cast %get3A_2 : vector<1x1250x16xf32> to vector<1250x16xf32>
    %get3A_4 = arith.constant 1 : index
    %get3A_5 = arith.constant 0 : index
    %get3A_6 = arith.constant 0 : index
    %get3A_7 = vector.load %arg0[%get3A_4, %get3A_5, %get3A_6] : memref<2x1280x128xf32, #tpu.memory_space<vmem>>, vector<1x1250x16xf32>
    %get3A_8 = vector.shape_cast %get3A_7 : vector<1x1250x16xf32> to vector<1250x16xf32>
    %add3A = arith.addf %get3A_3, %get3A_8 : vector<1250x16xf32>
    %get3A_9 = arith.constant 0 : index
    %get3A_10 = arith.constant 0 : index
    %get3A_11 = vector.load %arg1[%get3A_9, %get3A_10] : memref<1250x128xf32, #tpu.memory_space<vmem>>, vector<1250x16xf32>
    %get3A_12 = arith.constant 0 : index
    %get3A_13 = arith.constant 0 : index
    %get3A_14 = vector.load %arg2[%get3A_12, %get3A_13] : memref<16x48xf32, #tpu.memory_space<vmem>>, vector<16x48xf32>
    %get3A_15 = arith.constant 0 : index
    %get3A_16 = arith.constant 0 : index
    %get3A_17 = vector.load %arg3[%get3A_15, %get3A_16] : memref<16x48xf32, #tpu.memory_space<vmem>>, vector<16x48xf32>
    %get3A_18 = arith.constant 0 : index
    %get3A_19 = arith.constant 0 : index
    %get3A_20 = vector.load %arg4[%get3A_18, %get3A_19] : memref<1x48xf32, #tpu.memory_space<vmem>>, vector<1x48xf32>
    %get3A_21 = arith.constant 0 : index
    %get3A_22 = arith.constant 0 : index
    %get3A_23 = vector.load %arg5[%get3A_21, %get3A_22] : memref<1x48xf32, #tpu.memory_space<vmem>>, vector<1x48xf32>
    %get3A_24 = arith.constant 0 : index
    %get3A_25 = arith.constant 0 : index
    %get3A_26 = vector.load %arg6[%get3A_24, %get3A_25] : memref<1x16xf32, #tpu.memory_space<vmem>>, vector<1x16xf32>
    %add3A_27 = vector.broadcast %get3A_26 : vector<1x16xf32> to vector<1250x16xf32>
    %add3A_28 = arith.addf %add3A, %add3A_27 : vector<1250x16xf32>
    %max3A = arith.constant 0.000000e+00 : f32
    %max3A_29 = vector.broadcast %max3A : f32 to vector<1250x16xf32>
    %max3A_30 = arith.maximumf %add3A_28, %max3A_29 : vector<1250x16xf32>
    %dot_general3A = arith.constant dense<0.000000e+00> : vector<1250x48xf32>
    %dot_general3A_31 = tpu.matmul %max3A_30, %get3A_14, %dot_general3A {dimension_numbers = #tpu.dot_dimension_numbers<[1], [0], [0], [1], [0, 0, 1, 1], [], []>, transpose_lhs_hint = false} : vector<1250x16xf32>, vector<16x48xf32>, vector<1250x48xf32> -> vector<1250x48xf32>
    %add3A_32 = vector.broadcast %get3A_20 : vector<1x48xf32> to vector<1250x48xf32>
    %add3A_33 = arith.addf %dot_general3A_31, %add3A_32 : vector<1250x48xf32>
    %dot_general3A_34 = arith.constant dense<0.000000e+00> : vector<1250x48xf32>
    %dot_general3A_35 = tpu.matmul %get3A_11, %get3A_17, %dot_general3A_34 {dimension_numbers = #tpu.dot_dimension_numbers<[1], [0], [0], [1], [0, 0, 1, 1], [], []>, transpose_lhs_hint = false} : vector<1250x16xf32>, vector<16x48xf32>, vector<1250x48xf32> -> vector<1250x48xf32>
    %add3A_36 = vector.broadcast %get3A_23 : vector<1x48xf32> to vector<1250x48xf32>
    %add3A_37 = arith.addf %dot_general3A_35, %add3A_36 : vector<1250x48xf32>
    %slice3A = vector.extract_strided_slice %add3A_33 {offsets = [0, 0], sizes = [1250, 16], strides = [1, 1]} : vector<1250x48xf32> to vector<1250x16xf32>
    %slice3A_38 = vector.extract_strided_slice %add3A_37 {offsets = [0, 0], sizes = [1250, 16], strides = [1, 1]} : vector<1250x48xf32> to vector<1250x16xf32>
    %add3A_39 = arith.addf %slice3A, %slice3A_38 : vector<1250x16xf32>
    %logistic3A = arith.negf %add3A_39 : vector<1250x16xf32>
    %logistic3A_40 = math.exp %logistic3A : vector<1250x16xf32>
    %logistic3A_41 = arith.constant 1.000000e+00 : f32
    %logistic3A_42 = vector.broadcast %logistic3A_41 : f32 to vector<1250x16xf32>
    %logistic3A_43 = arith.addf %logistic3A_42, %logistic3A_40 : vector<1250x16xf32>
    %logistic3A_44 = arith.divf %logistic3A_42, %logistic3A_43 : vector<1250x16xf32>
    %slice3A_45 = vector.extract_strided_slice %add3A_33 {offsets = [0, 16], sizes = [1250, 16], strides = [1, 1]} : vector<1250x48xf32> to vector<1250x16xf32>
    %slice3A_46 = vector.extract_strided_slice %add3A_37 {offsets = [0, 16], sizes = [1250, 16], strides = [1, 1]} : vector<1250x48xf32> to vector<1250x16xf32>
    %add3A_47 = arith.addf %slice3A_45, %slice3A_46 : vector<1250x16xf32>
    %logistic3A_48 = arith.negf %add3A_47 : vector<1250x16xf32>
    %logistic3A_49 = math.exp %logistic3A_48 : vector<1250x16xf32>
    %logistic3A_50 = arith.constant 1.000000e+00 : f32
    %logistic3A_51 = vector.broadcast %logistic3A_50 : f32 to vector<1250x16xf32>
    %logistic3A_52 = arith.addf %logistic3A_51, %logistic3A_49 : vector<1250x16xf32>
    %logistic3A_53 = arith.divf %logistic3A_51, %logistic3A_52 : vector<1250x16xf32>
    %slice3A_54 = vector.extract_strided_slice %add3A_33 {offsets = [0, 32], sizes = [1250, 16], strides = [1, 1]} : vector<1250x48xf32> to vector<1250x16xf32>
    %slice3A_55 = vector.extract_strided_slice %add3A_37 {offsets = [0, 32], sizes = [1250, 16], strides = [1, 1]} : vector<1250x48xf32> to vector<1250x16xf32>
    %mul3A = arith.mulf %logistic3A_44, %slice3A_55 : vector<1250x16xf32>
    %add3A_56 = arith.addf %slice3A_54, %mul3A : vector<1250x16xf32>
    %tanh3A = math.tanh %add3A_56 : vector<1250x16xf32>
    %sub3A = arith.constant 1.000000e+00 : f32
    %sub3A_57 = vector.broadcast %sub3A : f32 to vector<1250x16xf32>
    %sub3A_58 = arith.subf %sub3A_57, %logistic3A_53 : vector<1250x16xf32>
    %mul3A_59 = arith.mulf %sub3A_58, %tanh3A : vector<1250x16xf32>
    %mul3A_60 = arith.mulf %logistic3A_53, %get3A_11 : vector<1250x16xf32>
    %add3A_61 = arith.addf %mul3A_59, %mul3A_60 : vector<1250x16xf32>
    %get3A_62 = arith.constant 0 : index
    %get3A_63 = arith.constant 0 : index
    %get3A_64 = arith.constant 16 : index
    %get3A_65 = vector.load %arg0[%get3A_62, %get3A_63, %get3A_64] : memref<2x1280x128xf32, #tpu.memory_space<vmem>>, vector<1x1250x16xf32>
    %get3A_66 = vector.shape_cast %get3A_65 : vector<1x1250x16xf32> to vector<1250x16xf32>
    %get3A_67 = arith.constant 1 : index
    %get3A_68 = arith.constant 0 : index
    %get3A_69 = arith.constant 16 : index
    %get3A_70 = vector.load %arg0[%get3A_67, %get3A_68, %get3A_69] : memref<2x1280x128xf32, #tpu.memory_space<vmem>>, vector<1x1250x16xf32>
    %get3A_71 = vector.shape_cast %get3A_70 : vector<1x1250x16xf32> to vector<1250x16xf32>
    %add3A_72 = arith.addf %get3A_66, %get3A_71 : vector<1250x16xf32>
    %get3A_73 = arith.constant 0 : index
    %get3A_74 = arith.constant 16 : index
    %get3A_75 = vector.load %arg1[%get3A_73, %get3A_74] : memref<1250x128xf32, #tpu.memory_space<vmem>>, vector<1250x16xf32>
    %get3A_76 = arith.constant 0 : index
    %get3A_77 = arith.constant 0 : index
    %get3A_78 = vector.load %arg2[%get3A_76, %get3A_77] : memref<16x48xf32, #tpu.memory_space<vmem>>, vector<16x48xf32>
    %get3A_79 = arith.constant 0 : index
    %get3A_80 = arith.constant 0 : index
    %get3A_81 = vector.load %arg3[%get3A_79, %get3A_80] : memref<16x48xf32, #tpu.memory_space<vmem>>, vector<16x48xf32>
    %get3A_82 = arith.constant 0 : index
    %get3A_83 = arith.constant 0 : index
    %get3A_84 = vector.load %arg4[%get3A_82, %get3A_83] : memref<1x48xf32, #tpu.memory_space<vmem>>, vector<1x48xf32>
    %get3A_85 = arith.constant 0 : index
    %get3A_86 = arith.constant 0 : index
    %get3A_87 = vector.load %arg5[%get3A_85, %get3A_86] : memref<1x48xf32, #tpu.memory_space<vmem>>, vector<1x48xf32>
    %get3A_88 = arith.constant 0 : index
    %get3A_89 = arith.constant 0 : index
    %get3A_90 = vector.load %arg6[%get3A_88, %get3A_89] : memref<1x16xf32, #tpu.memory_space<vmem>>, vector<1x16xf32>
    %add3A_91 = vector.broadcast %get3A_90 : vector<1x16xf32> to vector<1250x16xf32>
    %add3A_92 = arith.addf %add3A_72, %add3A_91 : vector<1250x16xf32>
    %max3A_93 = arith.constant 0.000000e+00 : f32
    %max3A_94 = vector.broadcast %max3A_93 : f32 to vector<1250x16xf32>
    %max3A_95 = arith.maximumf %add3A_92, %max3A_94 : vector<1250x16xf32>
    %dot_general3A_96 = arith.constant dense<0.000000e+00> : vector<1250x48xf32>
    %dot_general3A_97 = tpu.matmul %max3A_95, %get3A_78, %dot_general3A_96 {dimension_numbers = #tpu.dot_dimension_numbers<[1], [0], [0], [1], [0, 0, 1, 1], [], []>, transpose_lhs_hint = false} : vector<1250x16xf32>, vector<16x48xf32>, vector<1250x48xf32> -> vector<1250x48xf32>
    %add3A_98 = vector.broadcast %get3A_84 : vector<1x48xf32> to vector<1250x48xf32>
    %add3A_99 = arith.addf %dot_general3A_97, %add3A_98 : vector<1250x48xf32>
    %dot_general3A_100 = arith.constant dense<0.000000e+00> : vector<1250x48xf32>
    %dot_general3A_101 = tpu.matmul %get3A_75, %get3A_81, %dot_general3A_100 {dimension_numbers = #tpu.dot_dimension_numbers<[1], [0], [0], [1], [0, 0, 1, 1], [], []>, transpose_lhs_hint = false} : vector<1250x16xf32>, vector<16x48xf32>, vector<1250x48xf32> -> vector<1250x48xf32>
    %add3A_102 = vector.broadcast %get3A_87 : vector<1x48xf32> to vector<1250x48xf32>
    %add3A_103 = arith.addf %dot_general3A_101, %add3A_102 : vector<1250x48xf32>
    %slice3A_104 = vector.extract_strided_slice %add3A_99 {offsets = [0, 0], sizes = [1250, 16], strides = [1, 1]} : vector<1250x48xf32> to vector<1250x16xf32>
    %slice3A_105 = vector.extract_strided_slice %add3A_103 {offsets = [0, 0], sizes = [1250, 16], strides = [1, 1]} : vector<1250x48xf32> to vector<1250x16xf32>
    %add3A_106 = arith.addf %slice3A_104, %slice3A_105 : vector<1250x16xf32>
    %logistic3A_107 = arith.negf %add3A_106 : vector<1250x16xf32>
    %logistic3A_108 = math.exp %logistic3A_107 : vector<1250x16xf32>
    %logistic3A_109 = arith.constant 1.000000e+00 : f32
    %logistic3A_110 = vector.broadcast %logistic3A_109 : f32 to vector<1250x16xf32>
    %logistic3A_111 = arith.addf %logistic3A_110, %logistic3A_108 : vector<1250x16xf32>
    %logistic3A_112 = arith.divf %logistic3A_110, %logistic3A_111 : vector<1250x16xf32>
    %slice3A_113 = vector.extract_strided_slice %add3A_99 {offsets = [0, 16], sizes = [1250, 16], strides = [1, 1]} : vector<1250x48xf32> to vector<1250x16xf32>
    %slice3A_114 = vector.extract_strided_slice %add3A_103 {offsets = [0, 16], sizes = [1250, 16], strides = [1, 1]} : vector<1250x48xf32> to vector<1250x16xf32>
    %add3A_115 = arith.addf %slice3A_113, %slice3A_114 : vector<1250x16xf32>
    %logistic3A_116 = arith.negf %add3A_115 : vector<1250x16xf32>
    %logistic3A_117 = math.exp %logistic3A_116 : vector<1250x16xf32>
    %logistic3A_118 = arith.constant 1.000000e+00 : f32
    %logistic3A_119 = vector.broadcast %logistic3A_118 : f32 to vector<1250x16xf32>
    %logistic3A_120 = arith.addf %logistic3A_119, %logistic3A_117 : vector<1250x16xf32>
    %logistic3A_121 = arith.divf %logistic3A_119, %logistic3A_120 : vector<1250x16xf32>
    %slice3A_122 = vector.extract_strided_slice %add3A_99 {offsets = [0, 32], sizes = [1250, 16], strides = [1, 1]} : vector<1250x48xf32> to vector<1250x16xf32>
    %slice3A_123 = vector.extract_strided_slice %add3A_103 {offsets = [0, 32], sizes = [1250, 16], strides = [1, 1]} : vector<1250x48xf32> to vector<1250x16xf32>
    %mul3A_124 = arith.mulf %logistic3A_112, %slice3A_123 : vector<1250x16xf32>
    %add3A_125 = arith.addf %slice3A_122, %mul3A_124 : vector<1250x16xf32>
    %tanh3A_126 = math.tanh %add3A_125 : vector<1250x16xf32>
    %sub3A_127 = arith.constant 1.000000e+00 : f32
    %sub3A_128 = vector.broadcast %sub3A_127 : f32 to vector<1250x16xf32>
    %sub3A_129 = arith.subf %sub3A_128, %logistic3A_121 : vector<1250x16xf32>
    %mul3A_130 = arith.mulf %sub3A_129, %tanh3A_126 : vector<1250x16xf32>
    %mul3A_131 = arith.mulf %logistic3A_121, %get3A_75 : vector<1250x16xf32>
    %add3A_132 = arith.addf %mul3A_130, %mul3A_131 : vector<1250x16xf32>
    %get3A_133 = arith.constant 0 : index
    %get3A_134 = arith.constant 0 : index
    %get3A_135 = arith.constant 32 : index
    %get3A_136 = vector.load %arg0[%get3A_133, %get3A_134, %get3A_135] : memref<2x1280x128xf32, #tpu.memory_space<vmem>>, vector<1x1250x16xf32>
    %get3A_137 = vector.shape_cast %get3A_136 : vector<1x1250x16xf32> to vector<1250x16xf32>
    %get3A_138 = arith.constant 1 : index
    %get3A_139 = arith.constant 0 : index
    %get3A_140 = arith.constant 32 : index
    %get3A_141 = vector.load %arg0[%get3A_138, %get3A_139, %get3A_140] : memref<2x1280x128xf32, #tpu.memory_space<vmem>>, vector<1x1250x16xf32>
    %get3A_142 = vector.shape_cast %get3A_141 : vector<1x1250x16xf32> to vector<1250x16xf32>
    %add3A_143 = arith.addf %get3A_137, %get3A_142 : vector<1250x16xf32>
    %get3A_144 = arith.constant 0 : index
    %get3A_145 = arith.constant 32 : index
    %get3A_146 = vector.load %arg1[%get3A_144, %get3A_145] : memref<1250x128xf32, #tpu.memory_space<vmem>>, vector<1250x16xf32>
    %get3A_147 = arith.constant 0 : index
    %get3A_148 = arith.constant 0 : index
    %get3A_149 = vector.load %arg2[%get3A_147, %get3A_148] : memref<16x48xf32, #tpu.memory_space<vmem>>, vector<16x48xf32>
    %get3A_150 = arith.constant 0 : index
    %get3A_151 = arith.constant 0 : index
    %get3A_152 = vector.load %arg3[%get3A_150, %get3A_151] : memref<16x48xf32, #tpu.memory_space<vmem>>, vector<16x48xf32>
    %get3A_153 = arith.constant 0 : index
    %get3A_154 = arith.constant 0 : index
    %get3A_155 = vector.load %arg4[%get3A_153, %get3A_154] : memref<1x48xf32, #tpu.memory_space<vmem>>, vector<1x48xf32>
    %get3A_156 = arith.constant 0 : index
    %get3A_157 = arith.constant 0 : index
    %get3A_158 = vector.load %arg5[%get3A_156, %get3A_157] : memref<1x48xf32, #tpu.memory_space<vmem>>, vector<1x48xf32>
    %get3A_159 = arith.constant 0 : index
    %get3A_160 = arith.constant 0 : index
    %get3A_161 = vector.load %arg6[%get3A_159, %get3A_160] : memref<1x16xf32, #tpu.memory_space<vmem>>, vector<1x16xf32>
    %add3A_162 = vector.broadcast %get3A_161 : vector<1x16xf32> to vector<1250x16xf32>
    %add3A_163 = arith.addf %add3A_143, %add3A_162 : vector<1250x16xf32>
    %max3A_164 = arith.constant 0.000000e+00 : f32
    %max3A_165 = vector.broadcast %max3A_164 : f32 to vector<1250x16xf32>
    %max3A_166 = arith.maximumf %add3A_163, %max3A_165 : vector<1250x16xf32>
    %dot_general3A_167 = arith.constant dense<0.000000e+00> : vector<1250x48xf32>
    %dot_general3A_168 = tpu.matmul %max3A_166, %get3A_149, %dot_general3A_167 {dimension_numbers = #tpu.dot_dimension_numbers<[1], [0], [0], [1], [0, 0, 1, 1], [], []>, transpose_lhs_hint = false} : vector<1250x16xf32>, vector<16x48xf32>, vector<1250x48xf32> -> vector<1250x48xf32>
    %add3A_169 = vector.broadcast %get3A_155 : vector<1x48xf32> to vector<1250x48xf32>
    %add3A_170 = arith.addf %dot_general3A_168, %add3A_169 : vector<1250x48xf32>
    %dot_general3A_171 = arith.constant dense<0.000000e+00> : vector<1250x48xf32>
    %dot_general3A_172 = tpu.matmul %get3A_146, %get3A_152, %dot_general3A_171 {dimension_numbers = #tpu.dot_dimension_numbers<[1], [0], [0], [1], [0, 0, 1, 1], [], []>, transpose_lhs_hint = false} : vector<1250x16xf32>, vector<16x48xf32>, vector<1250x48xf32> -> vector<1250x48xf32>
    %add3A_173 = vector.broadcast %get3A_158 : vector<1x48xf32> to vector<1250x48xf32>
    %add3A_174 = arith.addf %dot_general3A_172, %add3A_173 : vector<1250x48xf32>
    %slice3A_175 = vector.extract_strided_slice %add3A_170 {offsets = [0, 0], sizes = [1250, 16], strides = [1, 1]} : vector<1250x48xf32> to vector<1250x16xf32>
    %slice3A_176 = vector.extract_strided_slice %add3A_174 {offsets = [0, 0], sizes = [1250, 16], strides = [1, 1]} : vector<1250x48xf32> to vector<1250x16xf32>
    %add3A_177 = arith.addf %slice3A_175, %slice3A_176 : vector<1250x16xf32>
    %logistic3A_178 = arith.negf %add3A_177 : vector<1250x16xf32>
    %logistic3A_179 = math.exp %logistic3A_178 : vector<1250x16xf32>
    %logistic3A_180 = arith.constant 1.000000e+00 : f32
    %logistic3A_181 = vector.broadcast %logistic3A_180 : f32 to vector<1250x16xf32>
    %logistic3A_182 = arith.addf %logistic3A_181, %logistic3A_179 : vector<1250x16xf32>
    %logistic3A_183 = arith.divf %logistic3A_181, %logistic3A_182 : vector<1250x16xf32>
    %slice3A_184 = vector.extract_strided_slice %add3A_170 {offsets = [0, 16], sizes = [1250, 16], strides = [1, 1]} : vector<1250x48xf32> to vector<1250x16xf32>
    %slice3A_185 = vector.extract_strided_slice %add3A_174 {offsets = [0, 16], sizes = [1250, 16], strides = [1, 1]} : vector<1250x48xf32> to vector<1250x16xf32>
    %add3A_186 = arith.addf %slice3A_184, %slice3A_185 : vector<1250x16xf32>
    %logistic3A_187 = arith.negf %add3A_186 : vector<1250x16xf32>
    %logistic3A_188 = math.exp %logistic3A_187 : vector<1250x16xf32>
    %logistic3A_189 = arith.constant 1.000000e+00 : f32
    %logistic3A_190 = vector.broadcast %logistic3A_189 : f32 to vector<1250x16xf32>
    %logistic3A_191 = arith.addf %logistic3A_190, %logistic3A_188 : vector<1250x16xf32>
    %logistic3A_192 = arith.divf %logistic3A_190, %logistic3A_191 : vector<1250x16xf32>
    %slice3A_193 = vector.extract_strided_slice %add3A_170 {offsets = [0, 32], sizes = [1250, 16], strides = [1, 1]} : vector<1250x48xf32> to vector<1250x16xf32>
    %slice3A_194 = vector.extract_strided_slice %add3A_174 {offsets = [0, 32], sizes = [1250, 16], strides = [1, 1]} : vector<1250x48xf32> to vector<1250x16xf32>
    %mul3A_195 = arith.mulf %logistic3A_183, %slice3A_194 : vector<1250x16xf32>
    %add3A_196 = arith.addf %slice3A_193, %mul3A_195 : vector<1250x16xf32>
    %tanh3A_197 = math.tanh %add3A_196 : vector<1250x16xf32>
    %sub3A_198 = arith.constant 1.000000e+00 : f32
    %sub3A_199 = vector.broadcast %sub3A_198 : f32 to vector<1250x16xf32>
    %sub3A_200 = arith.subf %sub3A_199, %logistic3A_192 : vector<1250x16xf32>
    %mul3A_201 = arith.mulf %sub3A_200, %tanh3A_197 : vector<1250x16xf32>
    %mul3A_202 = arith.mulf %logistic3A_192, %get3A_146 : vector<1250x16xf32>
    %add3A_203 = arith.addf %mul3A_201, %mul3A_202 : vector<1250x16xf32>
    %get3A_204 = arith.constant 0 : index
    %get3A_205 = arith.constant 0 : index
    %get3A_206 = arith.constant 48 : index
    %get3A_207 = vector.load %arg0[%get3A_204, %get3A_205, %get3A_206] : memref<2x1280x128xf32, #tpu.memory_space<vmem>>, vector<1x1250x16xf32>
    %get3A_208 = vector.shape_cast %get3A_207 : vector<1x1250x16xf32> to vector<1250x16xf32>
    %get3A_209 = arith.constant 1 : index
    %get3A_210 = arith.constant 0 : index
    %get3A_211 = arith.constant 48 : index
    %get3A_212 = vector.load %arg0[%get3A_209, %get3A_210, %get3A_211] : memref<2x1280x128xf32, #tpu.memory_space<vmem>>, vector<1x1250x16xf32>
    %get3A_213 = vector.shape_cast %get3A_212 : vector<1x1250x16xf32> to vector<1250x16xf32>
    %add3A_214 = arith.addf %get3A_208, %get3A_213 : vector<1250x16xf32>
    %get3A_215 = arith.constant 0 : index
    %get3A_216 = arith.constant 48 : index
    %get3A_217 = vector.load %arg1[%get3A_215, %get3A_216] : memref<1250x128xf32, #tpu.memory_space<vmem>>, vector<1250x16xf32>
    %get3A_218 = arith.constant 0 : index
    %get3A_219 = arith.constant 0 : index
    %get3A_220 = vector.load %arg2[%get3A_218, %get3A_219] : memref<16x48xf32, #tpu.memory_space<vmem>>, vector<16x48xf32>
    %get3A_221 = arith.constant 0 : index
    %get3A_222 = arith.constant 0 : index
    %get3A_223 = vector.load %arg3[%get3A_221, %get3A_222] : memref<16x48xf32, #tpu.memory_space<vmem>>, vector<16x48xf32>
    %get3A_224 = arith.constant 0 : index
    %get3A_225 = arith.constant 0 : index
    %get3A_226 = vector.load %arg4[%get3A_224, %get3A_225] : memref<1x48xf32, #tpu.memory_space<vmem>>, vector<1x48xf32>
    %get3A_227 = arith.constant 0 : index
    %get3A_228 = arith.constant 0 : index
    %get3A_229 = vector.load %arg5[%get3A_227, %get3A_228] : memref<1x48xf32, #tpu.memory_space<vmem>>, vector<1x48xf32>
    %get3A_230 = arith.constant 0 : index
    %get3A_231 = arith.constant 0 : index
    %get3A_232 = vector.load %arg6[%get3A_230, %get3A_231] : memref<1x16xf32, #tpu.memory_space<vmem>>, vector<1x16xf32>
    %add3A_233 = vector.broadcast %get3A_232 : vector<1x16xf32> to vector<1250x16xf32>
    %add3A_234 = arith.addf %add3A_214, %add3A_233 : vector<1250x16xf32>
    %max3A_235 = arith.constant 0.000000e+00 : f32
    %max3A_236 = vector.broadcast %max3A_235 : f32 to vector<1250x16xf32>
    %max3A_237 = arith.maximumf %add3A_234, %max3A_236 : vector<1250x16xf32>
    %dot_general3A_238 = arith.constant dense<0.000000e+00> : vector<1250x48xf32>
    %dot_general3A_239 = tpu.matmul %max3A_237, %get3A_220, %dot_general3A_238 {dimension_numbers = #tpu.dot_dimension_numbers<[1], [0], [0], [1], [0, 0, 1, 1], [], []>, transpose_lhs_hint = false} : vector<1250x16xf32>, vector<16x48xf32>, vector<1250x48xf32> -> vector<1250x48xf32>
    %add3A_240 = vector.broadcast %get3A_226 : vector<1x48xf32> to vector<1250x48xf32>
    %add3A_241 = arith.addf %dot_general3A_239, %add3A_240 : vector<1250x48xf32>
    %dot_general3A_242 = arith.constant dense<0.000000e+00> : vector<1250x48xf32>
    %dot_general3A_243 = tpu.matmul %get3A_217, %get3A_223, %dot_general3A_242 {dimension_numbers = #tpu.dot_dimension_numbers<[1], [0], [0], [1], [0, 0, 1, 1], [], []>, transpose_lhs_hint = false} : vector<1250x16xf32>, vector<16x48xf32>, vector<1250x48xf32> -> vector<1250x48xf32>
    %add3A_244 = vector.broadcast %get3A_229 : vector<1x48xf32> to vector<1250x48xf32>
    %add3A_245 = arith.addf %dot_general3A_243, %add3A_244 : vector<1250x48xf32>
    %slice3A_246 = vector.extract_strided_slice %add3A_241 {offsets = [0, 0], sizes = [1250, 16], strides = [1, 1]} : vector<1250x48xf32> to vector<1250x16xf32>
    %slice3A_247 = vector.extract_strided_slice %add3A_245 {offsets = [0, 0], sizes = [1250, 16], strides = [1, 1]} : vector<1250x48xf32> to vector<1250x16xf32>
    %add3A_248 = arith.addf %slice3A_246, %slice3A_247 : vector<1250x16xf32>
    %logistic3A_249 = arith.negf %add3A_248 : vector<1250x16xf32>
    %logistic3A_250 = math.exp %logistic3A_249 : vector<1250x16xf32>
    %logistic3A_251 = arith.constant 1.000000e+00 : f32
    %logistic3A_252 = vector.broadcast %logistic3A_251 : f32 to vector<1250x16xf32>
    %logistic3A_253 = arith.addf %logistic3A_252, %logistic3A_250 : vector<1250x16xf32>
    %logistic3A_254 = arith.divf %logistic3A_252, %logistic3A_253 : vector<1250x16xf32>
    %slice3A_255 = vector.extract_strided_slice %add3A_241 {offsets = [0, 16], sizes = [1250, 16], strides = [1, 1]} : vector<1250x48xf32> to vector<1250x16xf32>
    %slice3A_256 = vector.extract_strided_slice %add3A_245 {offsets = [0, 16], sizes = [1250, 16], strides = [1, 1]} : vector<1250x48xf32> to vector<1250x16xf32>
    %add3A_257 = arith.addf %slice3A_255, %slice3A_256 : vector<1250x16xf32>
    %logistic3A_258 = arith.negf %add3A_257 : vector<1250x16xf32>
    %logistic3A_259 = math.exp %logistic3A_258 : vector<1250x16xf32>
    %logistic3A_260 = arith.constant 1.000000e+00 : f32
    %logistic3A_261 = vector.broadcast %logistic3A_260 : f32 to vector<1250x16xf32>
    %logistic3A_262 = arith.addf %logistic3A_261, %logistic3A_259 : vector<1250x16xf32>
    %logistic3A_263 = arith.divf %logistic3A_261, %logistic3A_262 : vector<1250x16xf32>
    %slice3A_264 = vector.extract_strided_slice %add3A_241 {offsets = [0, 32], sizes = [1250, 16], strides = [1, 1]} : vector<1250x48xf32> to vector<1250x16xf32>
    %slice3A_265 = vector.extract_strided_slice %add3A_245 {offsets = [0, 32], sizes = [1250, 16], strides = [1, 1]} : vector<1250x48xf32> to vector<1250x16xf32>
    %mul3A_266 = arith.mulf %logistic3A_254, %slice3A_265 : vector<1250x16xf32>
    %add3A_267 = arith.addf %slice3A_264, %mul3A_266 : vector<1250x16xf32>
    %tanh3A_268 = math.tanh %add3A_267 : vector<1250x16xf32>
    %sub3A_269 = arith.constant 1.000000e+00 : f32
    %sub3A_270 = vector.broadcast %sub3A_269 : f32 to vector<1250x16xf32>
    %sub3A_271 = arith.subf %sub3A_270, %logistic3A_263 : vector<1250x16xf32>
    %mul3A_272 = arith.mulf %sub3A_271, %tanh3A_268 : vector<1250x16xf32>
    %mul3A_273 = arith.mulf %logistic3A_263, %get3A_217 : vector<1250x16xf32>
    %add3A_274 = arith.addf %mul3A_272, %mul3A_273 : vector<1250x16xf32>
    %get3A_275 = arith.constant 0 : index
    %get3A_276 = arith.constant 0 : index
    %get3A_277 = arith.constant 64 : index
    %get3A_278 = vector.load %arg0[%get3A_275, %get3A_276, %get3A_277] : memref<2x1280x128xf32, #tpu.memory_space<vmem>>, vector<1x1250x16xf32>
    %get3A_279 = vector.shape_cast %get3A_278 : vector<1x1250x16xf32> to vector<1250x16xf32>
    %get3A_280 = arith.constant 1 : index
    %get3A_281 = arith.constant 0 : index
    %get3A_282 = arith.constant 64 : index
    %get3A_283 = vector.load %arg0[%get3A_280, %get3A_281, %get3A_282] : memref<2x1280x128xf32, #tpu.memory_space<vmem>>, vector<1x1250x16xf32>
    %get3A_284 = vector.shape_cast %get3A_283 : vector<1x1250x16xf32> to vector<1250x16xf32>
    %add3A_285 = arith.addf %get3A_279, %get3A_284 : vector<1250x16xf32>
    %get3A_286 = arith.constant 0 : index
    %get3A_287 = arith.constant 64 : index
    %get3A_288 = vector.load %arg1[%get3A_286, %get3A_287] : memref<1250x128xf32, #tpu.memory_space<vmem>>, vector<1250x16xf32>
    %get3A_289 = arith.constant 0 : index
    %get3A_290 = arith.constant 0 : index
    %get3A_291 = vector.load %arg2[%get3A_289, %get3A_290] : memref<16x48xf32, #tpu.memory_space<vmem>>, vector<16x48xf32>
    %get3A_292 = arith.constant 0 : index
    %get3A_293 = arith.constant 0 : index
    %get3A_294 = vector.load %arg3[%get3A_292, %get3A_293] : memref<16x48xf32, #tpu.memory_space<vmem>>, vector<16x48xf32>
    %get3A_295 = arith.constant 0 : index
    %get3A_296 = arith.constant 0 : index
    %get3A_297 = vector.load %arg4[%get3A_295, %get3A_296] : memref<1x48xf32, #tpu.memory_space<vmem>>, vector<1x48xf32>
    %get3A_298 = arith.constant 0 : index
    %get3A_299 = arith.constant 0 : index
    %get3A_300 = vector.load %arg5[%get3A_298, %get3A_299] : memref<1x48xf32, #tpu.memory_space<vmem>>, vector<1x48xf32>
    %get3A_301 = arith.constant 0 : index
    %get3A_302 = arith.constant 0 : index
    %get3A_303 = vector.load %arg6[%get3A_301, %get3A_302] : memref<1x16xf32, #tpu.memory_space<vmem>>, vector<1x16xf32>
    %add3A_304 = vector.broadcast %get3A_303 : vector<1x16xf32> to vector<1250x16xf32>
    %add3A_305 = arith.addf %add3A_285, %add3A_304 : vector<1250x16xf32>
    %max3A_306 = arith.constant 0.000000e+00 : f32
    %max3A_307 = vector.broadcast %max3A_306 : f32 to vector<1250x16xf32>
    %max3A_308 = arith.maximumf %add3A_305, %max3A_307 : vector<1250x16xf32>
    %dot_general3A_309 = arith.constant dense<0.000000e+00> : vector<1250x48xf32>
    %dot_general3A_310 = tpu.matmul %max3A_308, %get3A_291, %dot_general3A_309 {dimension_numbers = #tpu.dot_dimension_numbers<[1], [0], [0], [1], [0, 0, 1, 1], [], []>, transpose_lhs_hint = false} : vector<1250x16xf32>, vector<16x48xf32>, vector<1250x48xf32> -> vector<1250x48xf32>
    %add3A_311 = vector.broadcast %get3A_297 : vector<1x48xf32> to vector<1250x48xf32>
    %add3A_312 = arith.addf %dot_general3A_310, %add3A_311 : vector<1250x48xf32>
    %dot_general3A_313 = arith.constant dense<0.000000e+00> : vector<1250x48xf32>
    %dot_general3A_314 = tpu.matmul %get3A_288, %get3A_294, %dot_general3A_313 {dimension_numbers = #tpu.dot_dimension_numbers<[1], [0], [0], [1], [0, 0, 1, 1], [], []>, transpose_lhs_hint = false} : vector<1250x16xf32>, vector<16x48xf32>, vector<1250x48xf32> -> vector<1250x48xf32>
    %add3A_315 = vector.broadcast %get3A_300 : vector<1x48xf32> to vector<1250x48xf32>
    %add3A_316 = arith.addf %dot_general3A_314, %add3A_315 : vector<1250x48xf32>
    %slice3A_317 = vector.extract_strided_slice %add3A_312 {offsets = [0, 0], sizes = [1250, 16], strides = [1, 1]} : vector<1250x48xf32> to vector<1250x16xf32>
    %slice3A_318 = vector.extract_strided_slice %add3A_316 {offsets = [0, 0], sizes = [1250, 16], strides = [1, 1]} : vector<1250x48xf32> to vector<1250x16xf32>
    %add3A_319 = arith.addf %slice3A_317, %slice3A_318 : vector<1250x16xf32>
    %logistic3A_320 = arith.negf %add3A_319 : vector<1250x16xf32>
    %logistic3A_321 = math.exp %logistic3A_320 : vector<1250x16xf32>
    %logistic3A_322 = arith.constant 1.000000e+00 : f32
    %logistic3A_323 = vector.broadcast %logistic3A_322 : f32 to vector<1250x16xf32>
    %logistic3A_324 = arith.addf %logistic3A_323, %logistic3A_321 : vector<1250x16xf32>
    %logistic3A_325 = arith.divf %logistic3A_323, %logistic3A_324 : vector<1250x16xf32>
    %slice3A_326 = vector.extract_strided_slice %add3A_312 {offsets = [0, 16], sizes = [1250, 16], strides = [1, 1]} : vector<1250x48xf32> to vector<1250x16xf32>
    %slice3A_327 = vector.extract_strided_slice %add3A_316 {offsets = [0, 16], sizes = [1250, 16], strides = [1, 1]} : vector<1250x48xf32> to vector<1250x16xf32>
    %add3A_328 = arith.addf %slice3A_326, %slice3A_327 : vector<1250x16xf32>
    %logistic3A_329 = arith.negf %add3A_328 : vector<1250x16xf32>
    %logistic3A_330 = math.exp %logistic3A_329 : vector<1250x16xf32>
    %logistic3A_331 = arith.constant 1.000000e+00 : f32
    %logistic3A_332 = vector.broadcast %logistic3A_331 : f32 to vector<1250x16xf32>
    %logistic3A_333 = arith.addf %logistic3A_332, %logistic3A_330 : vector<1250x16xf32>
    %logistic3A_334 = arith.divf %logistic3A_332, %logistic3A_333 : vector<1250x16xf32>
    %slice3A_335 = vector.extract_strided_slice %add3A_312 {offsets = [0, 32], sizes = [1250, 16], strides = [1, 1]} : vector<1250x48xf32> to vector<1250x16xf32>
    %slice3A_336 = vector.extract_strided_slice %add3A_316 {offsets = [0, 32], sizes = [1250, 16], strides = [1, 1]} : vector<1250x48xf32> to vector<1250x16xf32>
    %mul3A_337 = arith.mulf %logistic3A_325, %slice3A_336 : vector<1250x16xf32>
    %add3A_338 = arith.addf %slice3A_335, %mul3A_337 : vector<1250x16xf32>
    %tanh3A_339 = math.tanh %add3A_338 : vector<1250x16xf32>
    %sub3A_340 = arith.constant 1.000000e+00 : f32
    %sub3A_341 = vector.broadcast %sub3A_340 : f32 to vector<1250x16xf32>
    %sub3A_342 = arith.subf %sub3A_341, %logistic3A_334 : vector<1250x16xf32>
    %mul3A_343 = arith.mulf %sub3A_342, %tanh3A_339 : vector<1250x16xf32>
    %mul3A_344 = arith.mulf %logistic3A_334, %get3A_288 : vector<1250x16xf32>
    %add3A_345 = arith.addf %mul3A_343, %mul3A_344 : vector<1250x16xf32>
    %get3A_346 = arith.constant 0 : index
    %get3A_347 = arith.constant 0 : index
    %get3A_348 = arith.constant 80 : index
    %get3A_349 = vector.load %arg0[%get3A_346, %get3A_347, %get3A_348] : memref<2x1280x128xf32, #tpu.memory_space<vmem>>, vector<1x1250x16xf32>
    %get3A_350 = vector.shape_cast %get3A_349 : vector<1x1250x16xf32> to vector<1250x16xf32>
    %get3A_351 = arith.constant 1 : index
    %get3A_352 = arith.constant 0 : index
    %get3A_353 = arith.constant 80 : index
    %get3A_354 = vector.load %arg0[%get3A_351, %get3A_352, %get3A_353] : memref<2x1280x128xf32, #tpu.memory_space<vmem>>, vector<1x1250x16xf32>
    %get3A_355 = vector.shape_cast %get3A_354 : vector<1x1250x16xf32> to vector<1250x16xf32>
    %add3A_356 = arith.addf %get3A_350, %get3A_355 : vector<1250x16xf32>
    %get3A_357 = arith.constant 0 : index
    %get3A_358 = arith.constant 80 : index
    %get3A_359 = vector.load %arg1[%get3A_357, %get3A_358] : memref<1250x128xf32, #tpu.memory_space<vmem>>, vector<1250x16xf32>
    %get3A_360 = arith.constant 0 : index
    %get3A_361 = arith.constant 0 : index
    %get3A_362 = vector.load %arg2[%get3A_360, %get3A_361] : memref<16x48xf32, #tpu.memory_space<vmem>>, vector<16x48xf32>
    %get3A_363 = arith.constant 0 : index
    %get3A_364 = arith.constant 0 : index
    %get3A_365 = vector.load %arg3[%get3A_363, %get3A_364] : memref<16x48xf32, #tpu.memory_space<vmem>>, vector<16x48xf32>
    %get3A_366 = arith.constant 0 : index
    %get3A_367 = arith.constant 0 : index
    %get3A_368 = vector.load %arg4[%get3A_366, %get3A_367] : memref<1x48xf32, #tpu.memory_space<vmem>>, vector<1x48xf32>
    %get3A_369 = arith.constant 0 : index
    %get3A_370 = arith.constant 0 : index
    %get3A_371 = vector.load %arg5[%get3A_369, %get3A_370] : memref<1x48xf32, #tpu.memory_space<vmem>>, vector<1x48xf32>
    %get3A_372 = arith.constant 0 : index
    %get3A_373 = arith.constant 0 : index
    %get3A_374 = vector.load %arg6[%get3A_372, %get3A_373] : memref<1x16xf32, #tpu.memory_space<vmem>>, vector<1x16xf32>
    %add3A_375 = vector.broadcast %get3A_374 : vector<1x16xf32> to vector<1250x16xf32>
    %add3A_376 = arith.addf %add3A_356, %add3A_375 : vector<1250x16xf32>
    %max3A_377 = arith.constant 0.000000e+00 : f32
    %max3A_378 = vector.broadcast %max3A_377 : f32 to vector<1250x16xf32>
    %max3A_379 = arith.maximumf %add3A_376, %max3A_378 : vector<1250x16xf32>
    %dot_general3A_380 = arith.constant dense<0.000000e+00> : vector<1250x48xf32>
    %dot_general3A_381 = tpu.matmul %max3A_379, %get3A_362, %dot_general3A_380 {dimension_numbers = #tpu.dot_dimension_numbers<[1], [0], [0], [1], [0, 0, 1, 1], [], []>, transpose_lhs_hint = false} : vector<1250x16xf32>, vector<16x48xf32>, vector<1250x48xf32> -> vector<1250x48xf32>
    %add3A_382 = vector.broadcast %get3A_368 : vector<1x48xf32> to vector<1250x48xf32>
    %add3A_383 = arith.addf %dot_general3A_381, %add3A_382 : vector<1250x48xf32>
    %dot_general3A_384 = arith.constant dense<0.000000e+00> : vector<1250x48xf32>
    %dot_general3A_385 = tpu.matmul %get3A_359, %get3A_365, %dot_general3A_384 {dimension_numbers = #tpu.dot_dimension_numbers<[1], [0], [0], [1], [0, 0, 1, 1], [], []>, transpose_lhs_hint = false} : vector<1250x16xf32>, vector<16x48xf32>, vector<1250x48xf32> -> vector<1250x48xf32>
    %add3A_386 = vector.broadcast %get3A_371 : vector<1x48xf32> to vector<1250x48xf32>
    %add3A_387 = arith.addf %dot_general3A_385, %add3A_386 : vector<1250x48xf32>
    %slice3A_388 = vector.extract_strided_slice %add3A_383 {offsets = [0, 0], sizes = [1250, 16], strides = [1, 1]} : vector<1250x48xf32> to vector<1250x16xf32>
    %slice3A_389 = vector.extract_strided_slice %add3A_387 {offsets = [0, 0], sizes = [1250, 16], strides = [1, 1]} : vector<1250x48xf32> to vector<1250x16xf32>
    %add3A_390 = arith.addf %slice3A_388, %slice3A_389 : vector<1250x16xf32>
    %logistic3A_391 = arith.negf %add3A_390 : vector<1250x16xf32>
    %logistic3A_392 = math.exp %logistic3A_391 : vector<1250x16xf32>
    %logistic3A_393 = arith.constant 1.000000e+00 : f32
    %logistic3A_394 = vector.broadcast %logistic3A_393 : f32 to vector<1250x16xf32>
    %logistic3A_395 = arith.addf %logistic3A_394, %logistic3A_392 : vector<1250x16xf32>
    %logistic3A_396 = arith.divf %logistic3A_394, %logistic3A_395 : vector<1250x16xf32>
    %slice3A_397 = vector.extract_strided_slice %add3A_383 {offsets = [0, 16], sizes = [1250, 16], strides = [1, 1]} : vector<1250x48xf32> to vector<1250x16xf32>
    %slice3A_398 = vector.extract_strided_slice %add3A_387 {offsets = [0, 16], sizes = [1250, 16], strides = [1, 1]} : vector<1250x48xf32> to vector<1250x16xf32>
    %add3A_399 = arith.addf %slice3A_397, %slice3A_398 : vector<1250x16xf32>
    %logistic3A_400 = arith.negf %add3A_399 : vector<1250x16xf32>
    %logistic3A_401 = math.exp %logistic3A_400 : vector<1250x16xf32>
    %logistic3A_402 = arith.constant 1.000000e+00 : f32
    %logistic3A_403 = vector.broadcast %logistic3A_402 : f32 to vector<1250x16xf32>
    %logistic3A_404 = arith.addf %logistic3A_403, %logistic3A_401 : vector<1250x16xf32>
    %logistic3A_405 = arith.divf %logistic3A_403, %logistic3A_404 : vector<1250x16xf32>
    %slice3A_406 = vector.extract_strided_slice %add3A_383 {offsets = [0, 32], sizes = [1250, 16], strides = [1, 1]} : vector<1250x48xf32> to vector<1250x16xf32>
    %slice3A_407 = vector.extract_strided_slice %add3A_387 {offsets = [0, 32], sizes = [1250, 16], strides = [1, 1]} : vector<1250x48xf32> to vector<1250x16xf32>
    %mul3A_408 = arith.mulf %logistic3A_396, %slice3A_407 : vector<1250x16xf32>
    %add3A_409 = arith.addf %slice3A_406, %mul3A_408 : vector<1250x16xf32>
    %tanh3A_410 = math.tanh %add3A_409 : vector<1250x16xf32>
    %sub3A_411 = arith.constant 1.000000e+00 : f32
    %sub3A_412 = vector.broadcast %sub3A_411 : f32 to vector<1250x16xf32>
    %sub3A_413 = arith.subf %sub3A_412, %logistic3A_405 : vector<1250x16xf32>
    %mul3A_414 = arith.mulf %sub3A_413, %tanh3A_410 : vector<1250x16xf32>
    %mul3A_415 = arith.mulf %logistic3A_405, %get3A_359 : vector<1250x16xf32>
    %add3A_416 = arith.addf %mul3A_414, %mul3A_415 : vector<1250x16xf32>
    %get3A_417 = arith.constant 0 : index
    %get3A_418 = arith.constant 0 : index
    %get3A_419 = arith.constant 96 : index
    %get3A_420 = vector.load %arg0[%get3A_417, %get3A_418, %get3A_419] : memref<2x1280x128xf32, #tpu.memory_space<vmem>>, vector<1x1250x16xf32>
    %get3A_421 = vector.shape_cast %get3A_420 : vector<1x1250x16xf32> to vector<1250x16xf32>
    %get3A_422 = arith.constant 1 : index
    %get3A_423 = arith.constant 0 : index
    %get3A_424 = arith.constant 96 : index
    %get3A_425 = vector.load %arg0[%get3A_422, %get3A_423, %get3A_424] : memref<2x1280x128xf32, #tpu.memory_space<vmem>>, vector<1x1250x16xf32>
    %get3A_426 = vector.shape_cast %get3A_425 : vector<1x1250x16xf32> to vector<1250x16xf32>
    %add3A_427 = arith.addf %get3A_421, %get3A_426 : vector<1250x16xf32>
    %get3A_428 = arith.constant 0 : index
    %get3A_429 = arith.constant 96 : index
    %get3A_430 = vector.load %arg1[%get3A_428, %get3A_429] : memref<1250x128xf32, #tpu.memory_space<vmem>>, vector<1250x16xf32>
    %get3A_431 = arith.constant 0 : index
    %get3A_432 = arith.constant 0 : index
    %get3A_433 = vector.load %arg2[%get3A_431, %get3A_432] : memref<16x48xf32, #tpu.memory_space<vmem>>, vector<16x48xf32>
    %get3A_434 = arith.constant 0 : index
    %get3A_435 = arith.constant 0 : index
    %get3A_436 = vector.load %arg3[%get3A_434, %get3A_435] : memref<16x48xf32, #tpu.memory_space<vmem>>, vector<16x48xf32>
    %get3A_437 = arith.constant 0 : index
    %get3A_438 = arith.constant 0 : index
    %get3A_439 = vector.load %arg4[%get3A_437, %get3A_438] : memref<1x48xf32, #tpu.memory_space<vmem>>, vector<1x48xf32>
    %get3A_440 = arith.constant 0 : index
    %get3A_441 = arith.constant 0 : index
    %get3A_442 = vector.load %arg5[%get3A_440, %get3A_441] : memref<1x48xf32, #tpu.memory_space<vmem>>, vector<1x48xf32>
    %get3A_443 = arith.constant 0 : index
    %get3A_444 = arith.constant 0 : index
    %get3A_445 = vector.load %arg6[%get3A_443, %get3A_444] : memref<1x16xf32, #tpu.memory_space<vmem>>, vector<1x16xf32>
    %add3A_446 = vector.broadcast %get3A_445 : vector<1x16xf32> to vector<1250x16xf32>
    %add3A_447 = arith.addf %add3A_427, %add3A_446 : vector<1250x16xf32>
    %max3A_448 = arith.constant 0.000000e+00 : f32
    %max3A_449 = vector.broadcast %max3A_448 : f32 to vector<1250x16xf32>
    %max3A_450 = arith.maximumf %add3A_447, %max3A_449 : vector<1250x16xf32>
    %dot_general3A_451 = arith.constant dense<0.000000e+00> : vector<1250x48xf32>
    %dot_general3A_452 = tpu.matmul %max3A_450, %get3A_433, %dot_general3A_451 {dimension_numbers = #tpu.dot_dimension_numbers<[1], [0], [0], [1], [0, 0, 1, 1], [], []>, transpose_lhs_hint = false} : vector<1250x16xf32>, vector<16x48xf32>, vector<1250x48xf32> -> vector<1250x48xf32>
    %add3A_453 = vector.broadcast %get3A_439 : vector<1x48xf32> to vector<1250x48xf32>
    %add3A_454 = arith.addf %dot_general3A_452, %add3A_453 : vector<1250x48xf32>
    %dot_general3A_455 = arith.constant dense<0.000000e+00> : vector<1250x48xf32>
    %dot_general3A_456 = tpu.matmul %get3A_430, %get3A_436, %dot_general3A_455 {dimension_numbers = #tpu.dot_dimension_numbers<[1], [0], [0], [1], [0, 0, 1, 1], [], []>, transpose_lhs_hint = false} : vector<1250x16xf32>, vector<16x48xf32>, vector<1250x48xf32> -> vector<1250x48xf32>
    %add3A_457 = vector.broadcast %get3A_442 : vector<1x48xf32> to vector<1250x48xf32>
    %add3A_458 = arith.addf %dot_general3A_456, %add3A_457 : vector<1250x48xf32>
    %slice3A_459 = vector.extract_strided_slice %add3A_454 {offsets = [0, 0], sizes = [1250, 16], strides = [1, 1]} : vector<1250x48xf32> to vector<1250x16xf32>
    %slice3A_460 = vector.extract_strided_slice %add3A_458 {offsets = [0, 0], sizes = [1250, 16], strides = [1, 1]} : vector<1250x48xf32> to vector<1250x16xf32>
    %add3A_461 = arith.addf %slice3A_459, %slice3A_460 : vector<1250x16xf32>
    %logistic3A_462 = arith.negf %add3A_461 : vector<1250x16xf32>
    %logistic3A_463 = math.exp %logistic3A_462 : vector<1250x16xf32>
    %logistic3A_464 = arith.constant 1.000000e+00 : f32
    %logistic3A_465 = vector.broadcast %logistic3A_464 : f32 to vector<1250x16xf32>
    %logistic3A_466 = arith.addf %logistic3A_465, %logistic3A_463 : vector<1250x16xf32>
    %logistic3A_467 = arith.divf %logistic3A_465, %logistic3A_466 : vector<1250x16xf32>
    %slice3A_468 = vector.extract_strided_slice %add3A_454 {offsets = [0, 16], sizes = [1250, 16], strides = [1, 1]} : vector<1250x48xf32> to vector<1250x16xf32>
    %slice3A_469 = vector.extract_strided_slice %add3A_458 {offsets = [0, 16], sizes = [1250, 16], strides = [1, 1]} : vector<1250x48xf32> to vector<1250x16xf32>
    %add3A_470 = arith.addf %slice3A_468, %slice3A_469 : vector<1250x16xf32>
    %logistic3A_471 = arith.negf %add3A_470 : vector<1250x16xf32>
    %logistic3A_472 = math.exp %logistic3A_471 : vector<1250x16xf32>
    %logistic3A_473 = arith.constant 1.000000e+00 : f32
    %logistic3A_474 = vector.broadcast %logistic3A_473 : f32 to vector<1250x16xf32>
    %logistic3A_475 = arith.addf %logistic3A_474, %logistic3A_472 : vector<1250x16xf32>
    %logistic3A_476 = arith.divf %logistic3A_474, %logistic3A_475 : vector<1250x16xf32>
    %slice3A_477 = vector.extract_strided_slice %add3A_454 {offsets = [0, 32], sizes = [1250, 16], strides = [1, 1]} : vector<1250x48xf32> to vector<1250x16xf32>
    %slice3A_478 = vector.extract_strided_slice %add3A_458 {offsets = [0, 32], sizes = [1250, 16], strides = [1, 1]} : vector<1250x48xf32> to vector<1250x16xf32>
    %mul3A_479 = arith.mulf %logistic3A_467, %slice3A_478 : vector<1250x16xf32>
    %add3A_480 = arith.addf %slice3A_477, %mul3A_479 : vector<1250x16xf32>
    %tanh3A_481 = math.tanh %add3A_480 : vector<1250x16xf32>
    %sub3A_482 = arith.constant 1.000000e+00 : f32
    %sub3A_483 = vector.broadcast %sub3A_482 : f32 to vector<1250x16xf32>
    %sub3A_484 = arith.subf %sub3A_483, %logistic3A_476 : vector<1250x16xf32>
    %mul3A_485 = arith.mulf %sub3A_484, %tanh3A_481 : vector<1250x16xf32>
    %mul3A_486 = arith.mulf %logistic3A_476, %get3A_430 : vector<1250x16xf32>
    %add3A_487 = arith.addf %mul3A_485, %mul3A_486 : vector<1250x16xf32>
    %get3A_488 = arith.constant 0 : index
    %get3A_489 = arith.constant 0 : index
    %get3A_490 = arith.constant 112 : index
    %get3A_491 = vector.load %arg0[%get3A_488, %get3A_489, %get3A_490] : memref<2x1280x128xf32, #tpu.memory_space<vmem>>, vector<1x1250x16xf32>
    %get3A_492 = vector.shape_cast %get3A_491 : vector<1x1250x16xf32> to vector<1250x16xf32>
    %get3A_493 = arith.constant 1 : index
    %get3A_494 = arith.constant 0 : index
    %get3A_495 = arith.constant 112 : index
    %get3A_496 = vector.load %arg0[%get3A_493, %get3A_494, %get3A_495] : memref<2x1280x128xf32, #tpu.memory_space<vmem>>, vector<1x1250x16xf32>
    %get3A_497 = vector.shape_cast %get3A_496 : vector<1x1250x16xf32> to vector<1250x16xf32>
    %add3A_498 = arith.addf %get3A_492, %get3A_497 : vector<1250x16xf32>
    %get3A_499 = arith.constant 0 : index
    %get3A_500 = arith.constant 112 : index
    %get3A_501 = vector.load %arg1[%get3A_499, %get3A_500] : memref<1250x128xf32, #tpu.memory_space<vmem>>, vector<1250x16xf32>
    %get3A_502 = arith.constant 0 : index
    %get3A_503 = arith.constant 0 : index
    %get3A_504 = vector.load %arg2[%get3A_502, %get3A_503] : memref<16x48xf32, #tpu.memory_space<vmem>>, vector<16x48xf32>
    %get3A_505 = arith.constant 0 : index
    %get3A_506 = arith.constant 0 : index
    %get3A_507 = vector.load %arg3[%get3A_505, %get3A_506] : memref<16x48xf32, #tpu.memory_space<vmem>>, vector<16x48xf32>
    %get3A_508 = arith.constant 0 : index
    %get3A_509 = arith.constant 0 : index
    %get3A_510 = vector.load %arg4[%get3A_508, %get3A_509] : memref<1x48xf32, #tpu.memory_space<vmem>>, vector<1x48xf32>
    %get3A_511 = arith.constant 0 : index
    %get3A_512 = arith.constant 0 : index
    %get3A_513 = vector.load %arg5[%get3A_511, %get3A_512] : memref<1x48xf32, #tpu.memory_space<vmem>>, vector<1x48xf32>
    %get3A_514 = arith.constant 0 : index
    %get3A_515 = arith.constant 0 : index
    %get3A_516 = vector.load %arg6[%get3A_514, %get3A_515] : memref<1x16xf32, #tpu.memory_space<vmem>>, vector<1x16xf32>
    %add3A_517 = vector.broadcast %get3A_516 : vector<1x16xf32> to vector<1250x16xf32>
    %add3A_518 = arith.addf %add3A_498, %add3A_517 : vector<1250x16xf32>
    %max3A_519 = arith.constant 0.000000e+00 : f32
    %max3A_520 = vector.broadcast %max3A_519 : f32 to vector<1250x16xf32>
    %max3A_521 = arith.maximumf %add3A_518, %max3A_520 : vector<1250x16xf32>
    %dot_general3A_522 = arith.constant dense<0.000000e+00> : vector<1250x48xf32>
    %dot_general3A_523 = tpu.matmul %max3A_521, %get3A_504, %dot_general3A_522 {dimension_numbers = #tpu.dot_dimension_numbers<[1], [0], [0], [1], [0, 0, 1, 1], [], []>, transpose_lhs_hint = false} : vector<1250x16xf32>, vector<16x48xf32>, vector<1250x48xf32> -> vector<1250x48xf32>
    %add3A_524 = vector.broadcast %get3A_510 : vector<1x48xf32> to vector<1250x48xf32>
    %add3A_525 = arith.addf %dot_general3A_523, %add3A_524 : vector<1250x48xf32>
    %dot_general3A_526 = arith.constant dense<0.000000e+00> : vector<1250x48xf32>
    %dot_general3A_527 = tpu.matmul %get3A_501, %get3A_507, %dot_general3A_526 {dimension_numbers = #tpu.dot_dimension_numbers<[1], [0], [0], [1], [0, 0, 1, 1], [], []>, transpose_lhs_hint = false} : vector<1250x16xf32>, vector<16x48xf32>, vector<1250x48xf32> -> vector<1250x48xf32>
    %add3A_528 = vector.broadcast %get3A_513 : vector<1x48xf32> to vector<1250x48xf32>
    %add3A_529 = arith.addf %dot_general3A_527, %add3A_528 : vector<1250x48xf32>
    %slice3A_530 = vector.extract_strided_slice %add3A_525 {offsets = [0, 0], sizes = [1250, 16], strides = [1, 1]} : vector<1250x48xf32> to vector<1250x16xf32>
    %slice3A_531 = vector.extract_strided_slice %add3A_529 {offsets = [0, 0], sizes = [1250, 16], strides = [1, 1]} : vector<1250x48xf32> to vector<1250x16xf32>
    %add3A_532 = arith.addf %slice3A_530, %slice3A_531 : vector<1250x16xf32>
    %logistic3A_533 = arith.negf %add3A_532 : vector<1250x16xf32>
    %logistic3A_534 = math.exp %logistic3A_533 : vector<1250x16xf32>
    %logistic3A_535 = arith.constant 1.000000e+00 : f32
    %logistic3A_536 = vector.broadcast %logistic3A_535 : f32 to vector<1250x16xf32>
    %logistic3A_537 = arith.addf %logistic3A_536, %logistic3A_534 : vector<1250x16xf32>
    %logistic3A_538 = arith.divf %logistic3A_536, %logistic3A_537 : vector<1250x16xf32>
    %slice3A_539 = vector.extract_strided_slice %add3A_525 {offsets = [0, 16], sizes = [1250, 16], strides = [1, 1]} : vector<1250x48xf32> to vector<1250x16xf32>
    %slice3A_540 = vector.extract_strided_slice %add3A_529 {offsets = [0, 16], sizes = [1250, 16], strides = [1, 1]} : vector<1250x48xf32> to vector<1250x16xf32>
    %add3A_541 = arith.addf %slice3A_539, %slice3A_540 : vector<1250x16xf32>
    %logistic3A_542 = arith.negf %add3A_541 : vector<1250x16xf32>
    %logistic3A_543 = math.exp %logistic3A_542 : vector<1250x16xf32>
    %logistic3A_544 = arith.constant 1.000000e+00 : f32
    %logistic3A_545 = vector.broadcast %logistic3A_544 : f32 to vector<1250x16xf32>
    %logistic3A_546 = arith.addf %logistic3A_545, %logistic3A_543 : vector<1250x16xf32>
    %logistic3A_547 = arith.divf %logistic3A_545, %logistic3A_546 : vector<1250x16xf32>
    %slice3A_548 = vector.extract_strided_slice %add3A_525 {offsets = [0, 32], sizes = [1250, 16], strides = [1, 1]} : vector<1250x48xf32> to vector<1250x16xf32>
    %slice3A_549 = vector.extract_strided_slice %add3A_529 {offsets = [0, 32], sizes = [1250, 16], strides = [1, 1]} : vector<1250x48xf32> to vector<1250x16xf32>
    %mul3A_550 = arith.mulf %logistic3A_538, %slice3A_549 : vector<1250x16xf32>
    %add3A_551 = arith.addf %slice3A_548, %mul3A_550 : vector<1250x16xf32>
    %tanh3A_552 = math.tanh %add3A_551 : vector<1250x16xf32>
    %sub3A_553 = arith.constant 1.000000e+00 : f32
    %sub3A_554 = vector.broadcast %sub3A_553 : f32 to vector<1250x16xf32>
    %sub3A_555 = arith.subf %sub3A_554, %logistic3A_547 : vector<1250x16xf32>
    %mul3A_556 = arith.mulf %sub3A_555, %tanh3A_552 : vector<1250x16xf32>
    %mul3A_557 = arith.mulf %logistic3A_547, %get3A_501 : vector<1250x16xf32>
    %add3A_558 = arith.addf %mul3A_556, %mul3A_557 : vector<1250x16xf32>
    %concatenate3A = tpu.concatenate %add3A_61, %add3A_132, %add3A_203, %add3A_274, %add3A_345, %add3A_416, %add3A_487, %add3A_558 in 1 : vector<1250x16xf32>, vector<1250x16xf32>, vector<1250x16xf32>, vector<1250x16xf32>, vector<1250x16xf32>, vector<1250x16xf32>, vector<1250x16xf32>, vector<1250x16xf32> -> vector<1250x128xf32>
    %swap3A = arith.constant 0 : index
    %swap3A_559 = arith.constant 0 : index
    %swap3A_560 = vector.load %arg7[%swap3A, %swap3A_559] : memref<1250x128xf32, #tpu.memory_space<vmem>>, vector<1250x128xf32>
    tpu.vector_store %arg7[%swap3A, %swap3A_559], %concatenate3A {strides = array<i32>} : memref<1250x128xf32, #tpu.memory_space<vmem>>, vector<1250x128xf32>,
    return
  }
}

module attributes {stable_mosaic.version = 14 : i64} {
  func.func @_tail_body(%arg0: memref<2x1280x128xf32, #tpu.memory_space<vmem>>, %arg1: memref<1250x128xf32, #tpu.memory_space<vmem>>, %arg2: memref<16x48xf32, #tpu.memory_space<vmem>>, %arg3: memref<16x48xf32, #tpu.memory_space<vmem>>, %arg4: memref<1x48xf32, #tpu.memory_space<vmem>>, %arg5: memref<1x48xf32, #tpu.memory_space<vmem>>, %arg6: memref<1x16xf32, #tpu.memory_space<vmem>>, %arg7: memref<1250x128xf32, #tpu.memory_space<vmem>>, %arg8: memref<64x128xf32, #tpu.memory_space<vmem>>, %arg9: memref<32x128xf32, #tpu.memory_space<vmem>>, %arg10: memref<1x128xf32, #tpu.memory_space<vmem>>, %arg11: memref<1x128xf32, #tpu.memory_space<vmem>>, %arg12: memref<64x1024xf32, #tpu.memory_space<vmem>>, %arg13: memref<1x1024xf32, #tpu.memory_space<vmem>>, %arg14: memref<1x1xf32, #tpu.memory_space<vmem>>, %arg15: memref<1x1024xf32, #tpu.memory_space<vmem>>) attributes {dimension_semantics = [], scalar_prefetch = 0 : i64, scratch_operands = 0 : i64, tpu.core_type = #tpu.core_type<tc>} {
    %get3A = arith.constant 0 : index
    %get3A_0 = arith.constant 0 : index
    %get3A_1 = arith.constant 0 : index
    %get3A_2 = vector.load %arg0[%get3A, %get3A_0, %get3A_1] : memref<2x1280x128xf32, #tpu.memory_space<vmem>>, vector<1x1250x16xf32>
    %get3A_3 = vector.shape_cast %get3A_2 : vector<1x1250x16xf32> to vector<1250x16xf32>
    %get3A_4 = arith.constant 1 : index
    %get3A_5 = arith.constant 0 : index
    %get3A_6 = arith.constant 0 : index
    %get3A_7 = vector.load %arg0[%get3A_4, %get3A_5, %get3A_6] : memref<2x1280x128xf32, #tpu.memory_space<vmem>>, vector<1x1250x16xf32>
    %get3A_8 = vector.shape_cast %get3A_7 : vector<1x1250x16xf32> to vector<1250x16xf32>
    %add3A = arith.addf %get3A_3, %get3A_8 : vector<1250x16xf32>
    %get3A_9 = arith.constant 0 : index
    %get3A_10 = arith.constant 0 : index
    %get3A_11 = vector.load %arg1[%get3A_9, %get3A_10] : memref<1250x128xf32, #tpu.memory_space<vmem>>, vector<1250x16xf32>
    %get3A_12 = arith.constant 0 : index
    %get3A_13 = arith.constant 0 : index
    %get3A_14 = vector.load %arg2[%get3A_12, %get3A_13] : memref<16x48xf32, #tpu.memory_space<vmem>>, vector<16x48xf32>
    %get3A_15 = arith.constant 0 : index
    %get3A_16 = arith.constant 0 : index
    %get3A_17 = vector.load %arg3[%get3A_15, %get3A_16] : memref<16x48xf32, #tpu.memory_space<vmem>>, vector<16x48xf32>
    %get3A_18 = arith.constant 0 : index
    %get3A_19 = arith.constant 0 : index
    %get3A_20 = vector.load %arg4[%get3A_18, %get3A_19] : memref<1x48xf32, #tpu.memory_space<vmem>>, vector<1x48xf32>
    %get3A_21 = arith.constant 0 : index
    %get3A_22 = arith.constant 0 : index
    %get3A_23 = vector.load %arg5[%get3A_21, %get3A_22] : memref<1x48xf32, #tpu.memory_space<vmem>>, vector<1x48xf32>
    %get3A_24 = arith.constant 0 : index
    %get3A_25 = arith.constant 0 : index
    %get3A_26 = vector.load %arg6[%get3A_24, %get3A_25] : memref<1x16xf32, #tpu.memory_space<vmem>>, vector<1x16xf32>
    %add3A_27 = vector.broadcast %get3A_26 : vector<1x16xf32> to vector<1250x16xf32>
    %add3A_28 = arith.addf %add3A, %add3A_27 : vector<1250x16xf32>
    %max3A = arith.constant 0.000000e+00 : f32
    %max3A_29 = vector.broadcast %max3A : f32 to vector<1250x16xf32>
    %max3A_30 = arith.maximumf %add3A_28, %max3A_29 : vector<1250x16xf32>
    %dot_general3A = arith.constant dense<0.000000e+00> : vector<1250x48xf32>
    %dot_general3A_31 = tpu.matmul %max3A_30, %get3A_14, %dot_general3A {dimension_numbers = #tpu.dot_dimension_numbers<[1], [0], [0], [1], [0, 0, 1, 1], [], []>, transpose_lhs_hint = false} : vector<1250x16xf32>, vector<16x48xf32>, vector<1250x48xf32> -> vector<1250x48xf32>
    %add3A_32 = vector.broadcast %get3A_20 : vector<1x48xf32> to vector<1250x48xf32>
    %add3A_33 = arith.addf %dot_general3A_31, %add3A_32 : vector<1250x48xf32>
    %dot_general3A_34 = arith.constant dense<0.000000e+00> : vector<1250x48xf32>
    %dot_general3A_35 = tpu.matmul %get3A_11, %get3A_17, %dot_general3A_34 {dimension_numbers = #tpu.dot_dimension_numbers<[1], [0], [0], [1], [0, 0, 1, 1], [], []>, transpose_lhs_hint = false} : vector<1250x16xf32>, vector<16x48xf32>, vector<1250x48xf32> -> vector<1250x48xf32>
    %add3A_36 = vector.broadcast %get3A_23 : vector<1x48xf32> to vector<1250x48xf32>
    %add3A_37 = arith.addf %dot_general3A_35, %add3A_36 : vector<1250x48xf32>
    %slice3A = vector.extract_strided_slice %add3A_33 {offsets = [0, 0], sizes = [1250, 16], strides = [1, 1]} : vector<1250x48xf32> to vector<1250x16xf32>
    %slice3A_38 = vector.extract_strided_slice %add3A_37 {offsets = [0, 0], sizes = [1250, 16], strides = [1, 1]} : vector<1250x48xf32> to vector<1250x16xf32>
    %add3A_39 = arith.addf %slice3A, %slice3A_38 : vector<1250x16xf32>
    %logistic3A = arith.negf %add3A_39 : vector<1250x16xf32>
    %logistic3A_40 = math.exp %logistic3A : vector<1250x16xf32>
    %logistic3A_41 = arith.constant 1.000000e+00 : f32
    %logistic3A_42 = vector.broadcast %logistic3A_41 : f32 to vector<1250x16xf32>
    %logistic3A_43 = arith.addf %logistic3A_42, %logistic3A_40 : vector<1250x16xf32>
    %logistic3A_44 = arith.divf %logistic3A_42, %logistic3A_43 : vector<1250x16xf32>
    %slice3A_45 = vector.extract_strided_slice %add3A_33 {offsets = [0, 16], sizes = [1250, 16], strides = [1, 1]} : vector<1250x48xf32> to vector<1250x16xf32>
    %slice3A_46 = vector.extract_strided_slice %add3A_37 {offsets = [0, 16], sizes = [1250, 16], strides = [1, 1]} : vector<1250x48xf32> to vector<1250x16xf32>
    %add3A_47 = arith.addf %slice3A_45, %slice3A_46 : vector<1250x16xf32>
    %logistic3A_48 = arith.negf %add3A_47 : vector<1250x16xf32>
    %logistic3A_49 = math.exp %logistic3A_48 : vector<1250x16xf32>
    %logistic3A_50 = arith.constant 1.000000e+00 : f32
    %logistic3A_51 = vector.broadcast %logistic3A_50 : f32 to vector<1250x16xf32>
    %logistic3A_52 = arith.addf %logistic3A_51, %logistic3A_49 : vector<1250x16xf32>
    %logistic3A_53 = arith.divf %logistic3A_51, %logistic3A_52 : vector<1250x16xf32>
    %slice3A_54 = vector.extract_strided_slice %add3A_33 {offsets = [0, 32], sizes = [1250, 16], strides = [1, 1]} : vector<1250x48xf32> to vector<1250x16xf32>
    %slice3A_55 = vector.extract_strided_slice %add3A_37 {offsets = [0, 32], sizes = [1250, 16], strides = [1, 1]} : vector<1250x48xf32> to vector<1250x16xf32>
    %mul3A = arith.mulf %logistic3A_44, %slice3A_55 : vector<1250x16xf32>
    %add3A_56 = arith.addf %slice3A_54, %mul3A : vector<1250x16xf32>
    %tanh3A = math.tanh %add3A_56 : vector<1250x16xf32>
    %sub3A = arith.constant 1.000000e+00 : f32
    %sub3A_57 = vector.broadcast %sub3A : f32 to vector<1250x16xf32>
    %sub3A_58 = arith.subf %sub3A_57, %logistic3A_53 : vector<1250x16xf32>
    %mul3A_59 = arith.mulf %sub3A_58, %tanh3A : vector<1250x16xf32>
    %mul3A_60 = arith.mulf %logistic3A_53, %get3A_11 : vector<1250x16xf32>
    %add3A_61 = arith.addf %mul3A_59, %mul3A_60 : vector<1250x16xf32>
    %get3A_62 = arith.constant 0 : index
    %get3A_63 = arith.constant 0 : index
    %get3A_64 = arith.constant 16 : index
    %get3A_65 = vector.load %arg0[%get3A_62, %get3A_63, %get3A_64] : memref<2x1280x128xf32, #tpu.memory_space<vmem>>, vector<1x1250x16xf32>
    %get3A_66 = vector.shape_cast %get3A_65 : vector<1x1250x16xf32> to vector<1250x16xf32>
    %get3A_67 = arith.constant 1 : index
    %get3A_68 = arith.constant 0 : index
    %get3A_69 = arith.constant 16 : index
    %get3A_70 = vector.load %arg0[%get3A_67, %get3A_68, %get3A_69] : memref<2x1280x128xf32, #tpu.memory_space<vmem>>, vector<1x1250x16xf32>
    %get3A_71 = vector.shape_cast %get3A_70 : vector<1x1250x16xf32> to vector<1250x16xf32>
    %add3A_72 = arith.addf %get3A_66, %get3A_71 : vector<1250x16xf32>
    %get3A_73 = arith.constant 0 : index
    %get3A_74 = arith.constant 16 : index
    %get3A_75 = vector.load %arg1[%get3A_73, %get3A_74] : memref<1250x128xf32, #tpu.memory_space<vmem>>, vector<1250x16xf32>
    %get3A_76 = arith.constant 0 : index
    %get3A_77 = arith.constant 0 : index
    %get3A_78 = vector.load %arg2[%get3A_76, %get3A_77] : memref<16x48xf32, #tpu.memory_space<vmem>>, vector<16x48xf32>
    %get3A_79 = arith.constant 0 : index
    %get3A_80 = arith.constant 0 : index
    %get3A_81 = vector.load %arg3[%get3A_79, %get3A_80] : memref<16x48xf32, #tpu.memory_space<vmem>>, vector<16x48xf32>
    %get3A_82 = arith.constant 0 : index
    %get3A_83 = arith.constant 0 : index
    %get3A_84 = vector.load %arg4[%get3A_82, %get3A_83] : memref<1x48xf32, #tpu.memory_space<vmem>>, vector<1x48xf32>
    %get3A_85 = arith.constant 0 : index
    %get3A_86 = arith.constant 0 : index
    %get3A_87 = vector.load %arg5[%get3A_85, %get3A_86] : memref<1x48xf32, #tpu.memory_space<vmem>>, vector<1x48xf32>
    %get3A_88 = arith.constant 0 : index
    %get3A_89 = arith.constant 0 : index
    %get3A_90 = vector.load %arg6[%get3A_88, %get3A_89] : memref<1x16xf32, #tpu.memory_space<vmem>>, vector<1x16xf32>
    %add3A_91 = vector.broadcast %get3A_90 : vector<1x16xf32> to vector<1250x16xf32>
    %add3A_92 = arith.addf %add3A_72, %add3A_91 : vector<1250x16xf32>
    %max3A_93 = arith.constant 0.000000e+00 : f32
    %max3A_94 = vector.broadcast %max3A_93 : f32 to vector<1250x16xf32>
    %max3A_95 = arith.maximumf %add3A_92, %max3A_94 : vector<1250x16xf32>
    %dot_general3A_96 = arith.constant dense<0.000000e+00> : vector<1250x48xf32>
    %dot_general3A_97 = tpu.matmul %max3A_95, %get3A_78, %dot_general3A_96 {dimension_numbers = #tpu.dot_dimension_numbers<[1], [0], [0], [1], [0, 0, 1, 1], [], []>, transpose_lhs_hint = false} : vector<1250x16xf32>, vector<16x48xf32>, vector<1250x48xf32> -> vector<1250x48xf32>
    %add3A_98 = vector.broadcast %get3A_84 : vector<1x48xf32> to vector<1250x48xf32>
    %add3A_99 = arith.addf %dot_general3A_97, %add3A_98 : vector<1250x48xf32>
    %dot_general3A_100 = arith.constant dense<0.000000e+00> : vector<1250x48xf32>
    %dot_general3A_101 = tpu.matmul %get3A_75, %get3A_81, %dot_general3A_100 {dimension_numbers = #tpu.dot_dimension_numbers<[1], [0], [0], [1], [0, 0, 1, 1], [], []>, transpose_lhs_hint = false} : vector<1250x16xf32>, vector<16x48xf32>, vector<1250x48xf32> -> vector<1250x48xf32>
    %add3A_102 = vector.broadcast %get3A_87 : vector<1x48xf32> to vector<1250x48xf32>
    %add3A_103 = arith.addf %dot_general3A_101, %add3A_102 : vector<1250x48xf32>
    %slice3A_104 = vector.extract_strided_slice %add3A_99 {offsets = [0, 0], sizes = [1250, 16], strides = [1, 1]} : vector<1250x48xf32> to vector<1250x16xf32>
    %slice3A_105 = vector.extract_strided_slice %add3A_103 {offsets = [0, 0], sizes = [1250, 16], strides = [1, 1]} : vector<1250x48xf32> to vector<1250x16xf32>
    %add3A_106 = arith.addf %slice3A_104, %slice3A_105 : vector<1250x16xf32>
    %logistic3A_107 = arith.negf %add3A_106 : vector<1250x16xf32>
    %logistic3A_108 = math.exp %logistic3A_107 : vector<1250x16xf32>
    %logistic3A_109 = arith.constant 1.000000e+00 : f32
    %logistic3A_110 = vector.broadcast %logistic3A_109 : f32 to vector<1250x16xf32>
    %logistic3A_111 = arith.addf %logistic3A_110, %logistic3A_108 : vector<1250x16xf32>
    %logistic3A_112 = arith.divf %logistic3A_110, %logistic3A_111 : vector<1250x16xf32>
    %slice3A_113 = vector.extract_strided_slice %add3A_99 {offsets = [0, 16], sizes = [1250, 16], strides = [1, 1]} : vector<1250x48xf32> to vector<1250x16xf32>
    %slice3A_114 = vector.extract_strided_slice %add3A_103 {offsets = [0, 16], sizes = [1250, 16], strides = [1, 1]} : vector<1250x48xf32> to vector<1250x16xf32>
    %add3A_115 = arith.addf %slice3A_113, %slice3A_114 : vector<1250x16xf32>
    %logistic3A_116 = arith.negf %add3A_115 : vector<1250x16xf32>
    %logistic3A_117 = math.exp %logistic3A_116 : vector<1250x16xf32>
    %logistic3A_118 = arith.constant 1.000000e+00 : f32
    %logistic3A_119 = vector.broadcast %logistic3A_118 : f32 to vector<1250x16xf32>
    %logistic3A_120 = arith.addf %logistic3A_119, %logistic3A_117 : vector<1250x16xf32>
    %logistic3A_121 = arith.divf %logistic3A_119, %logistic3A_120 : vector<1250x16xf32>
    %slice3A_122 = vector.extract_strided_slice %add3A_99 {offsets = [0, 32], sizes = [1250, 16], strides = [1, 1]} : vector<1250x48xf32> to vector<1250x16xf32>
    %slice3A_123 = vector.extract_strided_slice %add3A_103 {offsets = [0, 32], sizes = [1250, 16], strides = [1, 1]} : vector<1250x48xf32> to vector<1250x16xf32>
    %mul3A_124 = arith.mulf %logistic3A_112, %slice3A_123 : vector<1250x16xf32>
    %add3A_125 = arith.addf %slice3A_122, %mul3A_124 : vector<1250x16xf32>
    %tanh3A_126 = math.tanh %add3A_125 : vector<1250x16xf32>
    %sub3A_127 = arith.constant 1.000000e+00 : f32
    %sub3A_128 = vector.broadcast %sub3A_127 : f32 to vector<1250x16xf32>
    %sub3A_129 = arith.subf %sub3A_128, %logistic3A_121 : vector<1250x16xf32>
    %mul3A_130 = arith.mulf %sub3A_129, %tanh3A_126 : vector<1250x16xf32>
    %mul3A_131 = arith.mulf %logistic3A_121, %get3A_75 : vector<1250x16xf32>
    %add3A_132 = arith.addf %mul3A_130, %mul3A_131 : vector<1250x16xf32>
    %get3A_133 = arith.constant 0 : index
    %get3A_134 = arith.constant 0 : index
    %get3A_135 = arith.constant 32 : index
    %get3A_136 = vector.load %arg0[%get3A_133, %get3A_134, %get3A_135] : memref<2x1280x128xf32, #tpu.memory_space<vmem>>, vector<1x1250x16xf32>
    %get3A_137 = vector.shape_cast %get3A_136 : vector<1x1250x16xf32> to vector<1250x16xf32>
    %get3A_138 = arith.constant 1 : index
    %get3A_139 = arith.constant 0 : index
    %get3A_140 = arith.constant 32 : index
    %get3A_141 = vector.load %arg0[%get3A_138, %get3A_139, %get3A_140] : memref<2x1280x128xf32, #tpu.memory_space<vmem>>, vector<1x1250x16xf32>
    %get3A_142 = vector.shape_cast %get3A_141 : vector<1x1250x16xf32> to vector<1250x16xf32>
    %add3A_143 = arith.addf %get3A_137, %get3A_142 : vector<1250x16xf32>
    %get3A_144 = arith.constant 0 : index
    %get3A_145 = arith.constant 32 : index
    %get3A_146 = vector.load %arg1[%get3A_144, %get3A_145] : memref<1250x128xf32, #tpu.memory_space<vmem>>, vector<1250x16xf32>
    %get3A_147 = arith.constant 0 : index
    %get3A_148 = arith.constant 0 : index
    %get3A_149 = vector.load %arg2[%get3A_147, %get3A_148] : memref<16x48xf32, #tpu.memory_space<vmem>>, vector<16x48xf32>
    %get3A_150 = arith.constant 0 : index
    %get3A_151 = arith.constant 0 : index
    %get3A_152 = vector.load %arg3[%get3A_150, %get3A_151] : memref<16x48xf32, #tpu.memory_space<vmem>>, vector<16x48xf32>
    %get3A_153 = arith.constant 0 : index
    %get3A_154 = arith.constant 0 : index
    %get3A_155 = vector.load %arg4[%get3A_153, %get3A_154] : memref<1x48xf32, #tpu.memory_space<vmem>>, vector<1x48xf32>
    %get3A_156 = arith.constant 0 : index
    %get3A_157 = arith.constant 0 : index
    %get3A_158 = vector.load %arg5[%get3A_156, %get3A_157] : memref<1x48xf32, #tpu.memory_space<vmem>>, vector<1x48xf32>
    %get3A_159 = arith.constant 0 : index
    %get3A_160 = arith.constant 0 : index
    %get3A_161 = vector.load %arg6[%get3A_159, %get3A_160] : memref<1x16xf32, #tpu.memory_space<vmem>>, vector<1x16xf32>
    %add3A_162 = vector.broadcast %get3A_161 : vector<1x16xf32> to vector<1250x16xf32>
    %add3A_163 = arith.addf %add3A_143, %add3A_162 : vector<1250x16xf32>
    %max3A_164 = arith.constant 0.000000e+00 : f32
    %max3A_165 = vector.broadcast %max3A_164 : f32 to vector<1250x16xf32>
    %max3A_166 = arith.maximumf %add3A_163, %max3A_165 : vector<1250x16xf32>
    %dot_general3A_167 = arith.constant dense<0.000000e+00> : vector<1250x48xf32>
    %dot_general3A_168 = tpu.matmul %max3A_166, %get3A_149, %dot_general3A_167 {dimension_numbers = #tpu.dot_dimension_numbers<[1], [0], [0], [1], [0, 0, 1, 1], [], []>, transpose_lhs_hint = false} : vector<1250x16xf32>, vector<16x48xf32>, vector<1250x48xf32> -> vector<1250x48xf32>
    %add3A_169 = vector.broadcast %get3A_155 : vector<1x48xf32> to vector<1250x48xf32>
    %add3A_170 = arith.addf %dot_general3A_168, %add3A_169 : vector<1250x48xf32>
    %dot_general3A_171 = arith.constant dense<0.000000e+00> : vector<1250x48xf32>
    %dot_general3A_172 = tpu.matmul %get3A_146, %get3A_152, %dot_general3A_171 {dimension_numbers = #tpu.dot_dimension_numbers<[1], [0], [0], [1], [0, 0, 1, 1], [], []>, transpose_lhs_hint = false} : vector<1250x16xf32>, vector<16x48xf32>, vector<1250x48xf32> -> vector<1250x48xf32>
    %add3A_173 = vector.broadcast %get3A_158 : vector<1x48xf32> to vector<1250x48xf32>
    %add3A_174 = arith.addf %dot_general3A_172, %add3A_173 : vector<1250x48xf32>
    %slice3A_175 = vector.extract_strided_slice %add3A_170 {offsets = [0, 0], sizes = [1250, 16], strides = [1, 1]} : vector<1250x48xf32> to vector<1250x16xf32>
    %slice3A_176 = vector.extract_strided_slice %add3A_174 {offsets = [0, 0], sizes = [1250, 16], strides = [1, 1]} : vector<1250x48xf32> to vector<1250x16xf32>
    %add3A_177 = arith.addf %slice3A_175, %slice3A_176 : vector<1250x16xf32>
    %logistic3A_178 = arith.negf %add3A_177 : vector<1250x16xf32>
    %logistic3A_179 = math.exp %logistic3A_178 : vector<1250x16xf32>
    %logistic3A_180 = arith.constant 1.000000e+00 : f32
    %logistic3A_181 = vector.broadcast %logistic3A_180 : f32 to vector<1250x16xf32>
    %logistic3A_182 = arith.addf %logistic3A_181, %logistic3A_179 : vector<1250x16xf32>
    %logistic3A_183 = arith.divf %logistic3A_181, %logistic3A_182 : vector<1250x16xf32>
    %slice3A_184 = vector.extract_strided_slice %add3A_170 {offsets = [0, 16], sizes = [1250, 16], strides = [1, 1]} : vector<1250x48xf32> to vector<1250x16xf32>
    %slice3A_185 = vector.extract_strided_slice %add3A_174 {offsets = [0, 16], sizes = [1250, 16], strides = [1, 1]} : vector<1250x48xf32> to vector<1250x16xf32>
    %add3A_186 = arith.addf %slice3A_184, %slice3A_185 : vector<1250x16xf32>
    %logistic3A_187 = arith.negf %add3A_186 : vector<1250x16xf32>
    %logistic3A_188 = math.exp %logistic3A_187 : vector<1250x16xf32>
    %logistic3A_189 = arith.constant 1.000000e+00 : f32
    %logistic3A_190 = vector.broadcast %logistic3A_189 : f32 to vector<1250x16xf32>
    %logistic3A_191 = arith.addf %logistic3A_190, %logistic3A_188 : vector<1250x16xf32>
    %logistic3A_192 = arith.divf %logistic3A_190, %logistic3A_191 : vector<1250x16xf32>
    %slice3A_193 = vector.extract_strided_slice %add3A_170 {offsets = [0, 32], sizes = [1250, 16], strides = [1, 1]} : vector<1250x48xf32> to vector<1250x16xf32>
    %slice3A_194 = vector.extract_strided_slice %add3A_174 {offsets = [0, 32], sizes = [1250, 16], strides = [1, 1]} : vector<1250x48xf32> to vector<1250x16xf32>
    %mul3A_195 = arith.mulf %logistic3A_183, %slice3A_194 : vector<1250x16xf32>
    %add3A_196 = arith.addf %slice3A_193, %mul3A_195 : vector<1250x16xf32>
    %tanh3A_197 = math.tanh %add3A_196 : vector<1250x16xf32>
    %sub3A_198 = arith.constant 1.000000e+00 : f32
    %sub3A_199 = vector.broadcast %sub3A_198 : f32 to vector<1250x16xf32>
    %sub3A_200 = arith.subf %sub3A_199, %logistic3A_192 : vector<1250x16xf32>
    %mul3A_201 = arith.mulf %sub3A_200, %tanh3A_197 : vector<1250x16xf32>
    %mul3A_202 = arith.mulf %logistic3A_192, %get3A_146 : vector<1250x16xf32>
    %add3A_203 = arith.addf %mul3A_201, %mul3A_202 : vector<1250x16xf32>
    %get3A_204 = arith.constant 0 : index
    %get3A_205 = arith.constant 0 : index
    %get3A_206 = arith.constant 48 : index
    %get3A_207 = vector.load %arg0[%get3A_204, %get3A_205, %get3A_206] : memref<2x1280x128xf32, #tpu.memory_space<vmem>>, vector<1x1250x16xf32>
    %get3A_208 = vector.shape_cast %get3A_207 : vector<1x1250x16xf32> to vector<1250x16xf32>
    %get3A_209 = arith.constant 1 : index
    %get3A_210 = arith.constant 0 : index
    %get3A_211 = arith.constant 48 : index
    %get3A_212 = vector.load %arg0[%get3A_209, %get3A_210, %get3A_211] : memref<2x1280x128xf32, #tpu.memory_space<vmem>>, vector<1x1250x16xf32>
    %get3A_213 = vector.shape_cast %get3A_212 : vector<1x1250x16xf32> to vector<1250x16xf32>
    %add3A_214 = arith.addf %get3A_208, %get3A_213 : vector<1250x16xf32>
    %get3A_215 = arith.constant 0 : index
    %get3A_216 = arith.constant 48 : index
    %get3A_217 = vector.load %arg1[%get3A_215, %get3A_216] : memref<1250x128xf32, #tpu.memory_space<vmem>>, vector<1250x16xf32>
    %get3A_218 = arith.constant 0 : index
    %get3A_219 = arith.constant 0 : index
    %get3A_220 = vector.load %arg2[%get3A_218, %get3A_219] : memref<16x48xf32, #tpu.memory_space<vmem>>, vector<16x48xf32>
    %get3A_221 = arith.constant 0 : index
    %get3A_222 = arith.constant 0 : index
    %get3A_223 = vector.load %arg3[%get3A_221, %get3A_222] : memref<16x48xf32, #tpu.memory_space<vmem>>, vector<16x48xf32>
    %get3A_224 = arith.constant 0 : index
    %get3A_225 = arith.constant 0 : index
    %get3A_226 = vector.load %arg4[%get3A_224, %get3A_225] : memref<1x48xf32, #tpu.memory_space<vmem>>, vector<1x48xf32>
    %get3A_227 = arith.constant 0 : index
    %get3A_228 = arith.constant 0 : index
    %get3A_229 = vector.load %arg5[%get3A_227, %get3A_228] : memref<1x48xf32, #tpu.memory_space<vmem>>, vector<1x48xf32>
    %get3A_230 = arith.constant 0 : index
    %get3A_231 = arith.constant 0 : index
    %get3A_232 = vector.load %arg6[%get3A_230, %get3A_231] : memref<1x16xf32, #tpu.memory_space<vmem>>, vector<1x16xf32>
    %add3A_233 = vector.broadcast %get3A_232 : vector<1x16xf32> to vector<1250x16xf32>
    %add3A_234 = arith.addf %add3A_214, %add3A_233 : vector<1250x16xf32>
    %max3A_235 = arith.constant 0.000000e+00 : f32
    %max3A_236 = vector.broadcast %max3A_235 : f32 to vector<1250x16xf32>
    %max3A_237 = arith.maximumf %add3A_234, %max3A_236 : vector<1250x16xf32>
    %dot_general3A_238 = arith.constant dense<0.000000e+00> : vector<1250x48xf32>
    %dot_general3A_239 = tpu.matmul %max3A_237, %get3A_220, %dot_general3A_238 {dimension_numbers = #tpu.dot_dimension_numbers<[1], [0], [0], [1], [0, 0, 1, 1], [], []>, transpose_lhs_hint = false} : vector<1250x16xf32>, vector<16x48xf32>, vector<1250x48xf32> -> vector<1250x48xf32>
    %add3A_240 = vector.broadcast %get3A_226 : vector<1x48xf32> to vector<1250x48xf32>
    %add3A_241 = arith.addf %dot_general3A_239, %add3A_240 : vector<1250x48xf32>
    %dot_general3A_242 = arith.constant dense<0.000000e+00> : vector<1250x48xf32>
    %dot_general3A_243 = tpu.matmul %get3A_217, %get3A_223, %dot_general3A_242 {dimension_numbers = #tpu.dot_dimension_numbers<[1], [0], [0], [1], [0, 0, 1, 1], [], []>, transpose_lhs_hint = false} : vector<1250x16xf32>, vector<16x48xf32>, vector<1250x48xf32> -> vector<1250x48xf32>
    %add3A_244 = vector.broadcast %get3A_229 : vector<1x48xf32> to vector<1250x48xf32>
    %add3A_245 = arith.addf %dot_general3A_243, %add3A_244 : vector<1250x48xf32>
    %slice3A_246 = vector.extract_strided_slice %add3A_241 {offsets = [0, 0], sizes = [1250, 16], strides = [1, 1]} : vector<1250x48xf32> to vector<1250x16xf32>
    %slice3A_247 = vector.extract_strided_slice %add3A_245 {offsets = [0, 0], sizes = [1250, 16], strides = [1, 1]} : vector<1250x48xf32> to vector<1250x16xf32>
    %add3A_248 = arith.addf %slice3A_246, %slice3A_247 : vector<1250x16xf32>
    %logistic3A_249 = arith.negf %add3A_248 : vector<1250x16xf32>
    %logistic3A_250 = math.exp %logistic3A_249 : vector<1250x16xf32>
    %logistic3A_251 = arith.constant 1.000000e+00 : f32
    %logistic3A_252 = vector.broadcast %logistic3A_251 : f32 to vector<1250x16xf32>
    %logistic3A_253 = arith.addf %logistic3A_252, %logistic3A_250 : vector<1250x16xf32>
    %logistic3A_254 = arith.divf %logistic3A_252, %logistic3A_253 : vector<1250x16xf32>
    %slice3A_255 = vector.extract_strided_slice %add3A_241 {offsets = [0, 16], sizes = [1250, 16], strides = [1, 1]} : vector<1250x48xf32> to vector<1250x16xf32>
    %slice3A_256 = vector.extract_strided_slice %add3A_245 {offsets = [0, 16], sizes = [1250, 16], strides = [1, 1]} : vector<1250x48xf32> to vector<1250x16xf32>
    %add3A_257 = arith.addf %slice3A_255, %slice3A_256 : vector<1250x16xf32>
    %logistic3A_258 = arith.negf %add3A_257 : vector<1250x16xf32>
    %logistic3A_259 = math.exp %logistic3A_258 : vector<1250x16xf32>
    %logistic3A_260 = arith.constant 1.000000e+00 : f32
    %logistic3A_261 = vector.broadcast %logistic3A_260 : f32 to vector<1250x16xf32>
    %logistic3A_262 = arith.addf %logistic3A_261, %logistic3A_259 : vector<1250x16xf32>
    %logistic3A_263 = arith.divf %logistic3A_261, %logistic3A_262 : vector<1250x16xf32>
    %slice3A_264 = vector.extract_strided_slice %add3A_241 {offsets = [0, 32], sizes = [1250, 16], strides = [1, 1]} : vector<1250x48xf32> to vector<1250x16xf32>
    %slice3A_265 = vector.extract_strided_slice %add3A_245 {offsets = [0, 32], sizes = [1250, 16], strides = [1, 1]} : vector<1250x48xf32> to vector<1250x16xf32>
    %mul3A_266 = arith.mulf %logistic3A_254, %slice3A_265 : vector<1250x16xf32>
    %add3A_267 = arith.addf %slice3A_264, %mul3A_266 : vector<1250x16xf32>
    %tanh3A_268 = math.tanh %add3A_267 : vector<1250x16xf32>
    %sub3A_269 = arith.constant 1.000000e+00 : f32
    %sub3A_270 = vector.broadcast %sub3A_269 : f32 to vector<1250x16xf32>
    %sub3A_271 = arith.subf %sub3A_270, %logistic3A_263 : vector<1250x16xf32>
    %mul3A_272 = arith.mulf %sub3A_271, %tanh3A_268 : vector<1250x16xf32>
    %mul3A_273 = arith.mulf %logistic3A_263, %get3A_217 : vector<1250x16xf32>
    %add3A_274 = arith.addf %mul3A_272, %mul3A_273 : vector<1250x16xf32>
    %get3A_275 = arith.constant 0 : index
    %get3A_276 = arith.constant 0 : index
    %get3A_277 = arith.constant 64 : index
    %get3A_278 = vector.load %arg0[%get3A_275, %get3A_276, %get3A_277] : memref<2x1280x128xf32, #tpu.memory_space<vmem>>, vector<1x1250x16xf32>
    %get3A_279 = vector.shape_cast %get3A_278 : vector<1x1250x16xf32> to vector<1250x16xf32>
    %get3A_280 = arith.constant 1 : index
    %get3A_281 = arith.constant 0 : index
    %get3A_282 = arith.constant 64 : index
    %get3A_283 = vector.load %arg0[%get3A_280, %get3A_281, %get3A_282] : memref<2x1280x128xf32, #tpu.memory_space<vmem>>, vector<1x1250x16xf32>
    %get3A_284 = vector.shape_cast %get3A_283 : vector<1x1250x16xf32> to vector<1250x16xf32>
    %add3A_285 = arith.addf %get3A_279, %get3A_284 : vector<1250x16xf32>
    %get3A_286 = arith.constant 0 : index
    %get3A_287 = arith.constant 64 : index
    %get3A_288 = vector.load %arg1[%get3A_286, %get3A_287] : memref<1250x128xf32, #tpu.memory_space<vmem>>, vector<1250x16xf32>
    %get3A_289 = arith.constant 0 : index
    %get3A_290 = arith.constant 0 : index
    %get3A_291 = vector.load %arg2[%get3A_289, %get3A_290] : memref<16x48xf32, #tpu.memory_space<vmem>>, vector<16x48xf32>
    %get3A_292 = arith.constant 0 : index
    %get3A_293 = arith.constant 0 : index
    %get3A_294 = vector.load %arg3[%get3A_292, %get3A_293] : memref<16x48xf32, #tpu.memory_space<vmem>>, vector<16x48xf32>
    %get3A_295 = arith.constant 0 : index
    %get3A_296 = arith.constant 0 : index
    %get3A_297 = vector.load %arg4[%get3A_295, %get3A_296] : memref<1x48xf32, #tpu.memory_space<vmem>>, vector<1x48xf32>
    %get3A_298 = arith.constant 0 : index
    %get3A_299 = arith.constant 0 : index
    %get3A_300 = vector.load %arg5[%get3A_298, %get3A_299] : memref<1x48xf32, #tpu.memory_space<vmem>>, vector<1x48xf32>
    %get3A_301 = arith.constant 0 : index
    %get3A_302 = arith.constant 0 : index
    %get3A_303 = vector.load %arg6[%get3A_301, %get3A_302] : memref<1x16xf32, #tpu.memory_space<vmem>>, vector<1x16xf32>
    %add3A_304 = vector.broadcast %get3A_303 : vector<1x16xf32> to vector<1250x16xf32>
    %add3A_305 = arith.addf %add3A_285, %add3A_304 : vector<1250x16xf32>
    %max3A_306 = arith.constant 0.000000e+00 : f32
    %max3A_307 = vector.broadcast %max3A_306 : f32 to vector<1250x16xf32>
    %max3A_308 = arith.maximumf %add3A_305, %max3A_307 : vector<1250x16xf32>
    %dot_general3A_309 = arith.constant dense<0.000000e+00> : vector<1250x48xf32>
    %dot_general3A_310 = tpu.matmul %max3A_308, %get3A_291, %dot_general3A_309 {dimension_numbers = #tpu.dot_dimension_numbers<[1], [0], [0], [1], [0, 0, 1, 1], [], []>, transpose_lhs_hint = false} : vector<1250x16xf32>, vector<16x48xf32>, vector<1250x48xf32> -> vector<1250x48xf32>
    %add3A_311 = vector.broadcast %get3A_297 : vector<1x48xf32> to vector<1250x48xf32>
    %add3A_312 = arith.addf %dot_general3A_310, %add3A_311 : vector<1250x48xf32>
    %dot_general3A_313 = arith.constant dense<0.000000e+00> : vector<1250x48xf32>
    %dot_general3A_314 = tpu.matmul %get3A_288, %get3A_294, %dot_general3A_313 {dimension_numbers = #tpu.dot_dimension_numbers<[1], [0], [0], [1], [0, 0, 1, 1], [], []>, transpose_lhs_hint = false} : vector<1250x16xf32>, vector<16x48xf32>, vector<1250x48xf32> -> vector<1250x48xf32>
    %add3A_315 = vector.broadcast %get3A_300 : vector<1x48xf32> to vector<1250x48xf32>
    %add3A_316 = arith.addf %dot_general3A_314, %add3A_315 : vector<1250x48xf32>
    %slice3A_317 = vector.extract_strided_slice %add3A_312 {offsets = [0, 0], sizes = [1250, 16], strides = [1, 1]} : vector<1250x48xf32> to vector<1250x16xf32>
    %slice3A_318 = vector.extract_strided_slice %add3A_316 {offsets = [0, 0], sizes = [1250, 16], strides = [1, 1]} : vector<1250x48xf32> to vector<1250x16xf32>
    %add3A_319 = arith.addf %slice3A_317, %slice3A_318 : vector<1250x16xf32>
    %logistic3A_320 = arith.negf %add3A_319 : vector<1250x16xf32>
    %logistic3A_321 = math.exp %logistic3A_320 : vector<1250x16xf32>
    %logistic3A_322 = arith.constant 1.000000e+00 : f32
    %logistic3A_323 = vector.broadcast %logistic3A_322 : f32 to vector<1250x16xf32>
    %logistic3A_324 = arith.addf %logistic3A_323, %logistic3A_321 : vector<1250x16xf32>
    %logistic3A_325 = arith.divf %logistic3A_323, %logistic3A_324 : vector<1250x16xf32>
    %slice3A_326 = vector.extract_strided_slice %add3A_312 {offsets = [0, 16], sizes = [1250, 16], strides = [1, 1]} : vector<1250x48xf32> to vector<1250x16xf32>
    %slice3A_327 = vector.extract_strided_slice %add3A_316 {offsets = [0, 16], sizes = [1250, 16], strides = [1, 1]} : vector<1250x48xf32> to vector<1250x16xf32>
    %add3A_328 = arith.addf %slice3A_326, %slice3A_327 : vector<1250x16xf32>
    %logistic3A_329 = arith.negf %add3A_328 : vector<1250x16xf32>
    %logistic3A_330 = math.exp %logistic3A_329 : vector<1250x16xf32>
    %logistic3A_331 = arith.constant 1.000000e+00 : f32
    %logistic3A_332 = vector.broadcast %logistic3A_331 : f32 to vector<1250x16xf32>
    %logistic3A_333 = arith.addf %logistic3A_332, %logistic3A_330 : vector<1250x16xf32>
    %logistic3A_334 = arith.divf %logistic3A_332, %logistic3A_333 : vector<1250x16xf32>
    %slice3A_335 = vector.extract_strided_slice %add3A_312 {offsets = [0, 32], sizes = [1250, 16], strides = [1, 1]} : vector<1250x48xf32> to vector<1250x16xf32>
    %slice3A_336 = vector.extract_strided_slice %add3A_316 {offsets = [0, 32], sizes = [1250, 16], strides = [1, 1]} : vector<1250x48xf32> to vector<1250x16xf32>
    %mul3A_337 = arith.mulf %logistic3A_325, %slice3A_336 : vector<1250x16xf32>
    %add3A_338 = arith.addf %slice3A_335, %mul3A_337 : vector<1250x16xf32>
    %tanh3A_339 = math.tanh %add3A_338 : vector<1250x16xf32>
    %sub3A_340 = arith.constant 1.000000e+00 : f32
    %sub3A_341 = vector.broadcast %sub3A_340 : f32 to vector<1250x16xf32>
    %sub3A_342 = arith.subf %sub3A_341, %logistic3A_334 : vector<1250x16xf32>
    %mul3A_343 = arith.mulf %sub3A_342, %tanh3A_339 : vector<1250x16xf32>
    %mul3A_344 = arith.mulf %logistic3A_334, %get3A_288 : vector<1250x16xf32>
    %add3A_345 = arith.addf %mul3A_343, %mul3A_344 : vector<1250x16xf32>
    %get3A_346 = arith.constant 0 : index
    %get3A_347 = arith.constant 0 : index
    %get3A_348 = arith.constant 80 : index
    %get3A_349 = vector.load %arg0[%get3A_346, %get3A_347, %get3A_348] : memref<2x1280x128xf32, #tpu.memory_space<vmem>>, vector<1x1250x16xf32>
    %get3A_350 = vector.shape_cast %get3A_349 : vector<1x1250x16xf32> to vector<1250x16xf32>
    %get3A_351 = arith.constant 1 : index
    %get3A_352 = arith.constant 0 : index
    %get3A_353 = arith.constant 80 : index
    %get3A_354 = vector.load %arg0[%get3A_351, %get3A_352, %get3A_353] : memref<2x1280x128xf32, #tpu.memory_space<vmem>>, vector<1x1250x16xf32>
    %get3A_355 = vector.shape_cast %get3A_354 : vector<1x1250x16xf32> to vector<1250x16xf32>
    %add3A_356 = arith.addf %get3A_350, %get3A_355 : vector<1250x16xf32>
    %get3A_357 = arith.constant 0 : index
    %get3A_358 = arith.constant 80 : index
    %get3A_359 = vector.load %arg1[%get3A_357, %get3A_358] : memref<1250x128xf32, #tpu.memory_space<vmem>>, vector<1250x16xf32>
    %get3A_360 = arith.constant 0 : index
    %get3A_361 = arith.constant 0 : index
    %get3A_362 = vector.load %arg2[%get3A_360, %get3A_361] : memref<16x48xf32, #tpu.memory_space<vmem>>, vector<16x48xf32>
    %get3A_363 = arith.constant 0 : index
    %get3A_364 = arith.constant 0 : index
    %get3A_365 = vector.load %arg3[%get3A_363, %get3A_364] : memref<16x48xf32, #tpu.memory_space<vmem>>, vector<16x48xf32>
    %get3A_366 = arith.constant 0 : index
    %get3A_367 = arith.constant 0 : index
    %get3A_368 = vector.load %arg4[%get3A_366, %get3A_367] : memref<1x48xf32, #tpu.memory_space<vmem>>, vector<1x48xf32>
    %get3A_369 = arith.constant 0 : index
    %get3A_370 = arith.constant 0 : index
    %get3A_371 = vector.load %arg5[%get3A_369, %get3A_370] : memref<1x48xf32, #tpu.memory_space<vmem>>, vector<1x48xf32>
    %get3A_372 = arith.constant 0 : index
    %get3A_373 = arith.constant 0 : index
    %get3A_374 = vector.load %arg6[%get3A_372, %get3A_373] : memref<1x16xf32, #tpu.memory_space<vmem>>, vector<1x16xf32>
    %add3A_375 = vector.broadcast %get3A_374 : vector<1x16xf32> to vector<1250x16xf32>
    %add3A_376 = arith.addf %add3A_356, %add3A_375 : vector<1250x16xf32>
    %max3A_377 = arith.constant 0.000000e+00 : f32
    %max3A_378 = vector.broadcast %max3A_377 : f32 to vector<1250x16xf32>
    %max3A_379 = arith.maximumf %add3A_376, %max3A_378 : vector<1250x16xf32>
    %dot_general3A_380 = arith.constant dense<0.000000e+00> : vector<1250x48xf32>
    %dot_general3A_381 = tpu.matmul %max3A_379, %get3A_362, %dot_general3A_380 {dimension_numbers = #tpu.dot_dimension_numbers<[1], [0], [0], [1], [0, 0, 1, 1], [], []>, transpose_lhs_hint = false} : vector<1250x16xf32>, vector<16x48xf32>, vector<1250x48xf32> -> vector<1250x48xf32>
    %add3A_382 = vector.broadcast %get3A_368 : vector<1x48xf32> to vector<1250x48xf32>
    %add3A_383 = arith.addf %dot_general3A_381, %add3A_382 : vector<1250x48xf32>
    %dot_general3A_384 = arith.constant dense<0.000000e+00> : vector<1250x48xf32>
    %dot_general3A_385 = tpu.matmul %get3A_359, %get3A_365, %dot_general3A_384 {dimension_numbers = #tpu.dot_dimension_numbers<[1], [0], [0], [1], [0, 0, 1, 1], [], []>, transpose_lhs_hint = false} : vector<1250x16xf32>, vector<16x48xf32>, vector<1250x48xf32> -> vector<1250x48xf32>
    %add3A_386 = vector.broadcast %get3A_371 : vector<1x48xf32> to vector<1250x48xf32>
    %add3A_387 = arith.addf %dot_general3A_385, %add3A_386 : vector<1250x48xf32>
    %slice3A_388 = vector.extract_strided_slice %add3A_383 {offsets = [0, 0], sizes = [1250, 16], strides = [1, 1]} : vector<1250x48xf32> to vector<1250x16xf32>
    %slice3A_389 = vector.extract_strided_slice %add3A_387 {offsets = [0, 0], sizes = [1250, 16], strides = [1, 1]} : vector<1250x48xf32> to vector<1250x16xf32>
    %add3A_390 = arith.addf %slice3A_388, %slice3A_389 : vector<1250x16xf32>
    %logistic3A_391 = arith.negf %add3A_390 : vector<1250x16xf32>
    %logistic3A_392 = math.exp %logistic3A_391 : vector<1250x16xf32>
    %logistic3A_393 = arith.constant 1.000000e+00 : f32
    %logistic3A_394 = vector.broadcast %logistic3A_393 : f32 to vector<1250x16xf32>
    %logistic3A_395 = arith.addf %logistic3A_394, %logistic3A_392 : vector<1250x16xf32>
    %logistic3A_396 = arith.divf %logistic3A_394, %logistic3A_395 : vector<1250x16xf32>
    %slice3A_397 = vector.extract_strided_slice %add3A_383 {offsets = [0, 16], sizes = [1250, 16], strides = [1, 1]} : vector<1250x48xf32> to vector<1250x16xf32>
    %slice3A_398 = vector.extract_strided_slice %add3A_387 {offsets = [0, 16], sizes = [1250, 16], strides = [1, 1]} : vector<1250x48xf32> to vector<1250x16xf32>
    %add3A_399 = arith.addf %slice3A_397, %slice3A_398 : vector<1250x16xf32>
    %logistic3A_400 = arith.negf %add3A_399 : vector<1250x16xf32>
    %logistic3A_401 = math.exp %logistic3A_400 : vector<1250x16xf32>
    %logistic3A_402 = arith.constant 1.000000e+00 : f32
    %logistic3A_403 = vector.broadcast %logistic3A_402 : f32 to vector<1250x16xf32>
    %logistic3A_404 = arith.addf %logistic3A_403, %logistic3A_401 : vector<1250x16xf32>
    %logistic3A_405 = arith.divf %logistic3A_403, %logistic3A_404 : vector<1250x16xf32>
    %slice3A_406 = vector.extract_strided_slice %add3A_383 {offsets = [0, 32], sizes = [1250, 16], strides = [1, 1]} : vector<1250x48xf32> to vector<1250x16xf32>
    %slice3A_407 = vector.extract_strided_slice %add3A_387 {offsets = [0, 32], sizes = [1250, 16], strides = [1, 1]} : vector<1250x48xf32> to vector<1250x16xf32>
    %mul3A_408 = arith.mulf %logistic3A_396, %slice3A_407 : vector<1250x16xf32>
    %add3A_409 = arith.addf %slice3A_406, %mul3A_408 : vector<1250x16xf32>
    %tanh3A_410 = math.tanh %add3A_409 : vector<1250x16xf32>
    %sub3A_411 = arith.constant 1.000000e+00 : f32
    %sub3A_412 = vector.broadcast %sub3A_411 : f32 to vector<1250x16xf32>
    %sub3A_413 = arith.subf %sub3A_412, %logistic3A_405 : vector<1250x16xf32>
    %mul3A_414 = arith.mulf %sub3A_413, %tanh3A_410 : vector<1250x16xf32>
    %mul3A_415 = arith.mulf %logistic3A_405, %get3A_359 : vector<1250x16xf32>
    %add3A_416 = arith.addf %mul3A_414, %mul3A_415 : vector<1250x16xf32>
    %get3A_417 = arith.constant 0 : index
    %get3A_418 = arith.constant 0 : index
    %get3A_419 = arith.constant 96 : index
    %get3A_420 = vector.load %arg0[%get3A_417, %get3A_418, %get3A_419] : memref<2x1280x128xf32, #tpu.memory_space<vmem>>, vector<1x1250x16xf32>
    %get3A_421 = vector.shape_cast %get3A_420 : vector<1x1250x16xf32> to vector<1250x16xf32>
    %get3A_422 = arith.constant 1 : index
    %get3A_423 = arith.constant 0 : index
    %get3A_424 = arith.constant 96 : index
    %get3A_425 = vector.load %arg0[%get3A_422, %get3A_423, %get3A_424] : memref<2x1280x128xf32, #tpu.memory_space<vmem>>, vector<1x1250x16xf32>
    %get3A_426 = vector.shape_cast %get3A_425 : vector<1x1250x16xf32> to vector<1250x16xf32>
    %add3A_427 = arith.addf %get3A_421, %get3A_426 : vector<1250x16xf32>
    %get3A_428 = arith.constant 0 : index
    %get3A_429 = arith.constant 96 : index
    %get3A_430 = vector.load %arg1[%get3A_428, %get3A_429] : memref<1250x128xf32, #tpu.memory_space<vmem>>, vector<1250x16xf32>
    %get3A_431 = arith.constant 0 : index
    %get3A_432 = arith.constant 0 : index
    %get3A_433 = vector.load %arg2[%get3A_431, %get3A_432] : memref<16x48xf32, #tpu.memory_space<vmem>>, vector<16x48xf32>
    %get3A_434 = arith.constant 0 : index
    %get3A_435 = arith.constant 0 : index
    %get3A_436 = vector.load %arg3[%get3A_434, %get3A_435] : memref<16x48xf32, #tpu.memory_space<vmem>>, vector<16x48xf32>
    %get3A_437 = arith.constant 0 : index
    %get3A_438 = arith.constant 0 : index
    %get3A_439 = vector.load %arg4[%get3A_437, %get3A_438] : memref<1x48xf32, #tpu.memory_space<vmem>>, vector<1x48xf32>
    %get3A_440 = arith.constant 0 : index
    %get3A_441 = arith.constant 0 : index
    %get3A_442 = vector.load %arg5[%get3A_440, %get3A_441] : memref<1x48xf32, #tpu.memory_space<vmem>>, vector<1x48xf32>
    %get3A_443 = arith.constant 0 : index
    %get3A_444 = arith.constant 0 : index
    %get3A_445 = vector.load %arg6[%get3A_443, %get3A_444] : memref<1x16xf32, #tpu.memory_space<vmem>>, vector<1x16xf32>
    %add3A_446 = vector.broadcast %get3A_445 : vector<1x16xf32> to vector<1250x16xf32>
    %add3A_447 = arith.addf %add3A_427, %add3A_446 : vector<1250x16xf32>
    %max3A_448 = arith.constant 0.000000e+00 : f32
    %max3A_449 = vector.broadcast %max3A_448 : f32 to vector<1250x16xf32>
    %max3A_450 = arith.maximumf %add3A_447, %max3A_449 : vector<1250x16xf32>
    %dot_general3A_451 = arith.constant dense<0.000000e+00> : vector<1250x48xf32>
    %dot_general3A_452 = tpu.matmul %max3A_450, %get3A_433, %dot_general3A_451 {dimension_numbers = #tpu.dot_dimension_numbers<[1], [0], [0], [1], [0, 0, 1, 1], [], []>, transpose_lhs_hint = false} : vector<1250x16xf32>, vector<16x48xf32>, vector<1250x48xf32> -> vector<1250x48xf32>
    %add3A_453 = vector.broadcast %get3A_439 : vector<1x48xf32> to vector<1250x48xf32>
    %add3A_454 = arith.addf %dot_general3A_452, %add3A_453 : vector<1250x48xf32>
    %dot_general3A_455 = arith.constant dense<0.000000e+00> : vector<1250x48xf32>
    %dot_general3A_456 = tpu.matmul %get3A_430, %get3A_436, %dot_general3A_455 {dimension_numbers = #tpu.dot_dimension_numbers<[1], [0], [0], [1], [0, 0, 1, 1], [], []>, transpose_lhs_hint = false} : vector<1250x16xf32>, vector<16x48xf32>, vector<1250x48xf32> -> vector<1250x48xf32>
    %add3A_457 = vector.broadcast %get3A_442 : vector<1x48xf32> to vector<1250x48xf32>
    %add3A_458 = arith.addf %dot_general3A_456, %add3A_457 : vector<1250x48xf32>
    %slice3A_459 = vector.extract_strided_slice %add3A_454 {offsets = [0, 0], sizes = [1250, 16], strides = [1, 1]} : vector<1250x48xf32> to vector<1250x16xf32>
    %slice3A_460 = vector.extract_strided_slice %add3A_458 {offsets = [0, 0], sizes = [1250, 16], strides = [1, 1]} : vector<1250x48xf32> to vector<1250x16xf32>
    %add3A_461 = arith.addf %slice3A_459, %slice3A_460 : vector<1250x16xf32>
    %logistic3A_462 = arith.negf %add3A_461 : vector<1250x16xf32>
    %logistic3A_463 = math.exp %logistic3A_462 : vector<1250x16xf32>
    %logistic3A_464 = arith.constant 1.000000e+00 : f32
    %logistic3A_465 = vector.broadcast %logistic3A_464 : f32 to vector<1250x16xf32>
    %logistic3A_466 = arith.addf %logistic3A_465, %logistic3A_463 : vector<1250x16xf32>
    %logistic3A_467 = arith.divf %logistic3A_465, %logistic3A_466 : vector<1250x16xf32>
    %slice3A_468 = vector.extract_strided_slice %add3A_454 {offsets = [0, 16], sizes = [1250, 16], strides = [1, 1]} : vector<1250x48xf32> to vector<1250x16xf32>
    %slice3A_469 = vector.extract_strided_slice %add3A_458 {offsets = [0, 16], sizes = [1250, 16], strides = [1, 1]} : vector<1250x48xf32> to vector<1250x16xf32>
    %add3A_470 = arith.addf %slice3A_468, %slice3A_469 : vector<1250x16xf32>
    %logistic3A_471 = arith.negf %add3A_470 : vector<1250x16xf32>
    %logistic3A_472 = math.exp %logistic3A_471 : vector<1250x16xf32>
    %logistic3A_473 = arith.constant 1.000000e+00 : f32
    %logistic3A_474 = vector.broadcast %logistic3A_473 : f32 to vector<1250x16xf32>
    %logistic3A_475 = arith.addf %logistic3A_474, %logistic3A_472 : vector<1250x16xf32>
    %logistic3A_476 = arith.divf %logistic3A_474, %logistic3A_475 : vector<1250x16xf32>
    %slice3A_477 = vector.extract_strided_slice %add3A_454 {offsets = [0, 32], sizes = [1250, 16], strides = [1, 1]} : vector<1250x48xf32> to vector<1250x16xf32>
    %slice3A_478 = vector.extract_strided_slice %add3A_458 {offsets = [0, 32], sizes = [1250, 16], strides = [1, 1]} : vector<1250x48xf32> to vector<1250x16xf32>
    %mul3A_479 = arith.mulf %logistic3A_467, %slice3A_478 : vector<1250x16xf32>
    %add3A_480 = arith.addf %slice3A_477, %mul3A_479 : vector<1250x16xf32>
    %tanh3A_481 = math.tanh %add3A_480 : vector<1250x16xf32>
    %sub3A_482 = arith.constant 1.000000e+00 : f32
    %sub3A_483 = vector.broadcast %sub3A_482 : f32 to vector<1250x16xf32>
    %sub3A_484 = arith.subf %sub3A_483, %logistic3A_476 : vector<1250x16xf32>
    %mul3A_485 = arith.mulf %sub3A_484, %tanh3A_481 : vector<1250x16xf32>
    %mul3A_486 = arith.mulf %logistic3A_476, %get3A_430 : vector<1250x16xf32>
    %add3A_487 = arith.addf %mul3A_485, %mul3A_486 : vector<1250x16xf32>
    %get3A_488 = arith.constant 0 : index
    %get3A_489 = arith.constant 0 : index
    %get3A_490 = arith.constant 112 : index
    %get3A_491 = vector.load %arg0[%get3A_488, %get3A_489, %get3A_490] : memref<2x1280x128xf32, #tpu.memory_space<vmem>>, vector<1x1250x16xf32>
    %get3A_492 = vector.shape_cast %get3A_491 : vector<1x1250x16xf32> to vector<1250x16xf32>
    %get3A_493 = arith.constant 1 : index
    %get3A_494 = arith.constant 0 : index
    %get3A_495 = arith.constant 112 : index
    %get3A_496 = vector.load %arg0[%get3A_493, %get3A_494, %get3A_495] : memref<2x1280x128xf32, #tpu.memory_space<vmem>>, vector<1x1250x16xf32>
    %get3A_497 = vector.shape_cast %get3A_496 : vector<1x1250x16xf32> to vector<1250x16xf32>
    %add3A_498 = arith.addf %get3A_492, %get3A_497 : vector<1250x16xf32>
    %get3A_499 = arith.constant 0 : index
    %get3A_500 = arith.constant 112 : index
    %get3A_501 = vector.load %arg1[%get3A_499, %get3A_500] : memref<1250x128xf32, #tpu.memory_space<vmem>>, vector<1250x16xf32>
    %get3A_502 = arith.constant 0 : index
    %get3A_503 = arith.constant 0 : index
    %get3A_504 = vector.load %arg2[%get3A_502, %get3A_503] : memref<16x48xf32, #tpu.memory_space<vmem>>, vector<16x48xf32>
    %get3A_505 = arith.constant 0 : index
    %get3A_506 = arith.constant 0 : index
    %get3A_507 = vector.load %arg3[%get3A_505, %get3A_506] : memref<16x48xf32, #tpu.memory_space<vmem>>, vector<16x48xf32>
    %get3A_508 = arith.constant 0 : index
    %get3A_509 = arith.constant 0 : index
    %get3A_510 = vector.load %arg4[%get3A_508, %get3A_509] : memref<1x48xf32, #tpu.memory_space<vmem>>, vector<1x48xf32>
    %get3A_511 = arith.constant 0 : index
    %get3A_512 = arith.constant 0 : index
    %get3A_513 = vector.load %arg5[%get3A_511, %get3A_512] : memref<1x48xf32, #tpu.memory_space<vmem>>, vector<1x48xf32>
    %get3A_514 = arith.constant 0 : index
    %get3A_515 = arith.constant 0 : index
    %get3A_516 = vector.load %arg6[%get3A_514, %get3A_515] : memref<1x16xf32, #tpu.memory_space<vmem>>, vector<1x16xf32>
    %add3A_517 = vector.broadcast %get3A_516 : vector<1x16xf32> to vector<1250x16xf32>
    %add3A_518 = arith.addf %add3A_498, %add3A_517 : vector<1250x16xf32>
    %max3A_519 = arith.constant 0.000000e+00 : f32
    %max3A_520 = vector.broadcast %max3A_519 : f32 to vector<1250x16xf32>
    %max3A_521 = arith.maximumf %add3A_518, %max3A_520 : vector<1250x16xf32>
    %dot_general3A_522 = arith.constant dense<0.000000e+00> : vector<1250x48xf32>
    %dot_general3A_523 = tpu.matmul %max3A_521, %get3A_504, %dot_general3A_522 {dimension_numbers = #tpu.dot_dimension_numbers<[1], [0], [0], [1], [0, 0, 1, 1], [], []>, transpose_lhs_hint = false} : vector<1250x16xf32>, vector<16x48xf32>, vector<1250x48xf32> -> vector<1250x48xf32>
    %add3A_524 = vector.broadcast %get3A_510 : vector<1x48xf32> to vector<1250x48xf32>
    %add3A_525 = arith.addf %dot_general3A_523, %add3A_524 : vector<1250x48xf32>
    %dot_general3A_526 = arith.constant dense<0.000000e+00> : vector<1250x48xf32>
    %dot_general3A_527 = tpu.matmul %get3A_501, %get3A_507, %dot_general3A_526 {dimension_numbers = #tpu.dot_dimension_numbers<[1], [0], [0], [1], [0, 0, 1, 1], [], []>, transpose_lhs_hint = false} : vector<1250x16xf32>, vector<16x48xf32>, vector<1250x48xf32> -> vector<1250x48xf32>
    %add3A_528 = vector.broadcast %get3A_513 : vector<1x48xf32> to vector<1250x48xf32>
    %add3A_529 = arith.addf %dot_general3A_527, %add3A_528 : vector<1250x48xf32>
    %slice3A_530 = vector.extract_strided_slice %add3A_525 {offsets = [0, 0], sizes = [1250, 16], strides = [1, 1]} : vector<1250x48xf32> to vector<1250x16xf32>
    %slice3A_531 = vector.extract_strided_slice %add3A_529 {offsets = [0, 0], sizes = [1250, 16], strides = [1, 1]} : vector<1250x48xf32> to vector<1250x16xf32>
    %add3A_532 = arith.addf %slice3A_530, %slice3A_531 : vector<1250x16xf32>
    %logistic3A_533 = arith.negf %add3A_532 : vector<1250x16xf32>
    %logistic3A_534 = math.exp %logistic3A_533 : vector<1250x16xf32>
    %logistic3A_535 = arith.constant 1.000000e+00 : f32
    %logistic3A_536 = vector.broadcast %logistic3A_535 : f32 to vector<1250x16xf32>
    %logistic3A_537 = arith.addf %logistic3A_536, %logistic3A_534 : vector<1250x16xf32>
    %logistic3A_538 = arith.divf %logistic3A_536, %logistic3A_537 : vector<1250x16xf32>
    %slice3A_539 = vector.extract_strided_slice %add3A_525 {offsets = [0, 16], sizes = [1250, 16], strides = [1, 1]} : vector<1250x48xf32> to vector<1250x16xf32>
    %slice3A_540 = vector.extract_strided_slice %add3A_529 {offsets = [0, 16], sizes = [1250, 16], strides = [1, 1]} : vector<1250x48xf32> to vector<1250x16xf32>
    %add3A_541 = arith.addf %slice3A_539, %slice3A_540 : vector<1250x16xf32>
    %logistic3A_542 = arith.negf %add3A_541 : vector<1250x16xf32>
    %logistic3A_543 = math.exp %logistic3A_542 : vector<1250x16xf32>
    %logistic3A_544 = arith.constant 1.000000e+00 : f32
    %logistic3A_545 = vector.broadcast %logistic3A_544 : f32 to vector<1250x16xf32>
    %logistic3A_546 = arith.addf %logistic3A_545, %logistic3A_543 : vector<1250x16xf32>
    %logistic3A_547 = arith.divf %logistic3A_545, %logistic3A_546 : vector<1250x16xf32>
    %slice3A_548 = vector.extract_strided_slice %add3A_525 {offsets = [0, 32], sizes = [1250, 16], strides = [1, 1]} : vector<1250x48xf32> to vector<1250x16xf32>
    %slice3A_549 = vector.extract_strided_slice %add3A_529 {offsets = [0, 32], sizes = [1250, 16], strides = [1, 1]} : vector<1250x48xf32> to vector<1250x16xf32>
    %mul3A_550 = arith.mulf %logistic3A_538, %slice3A_549 : vector<1250x16xf32>
    %add3A_551 = arith.addf %slice3A_548, %mul3A_550 : vector<1250x16xf32>
    %tanh3A_552 = math.tanh %add3A_551 : vector<1250x16xf32>
    %sub3A_553 = arith.constant 1.000000e+00 : f32
    %sub3A_554 = vector.broadcast %sub3A_553 : f32 to vector<1250x16xf32>
    %sub3A_555 = arith.subf %sub3A_554, %logistic3A_547 : vector<1250x16xf32>
    %mul3A_556 = arith.mulf %sub3A_555, %tanh3A_552 : vector<1250x16xf32>
    %mul3A_557 = arith.mulf %logistic3A_547, %get3A_501 : vector<1250x16xf32>
    %add3A_558 = arith.addf %mul3A_556, %mul3A_557 : vector<1250x16xf32>
    %get3A_559 = arith.constant 0 : index
    %get3A_560 = arith.constant 0 : index
    %get3A_561 = vector.load %arg7[%get3A_559, %get3A_560] : memref<1250x128xf32, #tpu.memory_space<vmem>>, vector<1250x16xf32>
    %concatenate3A = tpu.concatenate %get3A_561, %add3A_61 in 1 : vector<1250x16xf32>, vector<1250x16xf32> -> vector<1250x32xf32>
    %get3A_562 = arith.constant 0 : index
    %get3A_563 = arith.constant 16 : index
    %get3A_564 = vector.load %arg7[%get3A_562, %get3A_563] : memref<1250x128xf32, #tpu.memory_space<vmem>>, vector<1250x16xf32>
    %concatenate3A_565 = tpu.concatenate %get3A_564, %add3A_132 in 1 : vector<1250x16xf32>, vector<1250x16xf32> -> vector<1250x32xf32>
    %get3A_566 = arith.constant 0 : index
    %get3A_567 = arith.constant 32 : index
    %get3A_568 = vector.load %arg7[%get3A_566, %get3A_567] : memref<1250x128xf32, #tpu.memory_space<vmem>>, vector<1250x16xf32>
    %concatenate3A_569 = tpu.concatenate %get3A_568, %add3A_203 in 1 : vector<1250x16xf32>, vector<1250x16xf32> -> vector<1250x32xf32>
    %get3A_570 = arith.constant 0 : index
    %get3A_571 = arith.constant 48 : index
    %get3A_572 = vector.load %arg7[%get3A_570, %get3A_571] : memref<1250x128xf32, #tpu.memory_space<vmem>>, vector<1250x16xf32>
    %concatenate3A_573 = tpu.concatenate %get3A_572, %add3A_274 in 1 : vector<1250x16xf32>, vector<1250x16xf32> -> vector<1250x32xf32>
    %get3A_574 = arith.constant 0 : index
    %get3A_575 = arith.constant 64 : index
    %get3A_576 = vector.load %arg7[%get3A_574, %get3A_575] : memref<1250x128xf32, #tpu.memory_space<vmem>>, vector<1250x16xf32>
    %concatenate3A_577 = tpu.concatenate %get3A_576, %add3A_345 in 1 : vector<1250x16xf32>, vector<1250x16xf32> -> vector<1250x32xf32>
    %get3A_578 = arith.constant 0 : index
    %get3A_579 = arith.constant 80 : index
    %get3A_580 = vector.load %arg7[%get3A_578, %get3A_579] : memref<1250x128xf32, #tpu.memory_space<vmem>>, vector<1250x16xf32>
    %concatenate3A_581 = tpu.concatenate %get3A_580, %add3A_416 in 1 : vector<1250x16xf32>, vector<1250x16xf32> -> vector<1250x32xf32>
    %get3A_582 = arith.constant 0 : index
    %get3A_583 = arith.constant 96 : index
    %get3A_584 = vector.load %arg7[%get3A_582, %get3A_583] : memref<1250x128xf32, #tpu.memory_space<vmem>>, vector<1250x16xf32>
    %concatenate3A_585 = tpu.concatenate %get3A_584, %add3A_487 in 1 : vector<1250x16xf32>, vector<1250x16xf32> -> vector<1250x32xf32>
    %get3A_586 = arith.constant 0 : index
    %get3A_587 = arith.constant 112 : index
    %get3A_588 = vector.load %arg7[%get3A_586, %get3A_587] : memref<1250x128xf32, #tpu.memory_space<vmem>>, vector<1250x16xf32>
    %concatenate3A_589 = tpu.concatenate %get3A_588, %add3A_558 in 1 : vector<1250x16xf32>, vector<1250x16xf32> -> vector<1250x32xf32>
    %broadcast_in_dim3A = arith.constant 0.000000e+00 : f32
    %broadcast_in_dim3A_590 = vector.broadcast %broadcast_in_dim3A : f32 to vector<1x64xf32>
    %broadcast_in_dim3A_591 = arith.constant 0.000000e+00 : f32
    %broadcast_in_dim3A_592 = vector.broadcast %broadcast_in_dim3A_591 : f32 to vector<1x32xf32>
    %broadcast_in_dim3A_593 = arith.constant 0.000000e+00 : f32
    %broadcast_in_dim3A_594 = vector.broadcast %broadcast_in_dim3A_593 : f32 to vector<1x32xf32>
    %get3A_595 = arith.constant 0 : index
    %get3A_596 = arith.constant 0 : index
    %get3A_597 = vector.load %arg8[%get3A_595, %get3A_596] : memref<64x128xf32, #tpu.memory_space<vmem>>, vector<64x128xf32>
    %dot_general3A_598 = arith.constant dense<0.000000e+00> : vector<1x128xf32>
    %dot_general3A_599 = tpu.matmul %broadcast_in_dim3A_590, %get3A_597, %dot_general3A_598 {dimension_numbers = #tpu.dot_dimension_numbers<[1], [0], [0], [1], [0, 0, 1, 1], [], []>, transpose_lhs_hint = false} : vector<1x64xf32>, vector<64x128xf32>, vector<1x128xf32> -> vector<1x128xf32>
    %get3A_600 = arith.constant 0 : index
    %get3A_601 = arith.constant 0 : index
    %get3A_602 = vector.load %arg10[%get3A_600, %get3A_601] : memref<1x128xf32, #tpu.memory_space<vmem>>, vector<1x128xf32>
    %add3A_603 = arith.addf %dot_general3A_599, %get3A_602 : vector<1x128xf32>
    %get3A_604 = arith.constant 0 : index
    %get3A_605 = arith.constant 0 : index
    %get3A_606 = vector.load %arg9[%get3A_604, %get3A_605] : memref<32x128xf32, #tpu.memory_space<vmem>>, vector<32x128xf32>
    %dot_general3A_607 = arith.constant dense<0.000000e+00> : vector<1x128xf32>
    %dot_general3A_608 = tpu.matmul %broadcast_in_dim3A_592, %get3A_606, %dot_general3A_607 {dimension_numbers = #tpu.dot_dimension_numbers<[1], [0], [0], [1], [0, 0, 1, 1], [], []>, transpose_lhs_hint = false} : vector<1x32xf32>, vector<32x128xf32>, vector<1x128xf32> -> vector<1x128xf32>
    %add3A_609 = arith.addf %add3A_603, %dot_general3A_608 : vector<1x128xf32>
    %get3A_610 = arith.constant 0 : index
    %get3A_611 = arith.constant 0 : index
    %get3A_612 = vector.load %arg11[%get3A_610, %get3A_611] : memref<1x128xf32, #tpu.memory_space<vmem>>, vector<1x128xf32>
    %add3A_613 = arith.addf %add3A_609, %get3A_612 : vector<1x128xf32>
    %slice3A_614 = vector.extract_strided_slice %add3A_613 {offsets = [0, 0], sizes = [1, 32], strides = [1, 1]} : vector<1x128xf32> to vector<1x32xf32>
    %logistic3A_615 = arith.negf %slice3A_614 : vector<1x32xf32>
    %logistic3A_616 = math.exp %logistic3A_615 : vector<1x32xf32>
    %logistic3A_617 = arith.constant 1.000000e+00 : f32
    %logistic3A_618 = vector.broadcast %logistic3A_617 : f32 to vector<1x32xf32>
    %logistic3A_619 = arith.addf %logistic3A_618, %logistic3A_616 : vector<1x32xf32>
    %logistic3A_620 = arith.divf %logistic3A_618, %logistic3A_619 : vector<1x32xf32>
    %slice3A_621 = vector.extract_strided_slice %add3A_613 {offsets = [0, 32], sizes = [1, 32], strides = [1, 1]} : vector<1x128xf32> to vector<1x32xf32>
    %logistic3A_622 = arith.negf %slice3A_621 : vector<1x32xf32>
    %logistic3A_623 = math.exp %logistic3A_622 : vector<1x32xf32>
    %logistic3A_624 = arith.constant 1.000000e+00 : f32
    %logistic3A_625 = vector.broadcast %logistic3A_624 : f32 to vector<1x32xf32>
    %logistic3A_626 = arith.addf %logistic3A_625, %logistic3A_623 : vector<1x32xf32>
    %logistic3A_627 = arith.divf %logistic3A_625, %logistic3A_626 : vector<1x32xf32>
    %slice3A_628 = vector.extract_strided_slice %add3A_613 {offsets = [0, 64], sizes = [1, 32], strides = [1, 1]} : vector<1x128xf32> to vector<1x32xf32>
    %tanh3A_629 = math.tanh %slice3A_628 : vector<1x32xf32>
    %slice3A_630 = vector.extract_strided_slice %add3A_613 {offsets = [0, 96], sizes = [1, 32], strides = [1, 1]} : vector<1x128xf32> to vector<1x32xf32>
    %logistic3A_631 = arith.negf %slice3A_630 : vector<1x32xf32>
    %logistic3A_632 = math.exp %logistic3A_631 : vector<1x32xf32>
    %logistic3A_633 = arith.constant 1.000000e+00 : f32
    %logistic3A_634 = vector.broadcast %logistic3A_633 : f32 to vector<1x32xf32>
    %logistic3A_635 = arith.addf %logistic3A_634, %logistic3A_632 : vector<1x32xf32>
    %logistic3A_636 = arith.divf %logistic3A_634, %logistic3A_635 : vector<1x32xf32>
    %mul3A_637 = arith.mulf %logistic3A_627, %broadcast_in_dim3A_594 : vector<1x32xf32>
    %mul3A_638 = arith.mulf %logistic3A_620, %tanh3A_629 : vector<1x32xf32>
    %add3A_639 = arith.addf %mul3A_637, %mul3A_638 : vector<1x32xf32>
    %tanh3A_640 = math.tanh %add3A_639 : vector<1x32xf32>
    %mul3A_641 = arith.mulf %logistic3A_636, %tanh3A_640 : vector<1x32xf32>
    %mul3A_642 = vector.broadcast %mul3A_641 : vector<1x32xf32> to vector<1250x32xf32>
    %mul3A_643 = arith.mulf %concatenate3A, %mul3A_642 : vector<1250x32xf32>
    %reduce_sum3A = arith.constant dense<0.000000e+00> : vector<1250xf32>
    %reduce_sum3A_644 = vector.multi_reduction <add>, %mul3A_643, %reduce_sum3A [1] : vector<1250x32xf32> to vector<1250xf32>
    %broadcast_in_dim3A_645 = vector.shape_cast %reduce_sum3A_644 : vector<1250xf32> to vector<1250x1xf32>
    %mul3A_646 = vector.broadcast %mul3A_641 : vector<1x32xf32> to vector<1250x32xf32>
    %mul3A_647 = arith.mulf %concatenate3A_565, %mul3A_646 : vector<1250x32xf32>
    %reduce_sum3A_648 = arith.constant dense<0.000000e+00> : vector<1250xf32>
    %reduce_sum3A_649 = vector.multi_reduction <add>, %mul3A_647, %reduce_sum3A_648 [1] : vector<1250x32xf32> to vector<1250xf32>
    %broadcast_in_dim3A_650 = vector.shape_cast %reduce_sum3A_649 : vector<1250xf32> to vector<1250x1xf32>
    %mul3A_651 = vector.broadcast %mul3A_641 : vector<1x32xf32> to vector<1250x32xf32>
    %mul3A_652 = arith.mulf %concatenate3A_569, %mul3A_651 : vector<1250x32xf32>
    %reduce_sum3A_653 = arith.constant dense<0.000000e+00> : vector<1250xf32>
    %reduce_sum3A_654 = vector.multi_reduction <add>, %mul3A_652, %reduce_sum3A_653 [1] : vector<1250x32xf32> to vector<1250xf32>
    %broadcast_in_dim3A_655 = vector.shape_cast %reduce_sum3A_654 : vector<1250xf32> to vector<1250x1xf32>
    %mul3A_656 = vector.broadcast %mul3A_641 : vector<1x32xf32> to vector<1250x32xf32>
    %mul3A_657 = arith.mulf %concatenate3A_573, %mul3A_656 : vector<1250x32xf32>
    %reduce_sum3A_658 = arith.constant dense<0.000000e+00> : vector<1250xf32>
    %reduce_sum3A_659 = vector.multi_reduction <add>, %mul3A_657, %reduce_sum3A_658 [1] : vector<1250x32xf32> to vector<1250xf32>
    %broadcast_in_dim3A_660 = vector.shape_cast %reduce_sum3A_659 : vector<1250xf32> to vector<1250x1xf32>
    %mul3A_661 = vector.broadcast %mul3A_641 : vector<1x32xf32> to vector<1250x32xf32>
    %mul3A_662 = arith.mulf %concatenate3A_577, %mul3A_661 : vector<1250x32xf32>
    %reduce_sum3A_663 = arith.constant dense<0.000000e+00> : vector<1250xf32>
    %reduce_sum3A_664 = vector.multi_reduction <add>, %mul3A_662, %reduce_sum3A_663 [1] : vector<1250x32xf32> to vector<1250xf32>
    %broadcast_in_dim3A_665 = vector.shape_cast %reduce_sum3A_664 : vector<1250xf32> to vector<1250x1xf32>
    %mul3A_666 = vector.broadcast %mul3A_641 : vector<1x32xf32> to vector<1250x32xf32>
    %mul3A_667 = arith.mulf %concatenate3A_581, %mul3A_666 : vector<1250x32xf32>
    %reduce_sum3A_668 = arith.constant dense<0.000000e+00> : vector<1250xf32>
    %reduce_sum3A_669 = vector.multi_reduction <add>, %mul3A_667, %reduce_sum3A_668 [1] : vector<1250x32xf32> to vector<1250xf32>
    %broadcast_in_dim3A_670 = vector.shape_cast %reduce_sum3A_669 : vector<1250xf32> to vector<1250x1xf32>
    %mul3A_671 = vector.broadcast %mul3A_641 : vector<1x32xf32> to vector<1250x32xf32>
    %mul3A_672 = arith.mulf %concatenate3A_585, %mul3A_671 : vector<1250x32xf32>
    %reduce_sum3A_673 = arith.constant dense<0.000000e+00> : vector<1250xf32>
    %reduce_sum3A_674 = vector.multi_reduction <add>, %mul3A_672, %reduce_sum3A_673 [1] : vector<1250x32xf32> to vector<1250xf32>
    %broadcast_in_dim3A_675 = vector.shape_cast %reduce_sum3A_674 : vector<1250xf32> to vector<1250x1xf32>
    %mul3A_676 = vector.broadcast %mul3A_641 : vector<1x32xf32> to vector<1250x32xf32>
    %mul3A_677 = arith.mulf %concatenate3A_589, %mul3A_676 : vector<1250x32xf32>
    %reduce_sum3A_678 = arith.constant dense<0.000000e+00> : vector<1250xf32>
    %reduce_sum3A_679 = vector.multi_reduction <add>, %mul3A_677, %reduce_sum3A_678 [1] : vector<1250x32xf32> to vector<1250xf32>
    %broadcast_in_dim3A_680 = vector.shape_cast %reduce_sum3A_679 : vector<1250xf32> to vector<1250x1xf32>
    %concatenate3A_681 = tpu.concatenate %broadcast_in_dim3A_645, %broadcast_in_dim3A_650, %broadcast_in_dim3A_655, %broadcast_in_dim3A_660, %broadcast_in_dim3A_665, %broadcast_in_dim3A_670, %broadcast_in_dim3A_675, %broadcast_in_dim3A_680 in 1 : vector<1250x1xf32>, vector<1250x1xf32>, vector<1250x1xf32>, vector<1250x1xf32>, vector<1250x1xf32>, vector<1250x1xf32>, vector<1250x1xf32>, vector<1250x1xf32> -> vector<1250x8xf32>
    %reduce_max3A = arith.constant dense<0xFF800000> : vector<1250xf32>
    %reduce_max3A_682 = vector.multi_reduction <maximumf>, %concatenate3A_681, %reduce_max3A [1] : vector<1250x8xf32> to vector<1250xf32>
    %broadcast_in_dim3A_683 = vector.shape_cast %reduce_max3A_682 : vector<1250xf32> to vector<1250x1xf32>
    %reduce_max3A_684 = arith.constant dense<0xFF800000> : vector<1xf32>
    %reduce_max3A_685 = vector.multi_reduction <maximumf>, %broadcast_in_dim3A_683, %reduce_max3A_684 [0] : vector<1250x1xf32> to vector<1xf32>
    %broadcast_in_dim3A_686 = vector.shape_cast %reduce_max3A_685 : vector<1xf32> to vector<1x1xf32>
    %sub3A_687 = vector.broadcast %broadcast_in_dim3A_686 : vector<1x1xf32> to vector<1250x8xf32>
    %sub3A_688 = arith.subf %concatenate3A_681, %sub3A_687 : vector<1250x8xf32>
    %exp3A = math.exp %sub3A_688 : vector<1250x8xf32>
    %reduce_sum3A_689 = arith.constant dense<0.000000e+00> : vector<1250xf32>
    %reduce_sum3A_690 = vector.multi_reduction <add>, %exp3A, %reduce_sum3A_689 [1] : vector<1250x8xf32> to vector<1250xf32>
    %broadcast_in_dim3A_691 = vector.shape_cast %reduce_sum3A_690 : vector<1250xf32> to vector<1250x1xf32>
    %reduce_sum3A_692 = arith.constant dense<0.000000e+00> : vector<1xf32>
    %reduce_sum3A_693 = vector.multi_reduction <add>, %broadcast_in_dim3A_691, %reduce_sum3A_692 [0] : vector<1250x1xf32> to vector<1xf32>
    %broadcast_in_dim3A_694 = vector.shape_cast %reduce_sum3A_693 : vector<1xf32> to vector<1x1xf32>
    %div3A = vector.broadcast %broadcast_in_dim3A_694 : vector<1x1xf32> to vector<1250x8xf32>
    %div3A_695 = arith.divf %exp3A, %div3A : vector<1250x8xf32>
    %slice3A_696 = vector.extract_strided_slice %div3A_695 {offsets = [0, 0], sizes = [1250, 1], strides = [1, 1]} : vector<1250x8xf32> to vector<1250x1xf32>
    %mul3A_697 = vector.broadcast %slice3A_696 : vector<1250x1xf32> to vector<1250x32xf32>
    %mul3A_698 = arith.mulf %concatenate3A, %mul3A_697 : vector<1250x32xf32>
    %reduce_sum3A_699 = arith.constant dense<0.000000e+00> : vector<32xf32>
    %reduce_sum3A_700 = vector.multi_reduction <add>, %mul3A_698, %reduce_sum3A_699 [0] : vector<1250x32xf32> to vector<32xf32>
    %broadcast_in_dim3A_701 = vector.shape_cast %reduce_sum3A_700 : vector<32xf32> to vector<1x32xf32>
    %add3A_702 = arith.constant 0.000000e+00 : f32
    %add3A_703 = vector.broadcast %add3A_702 : f32 to vector<1x32xf32>
    %add3A_704 = arith.addf %add3A_703, %broadcast_in_dim3A_701 : vector<1x32xf32>
    %slice3A_705 = vector.extract_strided_slice %div3A_695 {offsets = [0, 1], sizes = [1250, 1], strides = [1, 1]} : vector<1250x8xf32> to vector<1250x1xf32>
    %mul3A_706 = vector.broadcast %slice3A_705 : vector<1250x1xf32> to vector<1250x32xf32>
    %mul3A_707 = arith.mulf %concatenate3A_565, %mul3A_706 : vector<1250x32xf32>
    %reduce_sum3A_708 = arith.constant dense<0.000000e+00> : vector<32xf32>
    %reduce_sum3A_709 = vector.multi_reduction <add>, %mul3A_707, %reduce_sum3A_708 [0] : vector<1250x32xf32> to vector<32xf32>
    %broadcast_in_dim3A_710 = vector.shape_cast %reduce_sum3A_709 : vector<32xf32> to vector<1x32xf32>
    %add3A_711 = arith.addf %add3A_704, %broadcast_in_dim3A_710 : vector<1x32xf32>
    %slice3A_712 = vector.extract_strided_slice %div3A_695 {offsets = [0, 2], sizes = [1250, 1], strides = [1, 1]} : vector<1250x8xf32> to vector<1250x1xf32>
    %mul3A_713 = vector.broadcast %slice3A_712 : vector<1250x1xf32> to vector<1250x32xf32>
    %mul3A_714 = arith.mulf %concatenate3A_569, %mul3A_713 : vector<1250x32xf32>
    %reduce_sum3A_715 = arith.constant dense<0.000000e+00> : vector<32xf32>
    %reduce_sum3A_716 = vector.multi_reduction <add>, %mul3A_714, %reduce_sum3A_715 [0] : vector<1250x32xf32> to vector<32xf32>
    %broadcast_in_dim3A_717 = vector.shape_cast %reduce_sum3A_716 : vector<32xf32> to vector<1x32xf32>
    %add3A_718 = arith.addf %add3A_711, %broadcast_in_dim3A_717 : vector<1x32xf32>
    %slice3A_719 = vector.extract_strided_slice %div3A_695 {offsets = [0, 3], sizes = [1250, 1], strides = [1, 1]} : vector<1250x8xf32> to vector<1250x1xf32>
    %mul3A_720 = vector.broadcast %slice3A_719 : vector<1250x1xf32> to vector<1250x32xf32>
    %mul3A_721 = arith.mulf %concatenate3A_573, %mul3A_720 : vector<1250x32xf32>
    %reduce_sum3A_722 = arith.constant dense<0.000000e+00> : vector<32xf32>
    %reduce_sum3A_723 = vector.multi_reduction <add>, %mul3A_721, %reduce_sum3A_722 [0] : vector<1250x32xf32> to vector<32xf32>
    %broadcast_in_dim3A_724 = vector.shape_cast %reduce_sum3A_723 : vector<32xf32> to vector<1x32xf32>
    %add3A_725 = arith.addf %add3A_718, %broadcast_in_dim3A_724 : vector<1x32xf32>
    %slice3A_726 = vector.extract_strided_slice %div3A_695 {offsets = [0, 4], sizes = [1250, 1], strides = [1, 1]} : vector<1250x8xf32> to vector<1250x1xf32>
    %mul3A_727 = vector.broadcast %slice3A_726 : vector<1250x1xf32> to vector<1250x32xf32>
    %mul3A_728 = arith.mulf %concatenate3A_577, %mul3A_727 : vector<1250x32xf32>
    %reduce_sum3A_729 = arith.constant dense<0.000000e+00> : vector<32xf32>
    %reduce_sum3A_730 = vector.multi_reduction <add>, %mul3A_728, %reduce_sum3A_729 [0] : vector<1250x32xf32> to vector<32xf32>
    %broadcast_in_dim3A_731 = vector.shape_cast %reduce_sum3A_730 : vector<32xf32> to vector<1x32xf32>
    %add3A_732 = arith.addf %add3A_725, %broadcast_in_dim3A_731 : vector<1x32xf32>
    %slice3A_733 = vector.extract_strided_slice %div3A_695 {offsets = [0, 5], sizes = [1250, 1], strides = [1, 1]} : vector<1250x8xf32> to vector<1250x1xf32>
    %mul3A_734 = vector.broadcast %slice3A_733 : vector<1250x1xf32> to vector<1250x32xf32>
    %mul3A_735 = arith.mulf %concatenate3A_581, %mul3A_734 : vector<1250x32xf32>
    %reduce_sum3A_736 = arith.constant dense<0.000000e+00> : vector<32xf32>
    %reduce_sum3A_737 = vector.multi_reduction <add>, %mul3A_735, %reduce_sum3A_736 [0] : vector<1250x32xf32> to vector<32xf32>
    %broadcast_in_dim3A_738 = vector.shape_cast %reduce_sum3A_737 : vector<32xf32> to vector<1x32xf32>
    %add3A_739 = arith.addf %add3A_732, %broadcast_in_dim3A_738 : vector<1x32xf32>
    %slice3A_740 = vector.extract_strided_slice %div3A_695 {offsets = [0, 6], sizes = [1250, 1], strides = [1, 1]} : vector<1250x8xf32> to vector<1250x1xf32>
    %mul3A_741 = vector.broadcast %slice3A_740 : vector<1250x1xf32> to vector<1250x32xf32>
    %mul3A_742 = arith.mulf %concatenate3A_585, %mul3A_741 : vector<1250x32xf32>
    %reduce_sum3A_743 = arith.constant dense<0.000000e+00> : vector<32xf32>
    %reduce_sum3A_744 = vector.multi_reduction <add>, %mul3A_742, %reduce_sum3A_743 [0] : vector<1250x32xf32> to vector<32xf32>
    %broadcast_in_dim3A_745 = vector.shape_cast %reduce_sum3A_744 : vector<32xf32> to vector<1x32xf32>
    %add3A_746 = arith.addf %add3A_739, %broadcast_in_dim3A_745 : vector<1x32xf32>
    %slice3A_747 = vector.extract_strided_slice %div3A_695 {offsets = [0, 7], sizes = [1250, 1], strides = [1, 1]} : vector<1250x8xf32> to vector<1250x1xf32>
    %mul3A_748 = vector.broadcast %slice3A_747 : vector<1250x1xf32> to vector<1250x32xf32>
    %mul3A_749 = arith.mulf %concatenate3A_589, %mul3A_748 : vector<1250x32xf32>
    %reduce_sum3A_750 = arith.constant dense<0.000000e+00> : vector<32xf32>
    %reduce_sum3A_751 = vector.multi_reduction <add>, %mul3A_749, %reduce_sum3A_750 [0] : vector<1250x32xf32> to vector<32xf32>
    %broadcast_in_dim3A_752 = vector.shape_cast %reduce_sum3A_751 : vector<32xf32> to vector<1x32xf32>
    %add3A_753 = arith.addf %add3A_746, %broadcast_in_dim3A_752 : vector<1x32xf32>
    %concatenate3A_754 = tpu.concatenate %mul3A_641, %add3A_753 in 1 : vector<1x32xf32>, vector<1x32xf32> -> vector<1x64xf32>
    %get3A_755 = arith.constant 0 : index
    %get3A_756 = arith.constant 0 : index
    %get3A_757 = vector.load %arg8[%get3A_755, %get3A_756] : memref<64x128xf32, #tpu.memory_space<vmem>>, vector<64x128xf32>
    %dot_general3A_758 = arith.constant dense<0.000000e+00> : vector<1x128xf32>
    %dot_general3A_759 = tpu.matmul %concatenate3A_754, %get3A_757, %dot_general3A_758 {dimension_numbers = #tpu.dot_dimension_numbers<[1], [0], [0], [1], [0, 0, 1, 1], [], []>, transpose_lhs_hint = false} : vector<1x64xf32>, vector<64x128xf32>, vector<1x128xf32> -> vector<1x128xf32>
    %get3A_760 = arith.constant 0 : index
    %get3A_761 = arith.constant 0 : index
    %get3A_762 = vector.load %arg10[%get3A_760, %get3A_761] : memref<1x128xf32, #tpu.memory_space<vmem>>, vector<1x128xf32>
    %add3A_763 = arith.addf %dot_general3A_759, %get3A_762 : vector<1x128xf32>
    %get3A_764 = arith.constant 0 : index
    %get3A_765 = arith.constant 0 : index
    %get3A_766 = vector.load %arg9[%get3A_764, %get3A_765] : memref<32x128xf32, #tpu.memory_space<vmem>>, vector<32x128xf32>
    %dot_general3A_767 = arith.constant dense<0.000000e+00> : vector<1x128xf32>
    %dot_general3A_768 = tpu.matmul %mul3A_641, %get3A_766, %dot_general3A_767 {dimension_numbers = #tpu.dot_dimension_numbers<[1], [0], [0], [1], [0, 0, 1, 1], [], []>, transpose_lhs_hint = false} : vector<1x32xf32>, vector<32x128xf32>, vector<1x128xf32> -> vector<1x128xf32>
    %add3A_769 = arith.addf %add3A_763, %dot_general3A_768 : vector<1x128xf32>
    %get3A_770 = arith.constant 0 : index
    %get3A_771 = arith.constant 0 : index
    %get3A_772 = vector.load %arg11[%get3A_770, %get3A_771] : memref<1x128xf32, #tpu.memory_space<vmem>>, vector<1x128xf32>
    %add3A_773 = arith.addf %add3A_769, %get3A_772 : vector<1x128xf32>
    %slice3A_774 = vector.extract_strided_slice %add3A_773 {offsets = [0, 0], sizes = [1, 32], strides = [1, 1]} : vector<1x128xf32> to vector<1x32xf32>
    %logistic3A_775 = arith.negf %slice3A_774 : vector<1x32xf32>
    %logistic3A_776 = math.exp %logistic3A_775 : vector<1x32xf32>
    %logistic3A_777 = arith.constant 1.000000e+00 : f32
    %logistic3A_778 = vector.broadcast %logistic3A_777 : f32 to vector<1x32xf32>
    %logistic3A_779 = arith.addf %logistic3A_778, %logistic3A_776 : vector<1x32xf32>
    %logistic3A_780 = arith.divf %logistic3A_778, %logistic3A_779 : vector<1x32xf32>
    %slice3A_781 = vector.extract_strided_slice %add3A_773 {offsets = [0, 32], sizes = [1, 32], strides = [1, 1]} : vector<1x128xf32> to vector<1x32xf32>
    %logistic3A_782 = arith.negf %slice3A_781 : vector<1x32xf32>
    %logistic3A_783 = math.exp %logistic3A_782 : vector<1x32xf32>
    %logistic3A_784 = arith.constant 1.000000e+00 : f32
    %logistic3A_785 = vector.broadcast %logistic3A_784 : f32 to vector<1x32xf32>
    %logistic3A_786 = arith.addf %logistic3A_785, %logistic3A_783 : vector<1x32xf32>
    %logistic3A_787 = arith.divf %logistic3A_785, %logistic3A_786 : vector<1x32xf32>
    %slice3A_788 = vector.extract_strided_slice %add3A_773 {offsets = [0, 64], sizes = [1, 32], strides = [1, 1]} : vector<1x128xf32> to vector<1x32xf32>
    %tanh3A_789 = math.tanh %slice3A_788 : vector<1x32xf32>
    %slice3A_790 = vector.extract_strided_slice %add3A_773 {offsets = [0, 96], sizes = [1, 32], strides = [1, 1]} : vector<1x128xf32> to vector<1x32xf32>
    %logistic3A_791 = arith.negf %slice3A_790 : vector<1x32xf32>
    %logistic3A_792 = math.exp %logistic3A_791 : vector<1x32xf32>
    %logistic3A_793 = arith.constant 1.000000e+00 : f32
    %logistic3A_794 = vector.broadcast %logistic3A_793 : f32 to vector<1x32xf32>
    %logistic3A_795 = arith.addf %logistic3A_794, %logistic3A_792 : vector<1x32xf32>
    %logistic3A_796 = arith.divf %logistic3A_794, %logistic3A_795 : vector<1x32xf32>
    %mul3A_797 = arith.mulf %logistic3A_787, %add3A_639 : vector<1x32xf32>
    %mul3A_798 = arith.mulf %logistic3A_780, %tanh3A_789 : vector<1x32xf32>
    %add3A_799 = arith.addf %mul3A_797, %mul3A_798 : vector<1x32xf32>
    %tanh3A_800 = math.tanh %add3A_799 : vector<1x32xf32>
    %mul3A_801 = arith.mulf %logistic3A_796, %tanh3A_800 : vector<1x32xf32>
    %mul3A_802 = vector.broadcast %mul3A_801 : vector<1x32xf32> to vector<1250x32xf32>
    %mul3A_803 = arith.mulf %concatenate3A, %mul3A_802 : vector<1250x32xf32>
    %reduce_sum3A_804 = arith.constant dense<0.000000e+00> : vector<1250xf32>
    %reduce_sum3A_805 = vector.multi_reduction <add>, %mul3A_803, %reduce_sum3A_804 [1] : vector<1250x32xf32> to vector<1250xf32>
    %broadcast_in_dim3A_806 = vector.shape_cast %reduce_sum3A_805 : vector<1250xf32> to vector<1250x1xf32>
    %mul3A_807 = vector.broadcast %mul3A_801 : vector<1x32xf32> to vector<1250x32xf32>
    %mul3A_808 = arith.mulf %concatenate3A_565, %mul3A_807 : vector<1250x32xf32>
    %reduce_sum3A_809 = arith.constant dense<0.000000e+00> : vector<1250xf32>
    %reduce_sum3A_810 = vector.multi_reduction <add>, %mul3A_808, %reduce_sum3A_809 [1] : vector<1250x32xf32> to vector<1250xf32>
    %broadcast_in_dim3A_811 = vector.shape_cast %reduce_sum3A_810 : vector<1250xf32> to vector<1250x1xf32>
    %mul3A_812 = vector.broadcast %mul3A_801 : vector<1x32xf32> to vector<1250x32xf32>
    %mul3A_813 = arith.mulf %concatenate3A_569, %mul3A_812 : vector<1250x32xf32>
    %reduce_sum3A_814 = arith.constant dense<0.000000e+00> : vector<1250xf32>
    %reduce_sum3A_815 = vector.multi_reduction <add>, %mul3A_813, %reduce_sum3A_814 [1] : vector<1250x32xf32> to vector<1250xf32>
    %broadcast_in_dim3A_816 = vector.shape_cast %reduce_sum3A_815 : vector<1250xf32> to vector<1250x1xf32>
    %mul3A_817 = vector.broadcast %mul3A_801 : vector<1x32xf32> to vector<1250x32xf32>
    %mul3A_818 = arith.mulf %concatenate3A_573, %mul3A_817 : vector<1250x32xf32>
    %reduce_sum3A_819 = arith.constant dense<0.000000e+00> : vector<1250xf32>
    %reduce_sum3A_820 = vector.multi_reduction <add>, %mul3A_818, %reduce_sum3A_819 [1] : vector<1250x32xf32> to vector<1250xf32>
    %broadcast_in_dim3A_821 = vector.shape_cast %reduce_sum3A_820 : vector<1250xf32> to vector<1250x1xf32>
    %mul3A_822 = vector.broadcast %mul3A_801 : vector<1x32xf32> to vector<1250x32xf32>
    %mul3A_823 = arith.mulf %concatenate3A_577, %mul3A_822 : vector<1250x32xf32>
    %reduce_sum3A_824 = arith.constant dense<0.000000e+00> : vector<1250xf32>
    %reduce_sum3A_825 = vector.multi_reduction <add>, %mul3A_823, %reduce_sum3A_824 [1] : vector<1250x32xf32> to vector<1250xf32>
    %broadcast_in_dim3A_826 = vector.shape_cast %reduce_sum3A_825 : vector<1250xf32> to vector<1250x1xf32>
    %mul3A_827 = vector.broadcast %mul3A_801 : vector<1x32xf32> to vector<1250x32xf32>
    %mul3A_828 = arith.mulf %concatenate3A_581, %mul3A_827 : vector<1250x32xf32>
    %reduce_sum3A_829 = arith.constant dense<0.000000e+00> : vector<1250xf32>
    %reduce_sum3A_830 = vector.multi_reduction <add>, %mul3A_828, %reduce_sum3A_829 [1] : vector<1250x32xf32> to vector<1250xf32>
    %broadcast_in_dim3A_831 = vector.shape_cast %reduce_sum3A_830 : vector<1250xf32> to vector<1250x1xf32>
    %mul3A_832 = vector.broadcast %mul3A_801 : vector<1x32xf32> to vector<1250x32xf32>
    %mul3A_833 = arith.mulf %concatenate3A_585, %mul3A_832 : vector<1250x32xf32>
    %reduce_sum3A_834 = arith.constant dense<0.000000e+00> : vector<1250xf32>
    %reduce_sum3A_835 = vector.multi_reduction <add>, %mul3A_833, %reduce_sum3A_834 [1] : vector<1250x32xf32> to vector<1250xf32>
    %broadcast_in_dim3A_836 = vector.shape_cast %reduce_sum3A_835 : vector<1250xf32> to vector<1250x1xf32>
    %mul3A_837 = vector.broadcast %mul3A_801 : vector<1x32xf32> to vector<1250x32xf32>
    %mul3A_838 = arith.mulf %concatenate3A_589, %mul3A_837 : vector<1250x32xf32>
    %reduce_sum3A_839 = arith.constant dense<0.000000e+00> : vector<1250xf32>
    %reduce_sum3A_840 = vector.multi_reduction <add>, %mul3A_838, %reduce_sum3A_839 [1] : vector<1250x32xf32> to vector<1250xf32>
    %broadcast_in_dim3A_841 = vector.shape_cast %reduce_sum3A_840 : vector<1250xf32> to vector<1250x1xf32>
    %concatenate3A_842 = tpu.concatenate %broadcast_in_dim3A_806, %broadcast_in_dim3A_811, %broadcast_in_dim3A_816, %broadcast_in_dim3A_821, %broadcast_in_dim3A_826, %broadcast_in_dim3A_831, %broadcast_in_dim3A_836, %broadcast_in_dim3A_841 in 1 : vector<1250x1xf32>, vector<1250x1xf32>, vector<1250x1xf32>, vector<1250x1xf32>, vector<1250x1xf32>, vector<1250x1xf32>, vector<1250x1xf32>, vector<1250x1xf32> -> vector<1250x8xf32>
    %reduce_max3A_843 = arith.constant dense<0xFF800000> : vector<1250xf32>
    %reduce_max3A_844 = vector.multi_reduction <maximumf>, %concatenate3A_842, %reduce_max3A_843 [1] : vector<1250x8xf32> to vector<1250xf32>
    %broadcast_in_dim3A_845 = vector.shape_cast %reduce_max3A_844 : vector<1250xf32> to vector<1250x1xf32>
    %reduce_max3A_846 = arith.constant dense<0xFF800000> : vector<1xf32>
    %reduce_max3A_847 = vector.multi_reduction <maximumf>, %broadcast_in_dim3A_845, %reduce_max3A_846 [0] : vector<1250x1xf32> to vector<1xf32>
    %broadcast_in_dim3A_848 = vector.shape_cast %reduce_max3A_847 : vector<1xf32> to vector<1x1xf32>
    %sub3A_849 = vector.broadcast %broadcast_in_dim3A_848 : vector<1x1xf32> to vector<1250x8xf32>
    %sub3A_850 = arith.subf %concatenate3A_842, %sub3A_849 : vector<1250x8xf32>
    %exp3A_851 = math.exp %sub3A_850 : vector<1250x8xf32>
    %reduce_sum3A_852 = arith.constant dense<0.000000e+00> : vector<1250xf32>
    %reduce_sum3A_853 = vector.multi_reduction <add>, %exp3A_851, %reduce_sum3A_852 [1] : vector<1250x8xf32> to vector<1250xf32>
    %broadcast_in_dim3A_854 = vector.shape_cast %reduce_sum3A_853 : vector<1250xf32> to vector<1250x1xf32>
    %reduce_sum3A_855 = arith.constant dense<0.000000e+00> : vector<1xf32>
    %reduce_sum3A_856 = vector.multi_reduction <add>, %broadcast_in_dim3A_854, %reduce_sum3A_855 [0] : vector<1250x1xf32> to vector<1xf32>
    %broadcast_in_dim3A_857 = vector.shape_cast %reduce_sum3A_856 : vector<1xf32> to vector<1x1xf32>
    %div3A_858 = vector.broadcast %broadcast_in_dim3A_857 : vector<1x1xf32> to vector<1250x8xf32>
    %div3A_859 = arith.divf %exp3A_851, %div3A_858 : vector<1250x8xf32>
    %slice3A_860 = vector.extract_strided_slice %div3A_859 {offsets = [0, 0], sizes = [1250, 1], strides = [1, 1]} : vector<1250x8xf32> to vector<1250x1xf32>
    %mul3A_861 = vector.broadcast %slice3A_860 : vector<1250x1xf32> to vector<1250x32xf32>
    %mul3A_862 = arith.mulf %concatenate3A, %mul3A_861 : vector<1250x32xf32>
    %reduce_sum3A_863 = arith.constant dense<0.000000e+00> : vector<32xf32>
    %reduce_sum3A_864 = vector.multi_reduction <add>, %mul3A_862, %reduce_sum3A_863 [0] : vector<1250x32xf32> to vector<32xf32>
    %broadcast_in_dim3A_865 = vector.shape_cast %reduce_sum3A_864 : vector<32xf32> to vector<1x32xf32>
    %add3A_866 = arith.constant 0.000000e+00 : f32
    %add3A_867 = vector.broadcast %add3A_866 : f32 to vector<1x32xf32>
    %add3A_868 = arith.addf %add3A_867, %broadcast_in_dim3A_865 : vector<1x32xf32>
    %slice3A_869 = vector.extract_strided_slice %div3A_859 {offsets = [0, 1], sizes = [1250, 1], strides = [1, 1]} : vector<1250x8xf32> to vector<1250x1xf32>
    %mul3A_870 = vector.broadcast %slice3A_869 : vector<1250x1xf32> to vector<1250x32xf32>
    %mul3A_871 = arith.mulf %concatenate3A_565, %mul3A_870 : vector<1250x32xf32>
    %reduce_sum3A_872 = arith.constant dense<0.000000e+00> : vector<32xf32>
    %reduce_sum3A_873 = vector.multi_reduction <add>, %mul3A_871, %reduce_sum3A_872 [0] : vector<1250x32xf32> to vector<32xf32>
    %broadcast_in_dim3A_874 = vector.shape_cast %reduce_sum3A_873 : vector<32xf32> to vector<1x32xf32>
    %add3A_875 = arith.addf %add3A_868, %broadcast_in_dim3A_874 : vector<1x32xf32>
    %slice3A_876 = vector.extract_strided_slice %div3A_859 {offsets = [0, 2], sizes = [1250, 1], strides = [1, 1]} : vector<1250x8xf32> to vector<1250x1xf32>
    %mul3A_877 = vector.broadcast %slice3A_876 : vector<1250x1xf32> to vector<1250x32xf32>
    %mul3A_878 = arith.mulf %concatenate3A_569, %mul3A_877 : vector<1250x32xf32>
    %reduce_sum3A_879 = arith.constant dense<0.000000e+00> : vector<32xf32>
    %reduce_sum3A_880 = vector.multi_reduction <add>, %mul3A_878, %reduce_sum3A_879 [0] : vector<1250x32xf32> to vector<32xf32>
    %broadcast_in_dim3A_881 = vector.shape_cast %reduce_sum3A_880 : vector<32xf32> to vector<1x32xf32>
    %add3A_882 = arith.addf %add3A_875, %broadcast_in_dim3A_881 : vector<1x32xf32>
    %slice3A_883 = vector.extract_strided_slice %div3A_859 {offsets = [0, 3], sizes = [1250, 1], strides = [1, 1]} : vector<1250x8xf32> to vector<1250x1xf32>
    %mul3A_884 = vector.broadcast %slice3A_883 : vector<1250x1xf32> to vector<1250x32xf32>
    %mul3A_885 = arith.mulf %concatenate3A_573, %mul3A_884 : vector<1250x32xf32>
    %reduce_sum3A_886 = arith.constant dense<0.000000e+00> : vector<32xf32>
    %reduce_sum3A_887 = vector.multi_reduction <add>, %mul3A_885, %reduce_sum3A_886 [0] : vector<1250x32xf32> to vector<32xf32>
    %broadcast_in_dim3A_888 = vector.shape_cast %reduce_sum3A_887 : vector<32xf32> to vector<1x32xf32>
    %add3A_889 = arith.addf %add3A_882, %broadcast_in_dim3A_888 : vector<1x32xf32>
    %slice3A_890 = vector.extract_strided_slice %div3A_859 {offsets = [0, 4], sizes = [1250, 1], strides = [1, 1]} : vector<1250x8xf32> to vector<1250x1xf32>
    %mul3A_891 = vector.broadcast %slice3A_890 : vector<1250x1xf32> to vector<1250x32xf32>
    %mul3A_892 = arith.mulf %concatenate3A_577, %mul3A_891 : vector<1250x32xf32>
    %reduce_sum3A_893 = arith.constant dense<0.000000e+00> : vector<32xf32>
    %reduce_sum3A_894 = vector.multi_reduction <add>, %mul3A_892, %reduce_sum3A_893 [0] : vector<1250x32xf32> to vector<32xf32>
    %broadcast_in_dim3A_895 = vector.shape_cast %reduce_sum3A_894 : vector<32xf32> to vector<1x32xf32>
    %add3A_896 = arith.addf %add3A_889, %broadcast_in_dim3A_895 : vector<1x32xf32>
    %slice3A_897 = vector.extract_strided_slice %div3A_859 {offsets = [0, 5], sizes = [1250, 1], strides = [1, 1]} : vector<1250x8xf32> to vector<1250x1xf32>
    %mul3A_898 = vector.broadcast %slice3A_897 : vector<1250x1xf32> to vector<1250x32xf32>
    %mul3A_899 = arith.mulf %concatenate3A_581, %mul3A_898 : vector<1250x32xf32>
    %reduce_sum3A_900 = arith.constant dense<0.000000e+00> : vector<32xf32>
    %reduce_sum3A_901 = vector.multi_reduction <add>, %mul3A_899, %reduce_sum3A_900 [0] : vector<1250x32xf32> to vector<32xf32>
    %broadcast_in_dim3A_902 = vector.shape_cast %reduce_sum3A_901 : vector<32xf32> to vector<1x32xf32>
    %add3A_903 = arith.addf %add3A_896, %broadcast_in_dim3A_902 : vector<1x32xf32>
    %slice3A_904 = vector.extract_strided_slice %div3A_859 {offsets = [0, 6], sizes = [1250, 1], strides = [1, 1]} : vector<1250x8xf32> to vector<1250x1xf32>
    %mul3A_905 = vector.broadcast %slice3A_904 : vector<1250x1xf32> to vector<1250x32xf32>
    %mul3A_906 = arith.mulf %concatenate3A_585, %mul3A_905 : vector<1250x32xf32>
    %reduce_sum3A_907 = arith.constant dense<0.000000e+00> : vector<32xf32>
    %reduce_sum3A_908 = vector.multi_reduction <add>, %mul3A_906, %reduce_sum3A_907 [0] : vector<1250x32xf32> to vector<32xf32>
    %broadcast_in_dim3A_909 = vector.shape_cast %reduce_sum3A_908 : vector<32xf32> to vector<1x32xf32>
    %add3A_910 = arith.addf %add3A_903, %broadcast_in_dim3A_909 : vector<1x32xf32>
    %slice3A_911 = vector.extract_strided_slice %div3A_859 {offsets = [0, 7], sizes = [1250, 1], strides = [1, 1]} : vector<1250x8xf32> to vector<1250x1xf32>
    %mul3A_912 = vector.broadcast %slice3A_911 : vector<1250x1xf32> to vector<1250x32xf32>
    %mul3A_913 = arith.mulf %concatenate3A_589, %mul3A_912 : vector<1250x32xf32>
    %reduce_sum3A_914 = arith.constant dense<0.000000e+00> : vector<32xf32>
    %reduce_sum3A_915 = vector.multi_reduction <add>, %mul3A_913, %reduce_sum3A_914 [0] : vector<1250x32xf32> to vector<32xf32>
    %broadcast_in_dim3A_916 = vector.shape_cast %reduce_sum3A_915 : vector<32xf32> to vector<1x32xf32>
    %add3A_917 = arith.addf %add3A_910, %broadcast_in_dim3A_916 : vector<1x32xf32>
    %concatenate3A_918 = tpu.concatenate %mul3A_801, %add3A_917 in 1 : vector<1x32xf32>, vector<1x32xf32> -> vector<1x64xf32>
    %get3A_919 = arith.constant 0 : index
    %get3A_920 = arith.constant 0 : index
    %get3A_921 = vector.load %arg8[%get3A_919, %get3A_920] : memref<64x128xf32, #tpu.memory_space<vmem>>, vector<64x128xf32>
    %dot_general3A_922 = arith.constant dense<0.000000e+00> : vector<1x128xf32>
    %dot_general3A_923 = tpu.matmul %concatenate3A_918, %get3A_921, %dot_general3A_922 {dimension_numbers = #tpu.dot_dimension_numbers<[1], [0], [0], [1], [0, 0, 1, 1], [], []>, transpose_lhs_hint = false} : vector<1x64xf32>, vector<64x128xf32>, vector<1x128xf32> -> vector<1x128xf32>
    %get3A_924 = arith.constant 0 : index
    %get3A_925 = arith.constant 0 : index
    %get3A_926 = vector.load %arg10[%get3A_924, %get3A_925] : memref<1x128xf32, #tpu.memory_space<vmem>>, vector<1x128xf32>
    %add3A_927 = arith.addf %dot_general3A_923, %get3A_926 : vector<1x128xf32>
    %get3A_928 = arith.constant 0 : index
    %get3A_929 = arith.constant 0 : index
    %get3A_930 = vector.load %arg9[%get3A_928, %get3A_929] : memref<32x128xf32, #tpu.memory_space<vmem>>, vector<32x128xf32>
    %dot_general3A_931 = arith.constant dense<0.000000e+00> : vector<1x128xf32>
    %dot_general3A_932 = tpu.matmul %mul3A_801, %get3A_930, %dot_general3A_931 {dimension_numbers = #tpu.dot_dimension_numbers<[1], [0], [0], [1], [0, 0, 1, 1], [], []>, transpose_lhs_hint = false} : vector<1x32xf32>, vector<32x128xf32>, vector<1x128xf32> -> vector<1x128xf32>
    %add3A_933 = arith.addf %add3A_927, %dot_general3A_932 : vector<1x128xf32>
    %get3A_934 = arith.constant 0 : index
    %get3A_935 = arith.constant 0 : index
    %get3A_936 = vector.load %arg11[%get3A_934, %get3A_935] : memref<1x128xf32, #tpu.memory_space<vmem>>, vector<1x128xf32>
    %add3A_937 = arith.addf %add3A_933, %get3A_936 : vector<1x128xf32>
    %slice3A_938 = vector.extract_strided_slice %add3A_937 {offsets = [0, 0], sizes = [1, 32], strides = [1, 1]} : vector<1x128xf32> to vector<1x32xf32>
    %logistic3A_939 = arith.negf %slice3A_938 : vector<1x32xf32>
    %logistic3A_940 = math.exp %logistic3A_939 : vector<1x32xf32>
    %logistic3A_941 = arith.constant 1.000000e+00 : f32
    %logistic3A_942 = vector.broadcast %logistic3A_941 : f32 to vector<1x32xf32>
    %logistic3A_943 = arith.addf %logistic3A_942, %logistic3A_940 : vector<1x32xf32>
    %logistic3A_944 = arith.divf %logistic3A_942, %logistic3A_943 : vector<1x32xf32>
    %slice3A_945 = vector.extract_strided_slice %add3A_937 {offsets = [0, 32], sizes = [1, 32], strides = [1, 1]} : vector<1x128xf32> to vector<1x32xf32>
    %logistic3A_946 = arith.negf %slice3A_945 : vector<1x32xf32>
    %logistic3A_947 = math.exp %logistic3A_946 : vector<1x32xf32>
    %logistic3A_948 = arith.constant 1.000000e+00 : f32
    %logistic3A_949 = vector.broadcast %logistic3A_948 : f32 to vector<1x32xf32>
    %logistic3A_950 = arith.addf %logistic3A_949, %logistic3A_947 : vector<1x32xf32>
    %logistic3A_951 = arith.divf %logistic3A_949, %logistic3A_950 : vector<1x32xf32>
    %slice3A_952 = vector.extract_strided_slice %add3A_937 {offsets = [0, 64], sizes = [1, 32], strides = [1, 1]} : vector<1x128xf32> to vector<1x32xf32>
    %tanh3A_953 = math.tanh %slice3A_952 : vector<1x32xf32>
    %slice3A_954 = vector.extract_strided_slice %add3A_937 {offsets = [0, 96], sizes = [1, 32], strides = [1, 1]} : vector<1x128xf32> to vector<1x32xf32>
    %logistic3A_955 = arith.negf %slice3A_954 : vector<1x32xf32>
    %logistic3A_956 = math.exp %logistic3A_955 : vector<1x32xf32>
    %logistic3A_957 = arith.constant 1.000000e+00 : f32
    %logistic3A_958 = vector.broadcast %logistic3A_957 : f32 to vector<1x32xf32>
    %logistic3A_959 = arith.addf %logistic3A_958, %logistic3A_956 : vector<1x32xf32>
    %logistic3A_960 = arith.divf %logistic3A_958, %logistic3A_959 : vector<1x32xf32>
    %mul3A_961 = arith.mulf %logistic3A_951, %add3A_799 : vector<1x32xf32>
    %mul3A_962 = arith.mulf %logistic3A_944, %tanh3A_953 : vector<1x32xf32>
    %add3A_963 = arith.addf %mul3A_961, %mul3A_962 : vector<1x32xf32>
    %tanh3A_964 = math.tanh %add3A_963 : vector<1x32xf32>
    %mul3A_965 = arith.mulf %logistic3A_960, %tanh3A_964 : vector<1x32xf32>
    %mul3A_966 = vector.broadcast %mul3A_965 : vector<1x32xf32> to vector<1250x32xf32>
    %mul3A_967 = arith.mulf %concatenate3A, %mul3A_966 : vector<1250x32xf32>
    %reduce_sum3A_968 = arith.constant dense<0.000000e+00> : vector<1250xf32>
    %reduce_sum3A_969 = vector.multi_reduction <add>, %mul3A_967, %reduce_sum3A_968 [1] : vector<1250x32xf32> to vector<1250xf32>
    %broadcast_in_dim3A_970 = vector.shape_cast %reduce_sum3A_969 : vector<1250xf32> to vector<1250x1xf32>
    %mul3A_971 = vector.broadcast %mul3A_965 : vector<1x32xf32> to vector<1250x32xf32>
    %mul3A_972 = arith.mulf %concatenate3A_565, %mul3A_971 : vector<1250x32xf32>
    %reduce_sum3A_973 = arith.constant dense<0.000000e+00> : vector<1250xf32>
    %reduce_sum3A_974 = vector.multi_reduction <add>, %mul3A_972, %reduce_sum3A_973 [1] : vector<1250x32xf32> to vector<1250xf32>
    %broadcast_in_dim3A_975 = vector.shape_cast %reduce_sum3A_974 : vector<1250xf32> to vector<1250x1xf32>
    %mul3A_976 = vector.broadcast %mul3A_965 : vector<1x32xf32> to vector<1250x32xf32>
    %mul3A_977 = arith.mulf %concatenate3A_569, %mul3A_976 : vector<1250x32xf32>
    %reduce_sum3A_978 = arith.constant dense<0.000000e+00> : vector<1250xf32>
    %reduce_sum3A_979 = vector.multi_reduction <add>, %mul3A_977, %reduce_sum3A_978 [1] : vector<1250x32xf32> to vector<1250xf32>
    %broadcast_in_dim3A_980 = vector.shape_cast %reduce_sum3A_979 : vector<1250xf32> to vector<1250x1xf32>
    %mul3A_981 = vector.broadcast %mul3A_965 : vector<1x32xf32> to vector<1250x32xf32>
    %mul3A_982 = arith.mulf %concatenate3A_573, %mul3A_981 : vector<1250x32xf32>
    %reduce_sum3A_983 = arith.constant dense<0.000000e+00> : vector<1250xf32>
    %reduce_sum3A_984 = vector.multi_reduction <add>, %mul3A_982, %reduce_sum3A_983 [1] : vector<1250x32xf32> to vector<1250xf32>
    %broadcast_in_dim3A_985 = vector.shape_cast %reduce_sum3A_984 : vector<1250xf32> to vector<1250x1xf32>
    %mul3A_986 = vector.broadcast %mul3A_965 : vector<1x32xf32> to vector<1250x32xf32>
    %mul3A_987 = arith.mulf %concatenate3A_577, %mul3A_986 : vector<1250x32xf32>
    %reduce_sum3A_988 = arith.constant dense<0.000000e+00> : vector<1250xf32>
    %reduce_sum3A_989 = vector.multi_reduction <add>, %mul3A_987, %reduce_sum3A_988 [1] : vector<1250x32xf32> to vector<1250xf32>
    %broadcast_in_dim3A_990 = vector.shape_cast %reduce_sum3A_989 : vector<1250xf32> to vector<1250x1xf32>
    %mul3A_991 = vector.broadcast %mul3A_965 : vector<1x32xf32> to vector<1250x32xf32>
    %mul3A_992 = arith.mulf %concatenate3A_581, %mul3A_991 : vector<1250x32xf32>
    %reduce_sum3A_993 = arith.constant dense<0.000000e+00> : vector<1250xf32>
    %reduce_sum3A_994 = vector.multi_reduction <add>, %mul3A_992, %reduce_sum3A_993 [1] : vector<1250x32xf32> to vector<1250xf32>
    %broadcast_in_dim3A_995 = vector.shape_cast %reduce_sum3A_994 : vector<1250xf32> to vector<1250x1xf32>
    %mul3A_996 = vector.broadcast %mul3A_965 : vector<1x32xf32> to vector<1250x32xf32>
    %mul3A_997 = arith.mulf %concatenate3A_585, %mul3A_996 : vector<1250x32xf32>
    %reduce_sum3A_998 = arith.constant dense<0.000000e+00> : vector<1250xf32>
    %reduce_sum3A_999 = vector.multi_reduction <add>, %mul3A_997, %reduce_sum3A_998 [1] : vector<1250x32xf32> to vector<1250xf32>
    %broadcast_in_dim3A_1000 = vector.shape_cast %reduce_sum3A_999 : vector<1250xf32> to vector<1250x1xf32>
    %mul3A_1001 = vector.broadcast %mul3A_965 : vector<1x32xf32> to vector<1250x32xf32>
    %mul3A_1002 = arith.mulf %concatenate3A_589, %mul3A_1001 : vector<1250x32xf32>
    %reduce_sum3A_1003 = arith.constant dense<0.000000e+00> : vector<1250xf32>
    %reduce_sum3A_1004 = vector.multi_reduction <add>, %mul3A_1002, %reduce_sum3A_1003 [1] : vector<1250x32xf32> to vector<1250xf32>
    %broadcast_in_dim3A_1005 = vector.shape_cast %reduce_sum3A_1004 : vector<1250xf32> to vector<1250x1xf32>
    %concatenate3A_1006 = tpu.concatenate %broadcast_in_dim3A_970, %broadcast_in_dim3A_975, %broadcast_in_dim3A_980, %broadcast_in_dim3A_985, %broadcast_in_dim3A_990, %broadcast_in_dim3A_995, %broadcast_in_dim3A_1000, %broadcast_in_dim3A_1005 in 1 : vector<1250x1xf32>, vector<1250x1xf32>, vector<1250x1xf32>, vector<1250x1xf32>, vector<1250x1xf32>, vector<1250x1xf32>, vector<1250x1xf32>, vector<1250x1xf32> -> vector<1250x8xf32>
    %reduce_max3A_1007 = arith.constant dense<0xFF800000> : vector<1250xf32>
    %reduce_max3A_1008 = vector.multi_reduction <maximumf>, %concatenate3A_1006, %reduce_max3A_1007 [1] : vector<1250x8xf32> to vector<1250xf32>
    %broadcast_in_dim3A_1009 = vector.shape_cast %reduce_max3A_1008 : vector<1250xf32> to vector<1250x1xf32>
    %reduce_max3A_1010 = arith.constant dense<0xFF800000> : vector<1xf32>
    %reduce_max3A_1011 = vector.multi_reduction <maximumf>, %broadcast_in_dim3A_1009, %reduce_max3A_1010 [0] : vector<1250x1xf32> to vector<1xf32>
    %broadcast_in_dim3A_1012 = vector.shape_cast %reduce_max3A_1011 : vector<1xf32> to vector<1x1xf32>
    %sub3A_1013 = vector.broadcast %broadcast_in_dim3A_1012 : vector<1x1xf32> to vector<1250x8xf32>
    %sub3A_1014 = arith.subf %concatenate3A_1006, %sub3A_1013 : vector<1250x8xf32>
    %exp3A_1015 = math.exp %sub3A_1014 : vector<1250x8xf32>
    %reduce_sum3A_1016 = arith.constant dense<0.000000e+00> : vector<1250xf32>
    %reduce_sum3A_1017 = vector.multi_reduction <add>, %exp3A_1015, %reduce_sum3A_1016 [1] : vector<1250x8xf32> to vector<1250xf32>
    %broadcast_in_dim3A_1018 = vector.shape_cast %reduce_sum3A_1017 : vector<1250xf32> to vector<1250x1xf32>
    %reduce_sum3A_1019 = arith.constant dense<0.000000e+00> : vector<1xf32>
    %reduce_sum3A_1020 = vector.multi_reduction <add>, %broadcast_in_dim3A_1018, %reduce_sum3A_1019 [0] : vector<1250x1xf32> to vector<1xf32>
    %broadcast_in_dim3A_1021 = vector.shape_cast %reduce_sum3A_1020 : vector<1xf32> to vector<1x1xf32>
    %div3A_1022 = vector.broadcast %broadcast_in_dim3A_1021 : vector<1x1xf32> to vector<1250x8xf32>
    %div3A_1023 = arith.divf %exp3A_1015, %div3A_1022 : vector<1250x8xf32>
    %slice3A_1024 = vector.extract_strided_slice %div3A_1023 {offsets = [0, 0], sizes = [1250, 1], strides = [1, 1]} : vector<1250x8xf32> to vector<1250x1xf32>
    %mul3A_1025 = vector.broadcast %slice3A_1024 : vector<1250x1xf32> to vector<1250x32xf32>
    %mul3A_1026 = arith.mulf %concatenate3A, %mul3A_1025 : vector<1250x32xf32>
    %reduce_sum3A_1027 = arith.constant dense<0.000000e+00> : vector<32xf32>
    %reduce_sum3A_1028 = vector.multi_reduction <add>, %mul3A_1026, %reduce_sum3A_1027 [0] : vector<1250x32xf32> to vector<32xf32>
    %broadcast_in_dim3A_1029 = vector.shape_cast %reduce_sum3A_1028 : vector<32xf32> to vector<1x32xf32>
    %add3A_1030 = arith.constant 0.000000e+00 : f32
    %add3A_1031 = vector.broadcast %add3A_1030 : f32 to vector<1x32xf32>
    %add3A_1032 = arith.addf %add3A_1031, %broadcast_in_dim3A_1029 : vector<1x32xf32>
    %slice3A_1033 = vector.extract_strided_slice %div3A_1023 {offsets = [0, 1], sizes = [1250, 1], strides = [1, 1]} : vector<1250x8xf32> to vector<1250x1xf32>
    %mul3A_1034 = vector.broadcast %slice3A_1033 : vector<1250x1xf32> to vector<1250x32xf32>
    %mul3A_1035 = arith.mulf %concatenate3A_565, %mul3A_1034 : vector<1250x32xf32>
    %reduce_sum3A_1036 = arith.constant dense<0.000000e+00> : vector<32xf32>
    %reduce_sum3A_1037 = vector.multi_reduction <add>, %mul3A_1035, %reduce_sum3A_1036 [0] : vector<1250x32xf32> to vector<32xf32>
    %broadcast_in_dim3A_1038 = vector.shape_cast %reduce_sum3A_1037 : vector<32xf32> to vector<1x32xf32>
    %add3A_1039 = arith.addf %add3A_1032, %broadcast_in_dim3A_1038 : vector<1x32xf32>
    %slice3A_1040 = vector.extract_strided_slice %div3A_1023 {offsets = [0, 2], sizes = [1250, 1], strides = [1, 1]} : vector<1250x8xf32> to vector<1250x1xf32>
    %mul3A_1041 = vector.broadcast %slice3A_1040 : vector<1250x1xf32> to vector<1250x32xf32>
    %mul3A_1042 = arith.mulf %concatenate3A_569, %mul3A_1041 : vector<1250x32xf32>
    %reduce_sum3A_1043 = arith.constant dense<0.000000e+00> : vector<32xf32>
    %reduce_sum3A_1044 = vector.multi_reduction <add>, %mul3A_1042, %reduce_sum3A_1043 [0] : vector<1250x32xf32> to vector<32xf32>
    %broadcast_in_dim3A_1045 = vector.shape_cast %reduce_sum3A_1044 : vector<32xf32> to vector<1x32xf32>
    %add3A_1046 = arith.addf %add3A_1039, %broadcast_in_dim3A_1045 : vector<1x32xf32>
    %slice3A_1047 = vector.extract_strided_slice %div3A_1023 {offsets = [0, 3], sizes = [1250, 1], strides = [1, 1]} : vector<1250x8xf32> to vector<1250x1xf32>
    %mul3A_1048 = vector.broadcast %slice3A_1047 : vector<1250x1xf32> to vector<1250x32xf32>
    %mul3A_1049 = arith.mulf %concatenate3A_573, %mul3A_1048 : vector<1250x32xf32>
    %reduce_sum3A_1050 = arith.constant dense<0.000000e+00> : vector<32xf32>
    %reduce_sum3A_1051 = vector.multi_reduction <add>, %mul3A_1049, %reduce_sum3A_1050 [0] : vector<1250x32xf32> to vector<32xf32>
    %broadcast_in_dim3A_1052 = vector.shape_cast %reduce_sum3A_1051 : vector<32xf32> to vector<1x32xf32>
    %add3A_1053 = arith.addf %add3A_1046, %broadcast_in_dim3A_1052 : vector<1x32xf32>
    %slice3A_1054 = vector.extract_strided_slice %div3A_1023 {offsets = [0, 4], sizes = [1250, 1], strides = [1, 1]} : vector<1250x8xf32> to vector<1250x1xf32>
    %mul3A_1055 = vector.broadcast %slice3A_1054 : vector<1250x1xf32> to vector<1250x32xf32>
    %mul3A_1056 = arith.mulf %concatenate3A_577, %mul3A_1055 : vector<1250x32xf32>
    %reduce_sum3A_1057 = arith.constant dense<0.000000e+00> : vector<32xf32>
    %reduce_sum3A_1058 = vector.multi_reduction <add>, %mul3A_1056, %reduce_sum3A_1057 [0] : vector<1250x32xf32> to vector<32xf32>
    %broadcast_in_dim3A_1059 = vector.shape_cast %reduce_sum3A_1058 : vector<32xf32> to vector<1x32xf32>
    %add3A_1060 = arith.addf %add3A_1053, %broadcast_in_dim3A_1059 : vector<1x32xf32>
    %slice3A_1061 = vector.extract_strided_slice %div3A_1023 {offsets = [0, 5], sizes = [1250, 1], strides = [1, 1]} : vector<1250x8xf32> to vector<1250x1xf32>
    %mul3A_1062 = vector.broadcast %slice3A_1061 : vector<1250x1xf32> to vector<1250x32xf32>
    %mul3A_1063 = arith.mulf %concatenate3A_581, %mul3A_1062 : vector<1250x32xf32>
    %reduce_sum3A_1064 = arith.constant dense<0.000000e+00> : vector<32xf32>
    %reduce_sum3A_1065 = vector.multi_reduction <add>, %mul3A_1063, %reduce_sum3A_1064 [0] : vector<1250x32xf32> to vector<32xf32>
    %broadcast_in_dim3A_1066 = vector.shape_cast %reduce_sum3A_1065 : vector<32xf32> to vector<1x32xf32>
    %add3A_1067 = arith.addf %add3A_1060, %broadcast_in_dim3A_1066 : vector<1x32xf32>
    %slice3A_1068 = vector.extract_strided_slice %div3A_1023 {offsets = [0, 6], sizes = [1250, 1], strides = [1, 1]} : vector<1250x8xf32> to vector<1250x1xf32>
    %mul3A_1069 = vector.broadcast %slice3A_1068 : vector<1250x1xf32> to vector<1250x32xf32>
    %mul3A_1070 = arith.mulf %concatenate3A_585, %mul3A_1069 : vector<1250x32xf32>
    %reduce_sum3A_1071 = arith.constant dense<0.000000e+00> : vector<32xf32>
    %reduce_sum3A_1072 = vector.multi_reduction <add>, %mul3A_1070, %reduce_sum3A_1071 [0] : vector<1250x32xf32> to vector<32xf32>
    %broadcast_in_dim3A_1073 = vector.shape_cast %reduce_sum3A_1072 : vector<32xf32> to vector<1x32xf32>
    %add3A_1074 = arith.addf %add3A_1067, %broadcast_in_dim3A_1073 : vector<1x32xf32>
    %slice3A_1075 = vector.extract_strided_slice %div3A_1023 {offsets = [0, 7], sizes = [1250, 1], strides = [1, 1]} : vector<1250x8xf32> to vector<1250x1xf32>
    %mul3A_1076 = vector.broadcast %slice3A_1075 : vector<1250x1xf32> to vector<1250x32xf32>
    %mul3A_1077 = arith.mulf %concatenate3A_589, %mul3A_1076 : vector<1250x32xf32>
    %reduce_sum3A_1078 = arith.constant dense<0.000000e+00> : vector<32xf32>
    %reduce_sum3A_1079 = vector.multi_reduction <add>, %mul3A_1077, %reduce_sum3A_1078 [0] : vector<1250x32xf32> to vector<32xf32>
    %broadcast_in_dim3A_1080 = vector.shape_cast %reduce_sum3A_1079 : vector<32xf32> to vector<1x32xf32>
    %add3A_1081 = arith.addf %add3A_1074, %broadcast_in_dim3A_1080 : vector<1x32xf32>
    %concatenate3A_1082 = tpu.concatenate %mul3A_965, %add3A_1081 in 1 : vector<1x32xf32>, vector<1x32xf32> -> vector<1x64xf32>
    %get3A_1083 = arith.constant 0 : index
    %get3A_1084 = arith.constant 0 : index
    %get3A_1085 = vector.load %arg12[%get3A_1083, %get3A_1084] : memref<64x1024xf32, #tpu.memory_space<vmem>>, vector<64x1024xf32>
    %dot_general3A_1086 = arith.constant dense<0.000000e+00> : vector<1x1024xf32>
    %dot_general3A_1087 = tpu.matmul %concatenate3A_1082, %get3A_1085, %dot_general3A_1086 {dimension_numbers = #tpu.dot_dimension_numbers<[1], [0], [0], [1], [0, 0, 1, 1], [], []>, transpose_lhs_hint = false} : vector<1x64xf32>, vector<64x1024xf32>, vector<1x1024xf32> -> vector<1x1024xf32>
    %get3A_1088 = arith.constant 0 : index
    %get3A_1089 = arith.constant 0 : index
    %get3A_1090 = vector.load %arg13[%get3A_1088, %get3A_1089] : memref<1x1024xf32, #tpu.memory_space<vmem>>, vector<1x1024xf32>
    %add3A_1091 = arith.addf %dot_general3A_1087, %get3A_1090 : vector<1x1024xf32>
    %get3A_1092 = arith.constant 0 : index
    %get3A_1093 = arith.constant 0 : index
    %get3A_1094 = vector.load %arg14[%get3A_1092, %get3A_1093] : memref<1x1xf32, #tpu.memory_space<vmem>>, vector<1x1xf32>
    %get3A_1095 = vector.extract %get3A_1094[0, 0] : f32 from vector<1x1xf32>
    %ge3A = arith.constant 0.000000e+00 : f32
    %ge3A_1096 = vector.broadcast %ge3A : f32 to vector<1x1024xf32>
    %ge3A_1097 = arith.cmpf oge, %add3A_1091, %ge3A_1096 : vector<1x1024xf32>
    %mul3A_1098 = vector.broadcast %get3A_1095 : f32 to vector<1x1024xf32>
    %mul3A_1099 = arith.mulf %mul3A_1098, %add3A_1091 : vector<1x1024xf32>
    %select_n3A = arith.select %ge3A_1097, %add3A_1091, %mul3A_1099 : vector<1x1024xi1>, vector<1x1024xf32>
    %swap3A = arith.constant 0 : index
    %swap3A_1100 = arith.constant 0 : index
    %swap3A_1101 = vector.load %arg15[%swap3A, %swap3A_1100] : memref<1x1024xf32, #tpu.memory_space<vmem>>, vector<1x1024xf32>
    tpu.vector_store %arg15[%swap3A, %swap3A_1100], %select_n3A {strides = array<i32>} : memref<1x1024xf32, #tpu.memory_space<vmem>>, vector<1x1024xf32>,
    return
  }
}

</mosaic_0001>

<sc_bundles>
// kernel: kernel.15.cloned.1.call-start
scs
__scs_entry_jumppad:
0x0: {  	(pc) =	sbr.rel $0x88, $3  }
0x1: {  	(tag) =	ssettag $0x0;
	lr =	simm.s32 $0x1  }
0x2: {  	[smem:$0x3F8E] =	sst lr;
	_ =	strace $0xD0000000  }
0x3: {  	_ = 	snop  }
0x4: {  	_ = 	snop  }
0x5: {  	_ = 	snop  }
0x6: {  	_ = 	snop  }
0x7: {  	_ = 	snop  }
__scs_overlays_trampoline_lowered:
0x8: {  	[smem:$0x3F9D] =	sst s0  }
0x9: {  	[smem:$0x3F9E] =	sst s1  }
0xa: {  	[smem:$0x3F9F] =	sst s2  }
0xb: {  	[smem:$0x3FA0] =	sst s3  }
0xc: {  	[smem:$0x3FA1] =	sst s4  }
0xd: {  	[smem:$0x3FA2] =	sst s5  }
0xe: {  	[smem:$0x3FA3] =	sst s6  }
0xf: {  	[smem:$0x3FA4] =	sst s7  }
0x10: {  	[smem:$0x3FA5] =	sst s8  }
0x11: {  	[smem:$0x3FA6] =	sst s9;
	s0 =	simm.s32 @!p0 $0x0  }
0x12: {  	s1 =	sld [smem:$0x3F8C];
	s0 =	simm.s32 @p0 $0x1  }
0x13: {  	[smem:$0x3FA7] =	sst s0;
	s0 =	simm.s32 @!p1 $0x0  }
0x14: {  	s2 =	sld [smem:$0x3F8B];
	s0 =	simm.s32 @p1 $0x1  }
0x15: {  	[smem:$0x3FA8] =	sst s0;
	s0 =	simm.s32 @!p2 $0x0  }
0x16: {  	s3 =	sld [smem:$0x3FDB];
	s0 =	simm.s32 @p2 $0x1  }
0x17: {  	s4 =	simm.s32 $0x1BF5;
	[smem:$0x3FAA] =	sst s0  }
0x18: {  	s0 =	sld [smem:$0x3F8D];
	_ =	swait.ge [sflag:s4], $0x0  }
0x19: {  	s7 =	sld [smem:$0x3F8E]  }
0x1a: {  	s8 =	sadd.s32 $0xFFFFE003, lr  }
0x1b: {  	s9 =	sadd.s32 $0xFFFFFEF7, lr;
	s5 =	simm.s32 $0xFFFFFFFF;
	p2 =	slt.u32 s8, $0xFFFFF086  }
0x1c: {  	p1 =	slt.u32 s9, $0xF7A;
	s5 =	simm.s32 @!p2 $0x0  }
0x1d: {  	s5 =	simm.s32 @p1 $0x1;
	p0 =	seq.s32 s7, s2  }
0x1e: {  	s7 =	smul.u32 @!p0 $0xF7A, s2;
	p2 =	seq.s32 @!p0 s5, $0x0  }
0x1f: {  	s9 =	smul.u32 $0xF7A, s1;
	s8 =	simm.s32 @!p0 $0x1BF5;
	p2 =	por !p2, p0  }
0x20: {  	[sflag:s8] =	ssyncset.s32 @!p0 $0xFFFFF086;
	s6 =	sadd.s32 @!p0 s3, s7;
	s7 =	simm.s32 @!p0 $0x108  }
0x21: {  	s3 =	sadd.s32 s3, s9;
	s6 =	sadd.s32 @!p0 $0x88, s6;
	s7 =	simm.s32 @p2 $0x1082  }
0x22: {  	[simem:s7], [sflag:s8] =	dma.local @!p0 [hbm:s6], $0xF7A  }
0x23: {  	s9 =	sor.u32 $0xD0000000, s2;
	s6 =	simm.s32 $0x108;
	_ =	swait.ge @!p0 [sflag:s8], $0x0  }
0x24: {  	s3 =	sadd.s32 $0x88, s3;
	s6 =	simm.s32 @!p1 $0x1082;
	[sflag:s4] =	ssyncset.s32 $0xFFFFF086  }
0x25: {  	[simem:s6], [sflag:s4] =	dma.local [hbm:s3], $0xF7A  }
0x26: {  	[smem:$0x3F8E] =	sst s1;
	(tag) =	ssettag s2;
	_ =	strace s9  }
0x27: {  	s1 =	sld [smem:$0x3F9E]  }
0x28: {  	s2 =	sld [smem:$0x3F9F]  }
0x29: {  	s4 =	sld [smem:$0x3FA1]  }
0x2a: {  	p0 =	seq.s32 s5, $0x0;
	s5 =	sld [smem:$0x3FA2]  }
0x2b: {  	s6 =	sld [smem:$0x3FA3]  }
0x2c: {  	s7 =	sld [smem:$0x3FA4]  }
0x2d: {  	s3 =	simm.s32 $0x108;
	s8 =	sld [smem:$0x3FA5]  }
0x2e: {  	s3 =	simm.s32 @!p0 $0x1082;
	s9 =	sld [smem:$0x3FA6]  }
0x2f: {  	lr =	sadd.s32 s0, s3;
	s0 =	sld [smem:$0x3F9D]  }
0x30: {  	s3 =	sld [smem:$0x3FA0]  }
0x31: {  	[smem:$0x3FA9] =	sst s10  }
0x32: {  	s10 =	sld [smem:$0x3FA7];
	_ =	sdelay $0x3  }
0x33: {  	p0 =	seq.s32 s10, $0x1;
	s10 =	sld [smem:$0x3FA9];
	_ =	sdelay $0x3  }
0x34: {  	[smem:$0x3FA9] =	sst s10  }
0x35: {  	s10 =	sld [smem:$0x3FA8];
	_ =	sdelay $0x3  }
0x36: {  	p1 =	seq.s32 s10, $0x1;
	s10 =	sld [smem:$0x3FA9];
	_ =	sdelay $0x3  }
0x37: {  	[smem:$0x3FA9] =	sst s10  }
0x38: {  	s10 =	sld [smem:$0x3FAA]  }
0x39: {  	_ = 	snop;
	(pc) =	sbr.ind lr, $3  }
0x3a: {  	_ = 	snop  }
0x3b: {  	_ = 	snop  }
0x3c: {  	p2 =	seq.s32 s10, $0x1;
	s10 =	sld [smem:$0x3FA9]  }
0x3d: {  	_ =	shalt  }
0x3e: {  	_ =	shalt  }
0x3f: {  	_ =	shalt  }
0x40: {  	_ =	shalt  }
0x41: {  	_ =	shalt  }
0x42: {  	_ =	shalt  }
0x43: {  	_ =	shalt  }
0x44: {  	_ =	shalt  }
0x45: {  	_ =	shalt  }
0x46: {  	_ =	shalt  }
0x47: {  	_ =	shalt  }
0x48: {  	_ =	shalt  }
0x49: {  	_ =	shalt  }
0x4a: {  	_ =	shalt  }
0x4b: {  	_ =	shalt  }
0x4c: {  	_ =	shalt  }
0x4d: {  	_ =	shalt  }
0x4e: {  	_ =	shalt  }
0x4f: {  	_ =	shalt  }
0x50: {  	_ =	shalt  }
0x51: {  	_ =	shalt  }
0x52: {  	_ =	shalt  }
0x53: {  	_ =	shalt  }
0x54: {  	_ =	shalt  }
0x55: {  	_ =	shalt  }
0x56: {  	_ =	shalt  }
0x57: {  	_ =	shalt  }
0x58: {  	_ =	shalt  }
0x59: {  	_ =	shalt  }
0x5a: {  	_ =	shalt  }
0x5b: {  	_ =	shalt  }
0x5c: {  	_ =	shalt  }
0x5d: {  	_ =	shalt  }
0x5e: {  	_ =	shalt  }
0x5f: {  	_ =	shalt  }
0x60: {  	_ =	shalt  }
0x61: {  	_ =	shalt  }
0x62: {  	_ =	shalt  }
0x63: {  	_ =	shalt  }
0x64: {  	_ =	shalt  }
0x65: {  	_ =	shalt  }
0x66: {  	_ =	shalt  }
0x67: {  	_ =	shalt  }
0x68: {  	_ =	shalt  }
0x69: {  	_ =	shalt  }
0x6a: {  	_ =	shalt  }
0x6b: {  	_ =	shalt  }
0x6c: {  	_ =	shalt  }
0x6d: {  	_ =	shalt  }
0x6e: {  	_ =	shalt  }
0x6f: {  	_ =	shalt  }
0x70: {  	_ =	shalt  }
0x71: {  	_ =	shalt  }
0x72: {  	_ =	shalt  }
0x73: {  	_ =	shalt  }
0x74: {  	_ =	shalt  }
0x75: {  	_ =	shalt  }
0x76: {  	_ =	shalt  }
0x77: {  	_ =	shalt  }
0x78: {  	_ =	shalt  }
0x79: {  	_ =	shalt  }
0x7a: {  	_ =	shalt  }
0x7b: {  	_ =	shalt  }
0x7c: {  	_ =	shalt  }
0x7d: {  	_ =	shalt  }
0x7e: {  	_ =	shalt  }
0x7f: {  	_ =	shalt  }
0x80: {  	_ =	shalt  }
0x81: {  	_ =	shalt  }
0x82: {  	_ =	shalt  }
0x83: {  	_ =	shalt  }
0x84: {  	_ =	shalt  }
0x85: {  	_ =	shalt  }
0x86: {  	_ =	shalt  }
0x87: {  	_ =	shalt  }
.Lfunc_end0:
.L_simem_size_0:
called_computation_lowered:
.L_overlay_start_0:
0x88: {  	s2 =	sld [smem:$0x3FD9]  }
0x89: {  	s3 =	sld [smem:$0x3FFE];
	_ =	sdelay $0x1  }
0x8a: {  	s1 =	srdreg.scid  }
0x8b: {  	s0 =	sand.u32 $0x1, s1  }
0x8c: {  	s16 =	sshll.u32 s0, $0xA;
	s2 =	sadd.s32 s3, s2  }
0x8d: {  	s2 =	sadd.s32 s2, s16  }
0x8e: {  	[smem:$0x3FB5] =	sst s2  }
0x8f: {  	_ = 	snop  }
0x90: {  	(tm) =	ssettm $0x1  }
0x91: {  	s17 =	sld [smem:$0x3FFB];
	_ =	sdelay $0x3  }
0x92: {  	_ =	strace s17  }
0x93: {  	s2 =	sld [smem:$0x3FFC];
	_ =	sdelay $0x3  }
0x94: {  	_ =	strace s2  }
0x95: {  	s2 =	sld [smem:$0x3FFD];
	_ =	sdelay $0x3  }
0x96: {  	_ =	strace s2  }
0x97: {  	_ =	strace $0x8FFFFFFF  }
0x98: {  	s18 =	sld [smem:$0x3FDB];
	_ =	sdelay $0x1  }
0x99: {  	s19 =	simm.s32 $_scs_section_size  }
0x9a: {  	s4 =	simm.s32 $_size__tile_overlayer_lowered;
	s5 =	simm.s32 $_tile_overlayer_lowered  }
0x9b: {  	s22 =	simm.s32 $0x1BFF;
	s21 =	sshll.u32 s5, $0x1;
	s2 =	sadd.s32 s19, s18  }
0x9c: {  	s6 =	simm.s32 $0x0;
	s20 =	sshll.u32 s4, $0x1;
	s4 =	sadd.s32 s21, s2  }
0x9d: {  	[timem:s6], [sflag:s22] =	dma.local [hbm:s4], s20  }
0x9e: {  	_ =	swait.ge [sflag:s22], s20  }
0x9f: {  	s3 =	ssub.s32 $0x0, s20;
	[sflag:s22] =	ssyncset.done $0x0  }
0xa0: {  	[sflag:s22] =	ssyncadd.s32 s3;
	_ =	sdelay $0x1  }
0xa1: {  	s23 =	simm.s32 $0x1B8B  }
0xa2: {  	_ =	swait.ge [sflag:s23], $0x1  }
0xa3: {  	[sflag:s23] =	ssyncset.done $0x0  }
0xa4: {  	s25 =	simm.s32 $0x1B8E;
	s24 =	sld [smem:$0x3FFE];
	[sflag:s23] =	ssyncadd.s32 $0xFFFFFFFF  }
0xa5: {  	s26 =	simm.s32 $execute0_lowered;
	[smem:$0x3FD2] =	sst s25  }
0xa6: {  	s4 =	sshll.u32 s26, $0x1;
	_ =	strace $0x80000046;
	[dreg:$0x1] =	wrdreg $0xFFFFFFFF  }
0xa7: {  	s28 =	simm.s32 $_size_execute0_lowered;
	s2 =	sadd.s32 s2, s4;
	[dreg:$0x0] =	wrdreg $0x0  }
0xa8: {  	s4 =	sshll.u32 s28, $0x1;
	[dreg:$0x2] =	wrdreg s2  }
0xa9: {  	[dreg:$0x3] =	wrdreg s4  }
0xaa: {  	[dreg:$0x4] =	wrdreg $0xC0  }
0xab: {  	_ =	task [dreg:s6], $0x5FFFF  }
0xac: {  	[dreg:$0x1] =	wrdreg $0xFFFFFFFF  }
0xad: {  	[dreg:$0x0] =	wrdreg $0x60  }
0xae: {  	[dreg:$0x2] =	wrdreg s24  }
0xaf: {  	[dreg:$0x3] =	wrdreg $0x9  }
0xb0: {  	_ =	task.clear_ibuf [dreg:s6], $0x4FFFF;
	_ =	strace $0x90000046  }
0xb1: {  	s29 =	simm.s32 $0x9;
	_ =	strace $0x80000048  }
0xb2: {  	_ =	swait.ge [sflag:s29], $0x1  }
0xb3: {  	[sflag:s29] =	ssyncadd.s32 $0xFFFFFFFF  }
0xb4: {  	_ =	strace $0x90000048  }
0xb5: {  	_ =	sfence  }
0xb6: {  	s30 =	sld [smem:$0x0];
	_ =	sdelay $0x2  }
0xb7: {  	s31 =	sshll.u32 s1, $0xD;
	s1 =	sshrl.u32 s1, $0x2  }
0xb8: {  	s3 =	sand.u32 $0x4000, s31;
	s1 =	sadd.s32 s1, s30  }
0xb9: {  	s0 =	sor.u32 s3, s0;
	s1 =	sshll.u32 s1, $0x11  }
0xba: {  	s0 =	sor.u32 s1, s0  }
0xbb: {  	s0 =	sadd.s32 $0x8F2B, s0  }
0xbc: {  	[sflag:s0] =	ssyncadd.remote.s32 $0x1  }
0xbd: {  	_ =	sfence.sel $0xFFFF  }
0xbe: {  	[dreg:$0x0] =	wrdreg $0xFFFFFFFF;
	(pc) =	sbr.abs _section_cstart, $3  }
0xbf: {  	[dreg:$0x1] =	wrdreg $0xFFFFFFFF  }
0xc0: {  	_ =	task.clear_ibuf [dreg:s6], $0x2FFFF;
	_ =	strace $0x9FFFFFFF  }
0xc1: {  	(tm) =	ssettm $0x7FFFFFFF  }
tec
execute0_lowered:
.L_overlay_start_1:
0x0: {  	(tag) =	ssettag $0x1  }
0x1: {  	s0 =	srdreg.scid;
	s5 =	rddreg [dreg:$0x0]  }
0x2: {  	s2 =	simm.s32 $0x0;
	s8 =	simm.s32 $0x7D;
	s4 =	sand.u32 $0x1, s0  }
0x3: {  	s9 =	simm.s32 $0x1;
	s0 =	stileid.u32;
	s1 =	sshll.u32 s4, $0x4  }
0x4: {  	s10 =	simm.s32 $0x1400;
	s11 =	simm.s32 $0x0;
	s3 =	sor.u32 s0, s1  }
0x5: {  	[smem:$0x7FF] =	sst s2;
	s4 =	ssub.s32 $0x2, s4;
	s6 =	smul.u32 $0x280, s3  }
0x6: {  	s1 =	rddreg [dreg:$0x1];
	_ =	strace $0x80000047;
	s7 =	smul.u32 $0x2710, s3  }
0x7: {  	s31 =	sshrl.u32 s4, $0x1;
	s3 =	sadd.s32 $0x5600, s5;
	s6 =	sadd.s32 s6, s5  }
0x8: {  	s5 =	sadd.s32 s7, s5;
	s7 =	ssub.s32 s4, s31;
	s4 =	sadd.s32 $0xA600, s6  }
0x9: {  	s5 =	sadd.s32 $0xF600, s5;
	s6 =	smax.u32 s7, $0x1;
	s7 =	simm.s32 $0x2  }
.LBB2_1:
0xa: {  	[tilespmem:s2], [sflag:$0x2] =	stream.linear.gather [hbm4b:s4+s2], $0x1400, $0x38;
	[tilespmem:$0x14C80] =	vst v63  }
0xb: {  	_ =	swait.ge [sflag:s7], $0x1400  }
0xc: {  	s12 =	simm.s32 $0x200;
	s15 =	simm.s32 $0x0;
	[sflag:s7] =	ssyncset.done $0x0  }
0xd: {  	s13 =	simm.s32 $0x1BD0;
	s14 =	simm.s32 $0x1400;
	[sflag:s7] =	ssyncadd.s32 $0xFFFFEC00  }
.LBB2_2:
0xe: {  	[tilespmem:s14], [sflag:$0x1] =	stream.indirect.gather [hbm4b:s3+s8], $0x10, s15, s8, $0xb8;
	[tilespmem:$0x14C80] =	vst v63  }
0xf: {  	s15 =	smov.u32 s12;
	s14 =	smov.u32 s13;
	p0 =	sne.s32 s12, $0x4E00  }
.Ltmp0:
0x10: {  	s12 =	sadd.s32 $0x200, s12;
	(pc) =	sbr.rel @p0 .LBB2_2-.Ltmp0, $2  }
0x11: {  	_ =	sdelay $0x2  }
0x12: {  	s13 =	sadd.s32 $0x7D0, s13;
	s15 =	sshra.s32 s15, $0x2  }
0x13: {  	[tilespmem:s14], [sflag:$0x1] =	stream.indirect.gather [hbm4b:s3+s8], $0x10, s15, s8, $0xb8;
	[tilespmem:$0x14C80] =	vst v63  }
0x14: {  	s11 =	sadd.s32 $0x1, s11;
	_ =	swait.ge [sflag:s9], $0x13880  }
0x15: {  	p0 =	sne.s32 s11, s6;
	[sflag:s9] =	ssyncset.done $0x0  }
.Ltmp1:
0x16: {  	[sflag:s9] =	ssyncadd.s32 $0xFFFEC780;
	(pc) =	sbr.rel @p0 .LBB2_1-.Ltmp1, $4  }
0x17: {  	[hbm4b:s5+s2] =	stream.linear.scatter [tilespmem:s10], [sflag:$0x2], $0x13880, $0x38;
	[tilespmem:$0x14C80] =	vst v63  }
0x18: {  	_ =	swait.ge [sflag:s7], $0x13880  }
0x19: {  	[sflag:s7] =	ssyncset.done $0x0  }
0x1a: {  	[sflag:s7] =	ssyncadd.s32 $0xFFFEC780  }
0x1b: {  	_ =	sfence.sel $0x180000  }
0x1c: {  	[bflag:$0x0] =	sbarrier.arrive $0xFFFF  }
0x1d: {  	p0 =	sne.s32 s0, $0x0;
	_ =	strace $0x90000047  }
0x1e: {  	s0 =	sadd.s32 @!p0 $0x100000, s1;
	[bflag:$0x2] =	sbarrier.arrive $0xFFFF  }
0x1f: {  	[sflag:s0] =	ssyncadd.tile.s32 @!p0 $0x1;
	_ =	shalt  }
.Lfunc_end2:
_tile_overlayer_lowered:
.L_overlay_start_2:
0x20: {  	(tag) =	ssettag $0x2  }
0x21: {  	s0 =	rddreg [dreg:$0x0];
	s2 =	stileid.u32  }
0x22: {  	s1 =	rddreg [dreg:$0x1];
	p0 =	sne.s32 s2, $0x0  }
0x23: {  	s3 =	rddreg [dreg:$0x2];
	[bflag:$0x3] =	sbarrier.arrive $0xFFFF;
	s2 =	simm.s32 @!p0 $0x1C02  }
0x24: {  	[timem:s3], [sflag:s2] =	dma.local @!p0 [hbm:s0], s1  }
0x25: {  	s0 =	simm.s32 @!p0 $0x2  }
0x26: {  	_ =	swait.ge @!p0 [sflag:s0], s1  }
0x27: {  	s1 =	ssub.s32 @!p0 $0x0, s1;
	[sflag:s0] =	ssyncset.done @!p0 $0x0  }
0x28: {  	[sflag:s0] =	ssyncadd.s32 @!p0 s1  }
0x29: {  	[bflag:$0x3] =	sbarrier.arrive $0xFFFF  }
0x2a: {  	_ =	shalt  }

// kernel: kernel.18.cloned.1.call-start
scs
__scs_entry_jumppad:
0x0: {  	(pc) =	sbr.rel $0x88, $3  }
0x1: {  	(tag) =	ssettag $0x0;
	lr =	simm.s32 $0x1  }
0x2: {  	[smem:$0x3F8E] =	sst lr;
	_ =	strace $0xD0000000  }
0x3: {  	_ = 	snop  }
0x4: {  	_ = 	snop  }
0x5: {  	_ = 	snop  }
0x6: {  	_ = 	snop  }
0x7: {  	_ = 	snop  }
__scs_overlays_trampoline_lowered:
0x8: {  	[smem:$0x3F9D] =	sst s0  }
0x9: {  	[smem:$0x3F9E] =	sst s1  }
0xa: {  	[smem:$0x3F9F] =	sst s2  }
0xb: {  	[smem:$0x3FA0] =	sst s3  }
0xc: {  	[smem:$0x3FA1] =	sst s4  }
0xd: {  	[smem:$0x3FA2] =	sst s5  }
0xe: {  	[smem:$0x3FA3] =	sst s6  }
0xf: {  	[smem:$0x3FA4] =	sst s7  }
0x10: {  	[smem:$0x3FA5] =	sst s8  }
0x11: {  	[smem:$0x3FA6] =	sst s9;
	s0 =	simm.s32 @!p0 $0x0  }
0x12: {  	s1 =	sld [smem:$0x3F8C];
	s0 =	simm.s32 @p0 $0x1  }
0x13: {  	[smem:$0x3FA7] =	sst s0;
	s0 =	simm.s32 @!p1 $0x0  }
0x14: {  	s2 =	sld [smem:$0x3F8B];
	s0 =	simm.s32 @p1 $0x1  }
0x15: {  	[smem:$0x3FA8] =	sst s0;
	s0 =	simm.s32 @!p2 $0x0  }
0x16: {  	s3 =	sld [smem:$0x3FDB];
	s0 =	simm.s32 @p2 $0x1  }
0x17: {  	s4 =	simm.s32 $0x1BF5;
	[smem:$0x3FAA] =	sst s0  }
0x18: {  	s0 =	sld [smem:$0x3F8D];
	_ =	swait.ge [sflag:s4], $0x0  }
0x19: {  	s7 =	sld [smem:$0x3F8E]  }
0x1a: {  	s8 =	sadd.s32 $0xFFFFE003, lr  }
0x1b: {  	s9 =	sadd.s32 $0xFFFFFEF7, lr;
	s5 =	simm.s32 $0xFFFFFFFF;
	p2 =	slt.u32 s8, $0xFFFFF086  }
0x1c: {  	p1 =	slt.u32 s9, $0xF7A;
	s5 =	simm.s32 @!p2 $0x0  }
0x1d: {  	s5 =	simm.s32 @p1 $0x1;
	p0 =	seq.s32 s7, s2  }
0x1e: {  	s7 =	smul.u32 @!p0 $0xF7A, s2;
	p2 =	seq.s32 @!p0 s5, $0x0  }
0x1f: {  	s9 =	smul.u32 $0xF7A, s1;
	s8 =	simm.s32 @!p0 $0x1BF5;
	p2 =	por !p2, p0  }
0x20: {  	[sflag:s8] =	ssyncset.s32 @!p0 $0xFFFFF086;
	s6 =	sadd.s32 @!p0 s3, s7;
	s7 =	simm.s32 @!p0 $0x108  }
0x21: {  	s3 =	sadd.s32 s3, s9;
	s6 =	sadd.s32 @!p0 $0x88, s6;
	s7 =	simm.s32 @p2 $0x1082  }
0x22: {  	[simem:s7], [sflag:s8] =	dma.local @!p0 [hbm:s6], $0xF7A  }
0x23: {  	s9 =	sor.u32 $0xD0000000, s2;
	s6 =	simm.s32 $0x108;
	_ =	swait.ge @!p0 [sflag:s8], $0x0  }
0x24: {  	s3 =	sadd.s32 $0x88, s3;
	s6 =	simm.s32 @!p1 $0x1082;
	[sflag:s4] =	ssyncset.s32 $0xFFFFF086  }
0x25: {  	[simem:s6], [sflag:s4] =	dma.local [hbm:s3], $0xF7A  }
0x26: {  	[smem:$0x3F8E] =	sst s1;
	(tag) =	ssettag s2;
	_ =	strace s9  }
0x27: {  	s1 =	sld [smem:$0x3F9E]  }
0x28: {  	s2 =	sld [smem:$0x3F9F]  }
0x29: {  	s4 =	sld [smem:$0x3FA1]  }
0x2a: {  	p0 =	seq.s32 s5, $0x0;
	s5 =	sld [smem:$0x3FA2]  }
0x2b: {  	s6 =	sld [smem:$0x3FA3]  }
0x2c: {  	s7 =	sld [smem:$0x3FA4]  }
0x2d: {  	s3 =	simm.s32 $0x108;
	s8 =	sld [smem:$0x3FA5]  }
0x2e: {  	s3 =	simm.s32 @!p0 $0x1082;
	s9 =	sld [smem:$0x3FA6]  }
0x2f: {  	lr =	sadd.s32 s0, s3;
	s0 =	sld [smem:$0x3F9D]  }
0x30: {  	s3 =	sld [smem:$0x3FA0]  }
0x31: {  	[smem:$0x3FA9] =	sst s10  }
0x32: {  	s10 =	sld [smem:$0x3FA7];
	_ =	sdelay $0x3  }
0x33: {  	p0 =	seq.s32 s10, $0x1;
	s10 =	sld [smem:$0x3FA9];
	_ =	sdelay $0x3  }
0x34: {  	[smem:$0x3FA9] =	sst s10  }
0x35: {  	s10 =	sld [smem:$0x3FA8];
	_ =	sdelay $0x3  }
0x36: {  	p1 =	seq.s32 s10, $0x1;
	s10 =	sld [smem:$0x3FA9];
	_ =	sdelay $0x3  }
0x37: {  	[smem:$0x3FA9] =	sst s10  }
0x38: {  	s10 =	sld [smem:$0x3FAA]  }
0x39: {  	_ = 	snop;
	(pc) =	sbr.ind lr, $3  }
0x3a: {  	_ = 	snop  }
0x3b: {  	_ = 	snop  }
0x3c: {  	p2 =	seq.s32 s10, $0x1;
	s10 =	sld [smem:$0x3FA9]  }
0x3d: {  	_ =	shalt  }
0x3e: {  	_ =	shalt  }
0x3f: {  	_ =	shalt  }
0x40: {  	_ =	shalt  }
0x41: {  	_ =	shalt  }
0x42: {  	_ =	shalt  }
0x43: {  	_ =	shalt  }
0x44: {  	_ =	shalt  }
0x45: {  	_ =	shalt  }
0x46: {  	_ =	shalt  }
0x47: {  	_ =	shalt  }
0x48: {  	_ =	shalt  }
0x49: {  	_ =	shalt  }
0x4a: {  	_ =	shalt  }
0x4b: {  	_ =	shalt  }
0x4c: {  	_ =	shalt  }
0x4d: {  	_ =	shalt  }
0x4e: {  	_ =	shalt  }
0x4f: {  	_ =	shalt  }
0x50: {  	_ =	shalt  }
0x51: {  	_ =	shalt  }
0x52: {  	_ =	shalt  }
0x53: {  	_ =	shalt  }
0x54: {  	_ =	shalt  }
0x55: {  	_ =	shalt  }
0x56: {  	_ =	shalt  }
0x57: {  	_ =	shalt  }
0x58: {  	_ =	shalt  }
0x59: {  	_ =	shalt  }
0x5a: {  	_ =	shalt  }
0x5b: {  	_ =	shalt  }
0x5c: {  	_ =	shalt  }
0x5d: {  	_ =	shalt  }
0x5e: {  	_ =	shalt  }
0x5f: {  	_ =	shalt  }
0x60: {  	_ =	shalt  }
0x61: {  	_ =	shalt  }
0x62: {  	_ =	shalt  }
0x63: {  	_ =	shalt  }
0x64: {  	_ =	shalt  }
0x65: {  	_ =	shalt  }
0x66: {  	_ =	shalt  }
0x67: {  	_ =	shalt  }
0x68: {  	_ =	shalt  }
0x69: {  	_ =	shalt  }
0x6a: {  	_ =	shalt  }
0x6b: {  	_ =	shalt  }
0x6c: {  	_ =	shalt  }
0x6d: {  	_ =	shalt  }
0x6e: {  	_ =	shalt  }
0x6f: {  	_ =	shalt  }
0x70: {  	_ =	shalt  }
0x71: {  	_ =	shalt  }
0x72: {  	_ =	shalt  }
0x73: {  	_ =	shalt  }
0x74: {  	_ =	shalt  }
0x75: {  	_ =	shalt  }
0x76: {  	_ =	shalt  }
0x77: {  	_ =	shalt  }
0x78: {  	_ =	shalt  }
0x79: {  	_ =	shalt  }
0x7a: {  	_ =	shalt  }
0x7b: {  	_ =	shalt  }
0x7c: {  	_ =	shalt  }
0x7d: {  	_ =	shalt  }
0x7e: {  	_ =	shalt  }
0x7f: {  	_ =	shalt  }
0x80: {  	_ =	shalt  }
0x81: {  	_ =	shalt  }
0x82: {  	_ =	shalt  }
0x83: {  	_ =	shalt  }
0x84: {  	_ =	shalt  }
0x85: {  	_ =	shalt  }
0x86: {  	_ =	shalt  }
0x87: {  	_ =	shalt  }
.Lfunc_end0:
.L_simem_size_0:
called_computation.1_lowered:
.L_overlay_start_0:
0x88: {  	s2 =	sld [smem:$0x3FD9]  }
0x89: {  	s3 =	sld [smem:$0x3FFE];
	_ =	sdelay $0x1  }
0x8a: {  	s1 =	srdreg.scid  }
0x8b: {  	s0 =	sand.u32 $0x1, s1  }
0x8c: {  	s16 =	sshll.u32 s0, $0xA;
	s2 =	sadd.s32 s3, s2  }
0x8d: {  	s2 =	sadd.s32 s2, s16  }
0x8e: {  	[smem:$0x3FB5] =	sst s2  }
0x8f: {  	_ = 	snop  }
0x90: {  	(tm) =	ssettm $0x1  }
0x91: {  	s17 =	sld [smem:$0x3FFB];
	_ =	sdelay $0x3  }
0x92: {  	_ =	strace s17  }
0x93: {  	s2 =	sld [smem:$0x3FFC];
	_ =	sdelay $0x3  }
0x94: {  	_ =	strace s2  }
0x95: {  	s2 =	sld [smem:$0x3FFD];
	_ =	sdelay $0x3  }
0x96: {  	_ =	strace s2  }
0x97: {  	_ =	strace $0x8FFFFFFF  }
0x98: {  	s18 =	sld [smem:$0x3FDB];
	_ =	sdelay $0x1  }
0x99: {  	s19 =	simm.s32 $_scs_section_size  }
0x9a: {  	s4 =	simm.s32 $_size__tile_overlayer_lowered;
	s5 =	simm.s32 $_tile_overlayer_lowered  }
0x9b: {  	s22 =	simm.s32 $0x1BFF;
	s21 =	sshll.u32 s5, $0x1;
	s2 =	sadd.s32 s19, s18  }
0x9c: {  	s6 =	simm.s32 $0x0;
	s20 =	sshll.u32 s4, $0x1;
	s4 =	sadd.s32 s21, s2  }
0x9d: {  	[timem:s6], [sflag:s22] =	dma.local [hbm:s4], s20  }
0x9e: {  	_ =	swait.ge [sflag:s22], s20  }
0x9f: {  	s3 =	ssub.s32 $0x0, s20;
	[sflag:s22] =	ssyncset.done $0x0  }
0xa0: {  	[sflag:s22] =	ssyncadd.s32 s3;
	_ =	sdelay $0x1  }
0xa1: {  	s23 =	simm.s32 $0x1B8B  }
0xa2: {  	_ =	swait.ge [sflag:s23], $0x1  }
0xa3: {  	[sflag:s23] =	ssyncset.done $0x0  }
0xa4: {  	s25 =	simm.s32 $0x1B8E;
	s24 =	sld [smem:$0x3FFE];
	[sflag:s23] =	ssyncadd.s32 $0xFFFFFFFF  }
0xa5: {  	s26 =	simm.s32 $execute0_lowered;
	[smem:$0x3FD2] =	sst s25  }
0xa6: {  	s4 =	sshll.u32 s26, $0x1;
	_ =	strace $0x80000049;
	[dreg:$0x1] =	wrdreg $0xFFFFFFFF  }
0xa7: {  	s28 =	simm.s32 $_size_execute0_lowered;
	s2 =	sadd.s32 s2, s4;
	[dreg:$0x0] =	wrdreg $0x0  }
0xa8: {  	s4 =	sshll.u32 s28, $0x1;
	[dreg:$0x2] =	wrdreg s2  }
0xa9: {  	[dreg:$0x3] =	wrdreg s4  }
0xaa: {  	[dreg:$0x4] =	wrdreg $0xC0  }
0xab: {  	_ =	task [dreg:s6], $0x5FFFF  }
0xac: {  	[dreg:$0x1] =	wrdreg $0xFFFFFFFF  }
0xad: {  	[dreg:$0x0] =	wrdreg $0x60  }
0xae: {  	[dreg:$0x2] =	wrdreg s24  }
0xaf: {  	[dreg:$0x3] =	wrdreg $0x14C800  }
0xb0: {  	[dreg:$0x4] =	wrdreg $0x9  }
0xb1: {  	_ =	task.clear_ibuf [dreg:s6], $0x5FFFF;
	_ =	strace $0x90000049  }
0xb2: {  	s29 =	simm.s32 $0x9;
	_ =	strace $0x8000004B  }
0xb3: {  	_ =	swait.ge [sflag:s29], $0x1  }
0xb4: {  	[sflag:s29] =	ssyncadd.s32 $0xFFFFFFFF  }
0xb5: {  	_ =	strace $0x9000004B  }
0xb6: {  	_ =	sfence  }
0xb7: {  	s30 =	sld [smem:$0x0];
	_ =	sdelay $0x2  }
0xb8: {  	s31 =	sshll.u32 s1, $0xD;
	s1 =	sshrl.u32 s1, $0x2  }
0xb9: {  	s3 =	sand.u32 $0x4000, s31;
	s1 =	sadd.s32 s1, s30  }
0xba: {  	s0 =	sor.u32 s3, s0;
	s1 =	sshll.u32 s1, $0x11  }
0xbb: {  	s0 =	sor.u32 s1, s0  }
0xbc: {  	s0 =	sadd.s32 $0x8F2B, s0  }
0xbd: {  	[sflag:s0] =	ssyncadd.remote.s32 $0x1  }
0xbe: {  	_ =	sfence.sel $0xFFFF  }
0xbf: {  	[dreg:$0x0] =	wrdreg $0xFFFFFFFF;
	(pc) =	sbr.abs _section_cstart, $3  }
0xc0: {  	[dreg:$0x1] =	wrdreg $0xFFFFFFFF  }
0xc1: {  	_ =	task.clear_ibuf [dreg:s6], $0x2FFFF;
	_ =	strace $0x9FFFFFFF  }
0xc2: {  	(tm) =	ssettm $0x7FFFFFFF  }
0xc3: {  	_ =	shalt  }
tec
execute0_lowered:
.L_overlay_start_1:
0x0: {  	(tag) =	ssettag $0x1  }
0x1: {  	s0 =	srdreg.scid  }
0x2: {  	s13 =	stileid.u32;
	s4 =	rddreg [dreg:$0x0]  }
0x3: {  	s1 =	rddreg [dreg:$0x1];
	s2 =	simm.s32 $0x0;
	s11 =	simm.s32 $0x7D  }
0x4: {  	s12 =	simm.s32 $0x1;
	s15 =	simm.s32 $0x0;
	s3 =	sand.u32 $0x1, s0  }
0x5: {  	[smem:$0x7FF] =	sst s2;
	s8 =	smul.u32 $0x2800, s13;
	p0 =	sne.s32 s13, $0x0  }
0x6: {  	s0 =	sshll.u32 s3, $0x4;
	s7 =	smul.u32 $0x28000, s3;
	s9 =	ssub.s32 $0x2, s3  }
0x7: {  	s3 =	sadd.s32 $0x62800, s4;
	s5 =	sor.u32 s13, s0;
	s0 =	rddreg [dreg:$0x2]  }
0x8: {  	_ =	strace $0x8000004A;
	s10 =	sshrl.u32 s9, $0x1;
	s6 =	smul.u32 $0x2710, s5  }
0x9: {  	s14 =	sadd.s32 s8, s1;
	s13 =	sshll.u32 s13, $0x6;
	s5 =	smul.u32 $0x280, s5  }
0xa: {  	s7 =	sadd.s32 s8, s7;
	s9 =	ssub.s32 s9, s10;
	s8 =	simm.s32 $0x2  }
0xb: {  	s10 =	sshrl.u32 @!p0 s1, $0x3;
	s13 =	sor.u32 $0x1C02, s13;
	s14 =	sshrl.u32 s14, $0x3  }
0xc: {  	s7 =	sshrl.u32 s7, $0x3;
	s6 =	sadd.s32 s6, s4;
	s5 =	sadd.s32 s5, s4  }
0xd: {  	s7 =	sadd.s32 s7, s4;
	s4 =	sadd.s32 $0x5D800, s5;
	s5 =	sadd.s32 $0xF600, s6  }
0xe: {  	s6 =	sadd.s32 $0x67800, s7;
	s7 =	smax.u32 s9, $0x1;
	s9 =	simm.s32 $0x1400  }
.LBB2_1:
0xf: {  	[tilespmem:s2], [sflag:$0x2] =	stream.linear.gather [hbm4b:s4+s2], $0x1400, $0x38;
	[tilespmem:$0x17480] =	vst v63  }
0x10: {  	_ =	swait.ge [sflag:s8], $0x1400  }
0x11: {  	[sflag:s8] =	ssyncset.done $0x0  }
0x12: {  	[sflag:s8] =	ssyncadd.s32 $0xFFFFEC00  }
0x13: {  	[tilespmem:s9], [sflag:$0x2] =	stream.linear.gather [hbm4b:s5+s2], $0x13880, $0x38;
	[tilespmem:$0x17480] =	vst v63  }
0x14: {  	_ =	swait.ge [sflag:s8], $0x13880  }
0x15: {  	[sflag:s8] =	ssyncset.done $0x0  }
0x16: {  	s16 =	simm.s32 @!p0 $0x1C02;
	[sflag:s8] =	ssyncadd.s32 $0xFFFEC780  }
0x17: {  	[spmem:s10], [sflag:s16] =	dma.local @!p0 [hbm:s3], $0x5000  }
0x18: {  	s16 =	simm.s32 @!p0 $0x2  }
0x19: {  	_ =	swait.ge @!p0 [sflag:s16], $0x5000  }
0x1a: {  	[sflag:s16] =	ssyncset.done @!p0 $0x0  }
0x1b: {  	s19 =	simm.s32 $0x0;
	s17 =	simm.s32 $0x1BD0;
	[sflag:s16] =	ssyncadd.s32 @!p0 $0xFFFFB000  }
0x1c: {  	s18 =	simm.s32 $0x1400;
	s16 =	simm.s32 $0x200;
	[bflag:$0x0] =	sbarrier.arrive $0xFFFF  }
.LBB2_2:
0x1d: {  	[spmem:s1] =	stream.indirect.scatter.add.f32 [tilespmem:s18], [sflag:$0x1], $0x10, s19, s11, $0xb8;
	[tilespmem:$0x17480] =	vst v63  }
0x1e: {  	s19 =	smov.u32 s16;
	s18 =	smov.u32 s17;
	p1 =	sne.s32 s16, $0x4E00  }
.Ltmp0:
0x1f: {  	s16 =	sadd.s32 $0x200, s16;
	(pc) =	sbr.rel @p1 .LBB2_2-.Ltmp0, $2  }
0x20: {  	_ =	sdelay $0x2  }
0x21: {  	s17 =	sadd.s32 $0x7D0, s17;
	s19 =	sshra.s32 s19, $0x2  }
0x22: {  	[spmem:s1] =	stream.indirect.scatter.add.f32 [tilespmem:s18], [sflag:$0x1], $0x10, s19, s11, $0xb8;
	[tilespmem:$0x17480] =	vst v63  }
0x23: {  	_ =	swait.ge [sflag:s12], $0x13880  }
0x24: {  	s15 =	sadd.s32 $0x1, s15;
	[sflag:s12] =	ssyncset.done $0x0  }
0x25: {  	p1 =	sne.s32 s15, s7;
	[sflag:s12] =	ssyncadd.s32 $0xFFFEC780  }
.Ltmp1:
0x26: {  	[bflag:$0x0] =	sbarrier.arrive $0xFFFF;
	(pc) =	sbr.rel @p1 .LBB2_1-.Ltmp1, $4  }
0x27: {  	[hbm:s6], [sflag:s13] =	dma.local [spmem:s14], $0x500  }
0x28: {  	_ =	swait.ge [sflag:s8], $0x500  }
0x29: {  	[sflag:s8] =	ssyncset.done $0x0  }
0x2a: {  	[sflag:s8] =	ssyncadd.s32 $0xFFFFFB00  }
0x2b: {  	_ =	sfence.sel $0x180000  }
0x2c: {  	[bflag:$0x0] =	sbarrier.arrive $0xFFFF  }
0x2d: {  	_ =	strace $0x9000004A  }
0x2e: {  	s0 =	sadd.s32 @!p0 $0x100000, s0;
	[bflag:$0x2] =	sbarrier.arrive $0xFFFF  }
0x2f: {  	[sflag:s0] =	ssyncadd.tile.s32 @!p0 $0x1;
	_ =	shalt  }
.Lfunc_end2:
_tile_overlayer_lowered:
.L_overlay_start_2:
0x30: {  	(tag) =	ssettag $0x2  }
0x31: {  	s0 =	rddreg [dreg:$0x0];
	s2 =	stileid.u32  }
0x32: {  	s1 =	rddreg [dreg:$0x1];
	p0 =	sne.s32 s2, $0x0  }
0x33: {  	s3 =	rddreg [dreg:$0x2];
	[bflag:$0x3] =	sbarrier.arrive $0xFFFF;
	s2 =	simm.s32 @!p0 $0x1C02  }
0x34: {  	[timem:s3], [sflag:s2] =	dma.local @!p0 [hbm:s0], s1  }
0x35: {  	s0 =	simm.s32 @!p0 $0x2  }
0x36: {  	_ =	swait.ge @!p0 [sflag:s0], s1  }
0x37: {  	s1 =	ssub.s32 @!p0 $0x0, s1;
	[sflag:s0] =	ssyncset.done @!p0 $0x0  }
0x38: {  	[sflag:s0] =	ssyncadd.s32 @!p0 s1  }
0x39: {  	[bflag:$0x3] =	sbarrier.arrive $0xFFFF  }
0x3a: {  	_ =	shalt  }

// kernel: kernel.21.cloned.1.call-start
scs
__scs_entry_jumppad:
0x0: {  	(pc) =	sbr.rel $0x88, $3  }
0x1: {  	(tag) =	ssettag $0x0;
	lr =	simm.s32 $0x1  }
0x2: {  	[smem:$0x3F8E] =	sst lr;
	_ =	strace $0xD0000000  }
0x3: {  	_ = 	snop  }
0x4: {  	_ = 	snop  }
0x5: {  	_ = 	snop  }
0x6: {  	_ = 	snop  }
0x7: {  	_ = 	snop  }
__scs_overlays_trampoline_lowered:
0x8: {  	[smem:$0x3F9D] =	sst s0  }
0x9: {  	[smem:$0x3F9E] =	sst s1  }
0xa: {  	[smem:$0x3F9F] =	sst s2  }
0xb: {  	[smem:$0x3FA0] =	sst s3  }
0xc: {  	[smem:$0x3FA1] =	sst s4  }
0xd: {  	[smem:$0x3FA2] =	sst s5  }
0xe: {  	[smem:$0x3FA3] =	sst s6  }
0xf: {  	[smem:$0x3FA4] =	sst s7  }
0x10: {  	[smem:$0x3FA5] =	sst s8  }
0x11: {  	[smem:$0x3FA6] =	sst s9;
	s0 =	simm.s32 @!p0 $0x0  }
0x12: {  	s1 =	sld [smem:$0x3F8C];
	s0 =	simm.s32 @p0 $0x1  }
0x13: {  	[smem:$0x3FA7] =	sst s0;
	s0 =	simm.s32 @!p1 $0x0  }
0x14: {  	s2 =	sld [smem:$0x3F8B];
	s0 =	simm.s32 @p1 $0x1  }
0x15: {  	[smem:$0x3FA8] =	sst s0;
	s0 =	simm.s32 @!p2 $0x0  }
0x16: {  	s3 =	sld [smem:$0x3FDB];
	s0 =	simm.s32 @p2 $0x1  }
0x17: {  	s4 =	simm.s32 $0x1BF5;
	[smem:$0x3FAA] =	sst s0  }
0x18: {  	s0 =	sld [smem:$0x3F8D];
	_ =	swait.ge [sflag:s4], $0x0  }
0x19: {  	s7 =	sld [smem:$0x3F8E]  }
0x1a: {  	s8 =	sadd.s32 $0xFFFFE003, lr  }
0x1b: {  	s9 =	sadd.s32 $0xFFFFFEF7, lr;
	s5 =	simm.s32 $0xFFFFFFFF;
	p2 =	slt.u32 s8, $0xFFFFF086  }
0x1c: {  	p1 =	slt.u32 s9, $0xF7A;
	s5 =	simm.s32 @!p2 $0x0  }
0x1d: {  	s5 =	simm.s32 @p1 $0x1;
	p0 =	seq.s32 s7, s2  }
0x1e: {  	s7 =	smul.u32 @!p0 $0xF7A, s2;
	p2 =	seq.s32 @!p0 s5, $0x0  }
0x1f: {  	s9 =	smul.u32 $0xF7A, s1;
	s8 =	simm.s32 @!p0 $0x1BF5;
	p2 =	por !p2, p0  }
0x20: {  	[sflag:s8] =	ssyncset.s32 @!p0 $0xFFFFF086;
	s6 =	sadd.s32 @!p0 s3, s7;
	s7 =	simm.s32 @!p0 $0x108  }
0x21: {  	s3 =	sadd.s32 s3, s9;
	s6 =	sadd.s32 @!p0 $0x88, s6;
	s7 =	simm.s32 @p2 $0x1082  }
0x22: {  	[simem:s7], [sflag:s8] =	dma.local @!p0 [hbm:s6], $0xF7A  }
0x23: {  	s9 =	sor.u32 $0xD0000000, s2;
	s6 =	simm.s32 $0x108;
	_ =	swait.ge @!p0 [sflag:s8], $0x0  }
0x24: {  	s3 =	sadd.s32 $0x88, s3;
	s6 =	simm.s32 @!p1 $0x1082;
	[sflag:s4] =	ssyncset.s32 $0xFFFFF086  }
0x25: {  	[simem:s6], [sflag:s4] =	dma.local [hbm:s3], $0xF7A  }
0x26: {  	[smem:$0x3F8E] =	sst s1;
	(tag) =	ssettag s2;
	_ =	strace s9  }
0x27: {  	s1 =	sld [smem:$0x3F9E]  }
0x28: {  	s2 =	sld [smem:$0x3F9F]  }
0x29: {  	s4 =	sld [smem:$0x3FA1]  }
0x2a: {  	p0 =	seq.s32 s5, $0x0;
	s5 =	sld [smem:$0x3FA2]  }
0x2b: {  	s6 =	sld [smem:$0x3FA3]  }
0x2c: {  	s7 =	sld [smem:$0x3FA4]  }
0x2d: {  	s3 =	simm.s32 $0x108;
	s8 =	sld [smem:$0x3FA5]  }
0x2e: {  	s3 =	simm.s32 @!p0 $0x1082;
	s9 =	sld [smem:$0x3FA6]  }
0x2f: {  	lr =	sadd.s32 s0, s3;
	s0 =	sld [smem:$0x3F9D]  }
0x30: {  	s3 =	sld [smem:$0x3FA0]  }
0x31: {  	[smem:$0x3FA9] =	sst s10  }
0x32: {  	s10 =	sld [smem:$0x3FA7];
	_ =	sdelay $0x3  }
0x33: {  	p0 =	seq.s32 s10, $0x1;
	s10 =	sld [smem:$0x3FA9];
	_ =	sdelay $0x3  }
0x34: {  	[smem:$0x3FA9] =	sst s10  }
0x35: {  	s10 =	sld [smem:$0x3FA8];
	_ =	sdelay $0x3  }
0x36: {  	p1 =	seq.s32 s10, $0x1;
	s10 =	sld [smem:$0x3FA9];
	_ =	sdelay $0x3  }
0x37: {  	[smem:$0x3FA9] =	sst s10  }
0x38: {  	s10 =	sld [smem:$0x3FAA]  }
0x39: {  	_ = 	snop;
	(pc) =	sbr.ind lr, $3  }
0x3a: {  	_ = 	snop  }
0x3b: {  	_ = 	snop  }
0x3c: {  	p2 =	seq.s32 s10, $0x1;
	s10 =	sld [smem:$0x3FA9]  }
0x3d: {  	_ =	shalt  }
0x3e: {  	_ =	shalt  }
0x3f: {  	_ =	shalt  }
0x40: {  	_ =	shalt  }
0x41: {  	_ =	shalt  }
0x42: {  	_ =	shalt  }
0x43: {  	_ =	shalt  }
0x44: {  	_ =	shalt  }
0x45: {  	_ =	shalt  }
0x46: {  	_ =	shalt  }
0x47: {  	_ =	shalt  }
0x48: {  	_ =	shalt  }
0x49: {  	_ =	shalt  }
0x4a: {  	_ =	shalt  }
0x4b: {  	_ =	shalt  }
0x4c: {  	_ =	shalt  }
0x4d: {  	_ =	shalt  }
0x4e: {  	_ =	shalt  }
0x4f: {  	_ =	shalt  }
0x50: {  	_ =	shalt  }
0x51: {  	_ =	shalt  }
0x52: {  	_ =	shalt  }
0x53: {  	_ =	shalt  }
0x54: {  	_ =	shalt  }
0x55: {  	_ =	shalt  }
0x56: {  	_ =	shalt  }
0x57: {  	_ =	shalt  }
0x58: {  	_ =	shalt  }
0x59: {  	_ =	shalt  }
0x5a: {  	_ =	shalt  }
0x5b: {  	_ =	shalt  }
0x5c: {  	_ =	shalt  }
0x5d: {  	_ =	shalt  }
0x5e: {  	_ =	shalt  }
0x5f: {  	_ =	shalt  }
0x60: {  	_ =	shalt  }
0x61: {  	_ =	shalt  }
0x62: {  	_ =	shalt  }
0x63: {  	_ =	shalt  }
0x64: {  	_ =	shalt  }
0x65: {  	_ =	shalt  }
0x66: {  	_ =	shalt  }
0x67: {  	_ =	shalt  }
0x68: {  	_ =	shalt  }
0x69: {  	_ =	shalt  }
0x6a: {  	_ =	shalt  }
0x6b: {  	_ =	shalt  }
0x6c: {  	_ =	shalt  }
0x6d: {  	_ =	shalt  }
0x6e: {  	_ =	shalt  }
0x6f: {  	_ =	shalt  }
0x70: {  	_ =	shalt  }
0x71: {  	_ =	shalt  }
0x72: {  	_ =	shalt  }
0x73: {  	_ =	shalt  }
0x74: {  	_ =	shalt  }
0x75: {  	_ =	shalt  }
0x76: {  	_ =	shalt  }
0x77: {  	_ =	shalt  }
0x78: {  	_ =	shalt  }
0x79: {  	_ =	shalt  }
0x7a: {  	_ =	shalt  }
0x7b: {  	_ =	shalt  }
0x7c: {  	_ =	shalt  }
0x7d: {  	_ =	shalt  }
0x7e: {  	_ =	shalt  }
0x7f: {  	_ =	shalt  }
0x80: {  	_ =	shalt  }
0x81: {  	_ =	shalt  }
0x82: {  	_ =	shalt  }
0x83: {  	_ =	shalt  }
0x84: {  	_ =	shalt  }
0x85: {  	_ =	shalt  }
0x86: {  	_ =	shalt  }
0x87: {  	_ =	shalt  }
.Lfunc_end0:
.L_simem_size_0:
called_computation.2_lowered:
.L_overlay_start_0:
0x88: {  	s2 =	sld [smem:$0x3FD9]  }
0x89: {  	s3 =	sld [smem:$0x3FFE];
	_ =	sdelay $0x1  }
0x8a: {  	s1 =	srdreg.scid  }
0x8b: {  	s0 =	sand.u32 $0x1, s1  }
0x8c: {  	s16 =	sshll.u32 s0, $0xA;
	s2 =	sadd.s32 s3, s2  }
0x8d: {  	s2 =	sadd.s32 s2, s16  }
0x8e: {  	[smem:$0x3FB5] =	sst s2  }
0x8f: {  	_ = 	snop  }
0x90: {  	(tm) =	ssettm $0x1  }
0x91: {  	s17 =	sld [smem:$0x3FFB];
	_ =	sdelay $0x3  }
0x92: {  	_ =	strace s17  }
0x93: {  	s2 =	sld [smem:$0x3FFC];
	_ =	sdelay $0x3  }
0x94: {  	_ =	strace s2  }
0x95: {  	s2 =	sld [smem:$0x3FFD];
	_ =	sdelay $0x3  }
0x96: {  	_ =	strace s2  }
0x97: {  	_ =	strace $0x8FFFFFFF  }
0x98: {  	s18 =	sld [smem:$0x3FDB];
	_ =	sdelay $0x1  }
0x99: {  	s19 =	simm.s32 $_scs_section_size  }
0x9a: {  	s4 =	simm.s32 $_size__tile_overlayer_lowered;
	s5 =	simm.s32 $_tile_overlayer_lowered  }
0x9b: {  	s22 =	simm.s32 $0x1BFF;
	s21 =	sshll.u32 s5, $0x1;
	s2 =	sadd.s32 s19, s18  }
0x9c: {  	s6 =	simm.s32 $0x0;
	s20 =	sshll.u32 s4, $0x1;
	s4 =	sadd.s32 s21, s2  }
0x9d: {  	[timem:s6], [sflag:s22] =	dma.local [hbm:s4], s20  }
0x9e: {  	_ =	swait.ge [sflag:s22], s20  }
0x9f: {  	s3 =	ssub.s32 $0x0, s20;
	[sflag:s22] =	ssyncset.done $0x0  }
0xa0: {  	[sflag:s22] =	ssyncadd.s32 s3;
	_ =	sdelay $0x1  }
0xa1: {  	s23 =	simm.s32 $0x1B8B  }
0xa2: {  	_ =	swait.ge [sflag:s23], $0x1  }
0xa3: {  	[sflag:s23] =	ssyncset.done $0x0  }
0xa4: {  	s25 =	simm.s32 $0x1B8E;
	s24 =	sld [smem:$0x3FFE];
	[sflag:s23] =	ssyncadd.s32 $0xFFFFFFFF  }
0xa5: {  	s26 =	simm.s32 $execute0_lowered;
	[smem:$0x3FD2] =	sst s25  }
0xa6: {  	s4 =	sshll.u32 s26, $0x1;
	_ =	strace $0x8000004C;
	[dreg:$0x1] =	wrdreg $0xFFFFFFFF  }
0xa7: {  	s28 =	simm.s32 $_size_execute0_lowered;
	s2 =	sadd.s32 s2, s4;
	[dreg:$0x0] =	wrdreg $0x0  }
0xa8: {  	s4 =	sshll.u32 s28, $0x1;
	[dreg:$0x2] =	wrdreg s2  }
0xa9: {  	[dreg:$0x3] =	wrdreg s4  }
0xaa: {  	[dreg:$0x4] =	wrdreg $0xC0  }
0xab: {  	_ =	task [dreg:s6], $0x5FFFF  }
0xac: {  	[dreg:$0x1] =	wrdreg $0xFFFFFFFF  }
0xad: {  	[dreg:$0x0] =	wrdreg $0x60  }
0xae: {  	[dreg:$0x2] =	wrdreg s24  }
0xaf: {  	[dreg:$0x3] =	wrdreg $0x9  }
0xb0: {  	_ =	task.clear_ibuf [dreg:s6], $0x4FFFF;
	_ =	strace $0x9000004C  }
0xb1: {  	s29 =	simm.s32 $0x9;
	_ =	strace $0x8000004E  }
0xb2: {  	_ =	swait.ge [sflag:s29], $0x1  }
0xb3: {  	[sflag:s29] =	ssyncadd.s32 $0xFFFFFFFF  }
0xb4: {  	_ =	strace $0x9000004E  }
0xb5: {  	_ =	sfence  }
0xb6: {  	s30 =	sld [smem:$0x0];
	_ =	sdelay $0x2  }
0xb7: {  	s31 =	sshll.u32 s1, $0xD;
	s1 =	sshrl.u32 s1, $0x2  }
0xb8: {  	s3 =	sand.u32 $0x4000, s31;
	s1 =	sadd.s32 s1, s30  }
0xb9: {  	s0 =	sor.u32 s3, s0;
	s1 =	sshll.u32 s1, $0x11  }
0xba: {  	s0 =	sor.u32 s1, s0  }
0xbb: {  	s0 =	sadd.s32 $0x8F2B, s0  }
0xbc: {  	[sflag:s0] =	ssyncadd.remote.s32 $0x1  }
0xbd: {  	_ =	sfence.sel $0xFFFF  }
0xbe: {  	[dreg:$0x0] =	wrdreg $0xFFFFFFFF;
	(pc) =	sbr.abs _section_cstart, $3  }
0xbf: {  	[dreg:$0x1] =	wrdreg $0xFFFFFFFF  }
0xc0: {  	_ =	task.clear_ibuf [dreg:s6], $0x2FFFF;
	_ =	strace $0x9FFFFFFF  }
0xc1: {  	(tm) =	ssettm $0x7FFFFFFF  }
tec
execute0_lowered:
.L_overlay_start_1:
0x0: {  	(tag) =	ssettag $0x1  }
0x1: {  	s0 =	srdreg.scid;
	s5 =	rddreg [dreg:$0x0]  }
0x2: {  	s2 =	simm.s32 $0x0;
	s8 =	simm.s32 $0x7D;
	s4 =	sand.u32 $0x1, s0  }
0x3: {  	s9 =	simm.s32 $0x1;
	s0 =	stileid.u32;
	s1 =	sshll.u32 s4, $0x4  }
0x4: {  	s10 =	simm.s32 $0x1400;
	s11 =	simm.s32 $0x0;
	s3 =	sor.u32 s0, s1  }
0x5: {  	[smem:$0x7FF] =	sst s2;
	s4 =	ssub.s32 $0x2, s4;
	s6 =	smul.u32 $0x280, s3  }
0x6: {  	s1 =	rddreg [dreg:$0x1];
	_ =	strace $0x8000004D;
	s7 =	smul.u32 $0x2710, s3  }
0x7: {  	s31 =	sshrl.u32 s4, $0x1;
	s3 =	sadd.s32 $0x5600, s5;
	s6 =	sadd.s32 s6, s5  }
0x8: {  	s5 =	sadd.s32 s7, s5;
	s7 =	ssub.s32 s4, s31;
	s4 =	sadd.s32 $0xA600, s6  }
0x9: {  	s5 =	sadd.s32 $0xF600, s5;
	s6 =	smax.u32 s7, $0x1;
	s7 =	simm.s32 $0x2  }
.LBB2_1:
0xa: {  	[tilespmem:s2], [sflag:$0x2] =	stream.linear.gather [hbm4b:s4+s2], $0x1400, $0x38;
	[tilespmem:$0x14C80] =	vst v63  }
0xb: {  	_ =	swait.ge [sflag:s7], $0x1400  }
0xc: {  	s12 =	simm.s32 $0x200;
	s15 =	simm.s32 $0x0;
	[sflag:s7] =	ssyncset.done $0x0  }
0xd: {  	s13 =	simm.s32 $0x1BD0;
	s14 =	simm.s32 $0x1400;
	[sflag:s7] =	ssyncadd.s32 $0xFFFFEC00  }
.LBB2_2:
0xe: {  	[tilespmem:s14], [sflag:$0x1] =	stream.indirect.gather [hbm4b:s3+s8], $0x10, s15, s8, $0xb8;
	[tilespmem:$0x14C80] =	vst v63  }
0xf: {  	s15 =	smov.u32 s12;
	s14 =	smov.u32 s13;
	p0 =	sne.s32 s12, $0x4E00  }
.Ltmp0:
0x10: {  	s12 =	sadd.s32 $0x200, s12;
	(pc) =	sbr.rel @p0 .LBB2_2-.Ltmp0, $2  }
0x11: {  	_ =	sdelay $0x2  }
0x12: {  	s13 =	sadd.s32 $0x7D0, s13;
	s15 =	sshra.s32 s15, $0x2  }
0x13: {  	[tilespmem:s14], [sflag:$0x1] =	stream.indirect.gather [hbm4b:s3+s8], $0x10, s15, s8, $0xb8;
	[tilespmem:$0x14C80] =	vst v63  }
0x14: {  	s11 =	sadd.s32 $0x1, s11;
	_ =	swait.ge [sflag:s9], $0x13880  }
0x15: {  	p0 =	sne.s32 s11, s6;
	[sflag:s9] =	ssyncset.done $0x0  }
.Ltmp1:
0x16: {  	[sflag:s9] =	ssyncadd.s32 $0xFFFEC780;
	(pc) =	sbr.rel @p0 .LBB2_1-.Ltmp1, $4  }
0x17: {  	[hbm4b:s5+s2] =	stream.linear.scatter [tilespmem:s10], [sflag:$0x2], $0x13880, $0x38;
	[tilespmem:$0x14C80] =	vst v63  }
0x18: {  	_ =	swait.ge [sflag:s7], $0x13880  }
0x19: {  	[sflag:s7] =	ssyncset.done $0x0  }
0x1a: {  	[sflag:s7] =	ssyncadd.s32 $0xFFFEC780  }
0x1b: {  	_ =	sfence.sel $0x180000  }
0x1c: {  	[bflag:$0x0] =	sbarrier.arrive $0xFFFF  }
0x1d: {  	p0 =	sne.s32 s0, $0x0;
	_ =	strace $0x9000004D  }
0x1e: {  	s0 =	sadd.s32 @!p0 $0x100000, s1;
	[bflag:$0x2] =	sbarrier.arrive $0xFFFF  }
0x1f: {  	[sflag:s0] =	ssyncadd.tile.s32 @!p0 $0x1;
	_ =	shalt  }
.Lfunc_end2:
_tile_overlayer_lowered:
.L_overlay_start_2:
0x20: {  	(tag) =	ssettag $0x2  }
0x21: {  	s0 =	rddreg [dreg:$0x0];
	s2 =	stileid.u32  }
0x22: {  	s1 =	rddreg [dreg:$0x1];
	p0 =	sne.s32 s2, $0x0  }
0x23: {  	s3 =	rddreg [dreg:$0x2];
	[bflag:$0x3] =	sbarrier.arrive $0xFFFF;
	s2 =	simm.s32 @!p0 $0x1C02  }
0x24: {  	[timem:s3], [sflag:s2] =	dma.local @!p0 [hbm:s0], s1  }
0x25: {  	s0 =	simm.s32 @!p0 $0x2  }
0x26: {  	_ =	swait.ge @!p0 [sflag:s0], s1  }
0x27: {  	s1 =	ssub.s32 @!p0 $0x0, s1;
	[sflag:s0] =	ssyncset.done @!p0 $0x0  }
0x28: {  	[sflag:s0] =	ssyncadd.s32 @!p0 s1  }
0x29: {  	[bflag:$0x3] =	sbarrier.arrive $0xFFFF  }
0x2a: {  	_ =	shalt  }

// kernel: kernel.24.cloned.1.call-start
scs
__scs_entry_jumppad:
0x0: {  	(pc) =	sbr.rel $0x88, $3  }
0x1: {  	(tag) =	ssettag $0x0;
	lr =	simm.s32 $0x1  }
0x2: {  	[smem:$0x3F8E] =	sst lr;
	_ =	strace $0xD0000000  }
0x3: {  	_ = 	snop  }
0x4: {  	_ = 	snop  }
0x5: {  	_ = 	snop  }
0x6: {  	_ = 	snop  }
0x7: {  	_ = 	snop  }
__scs_overlays_trampoline_lowered:
0x8: {  	[smem:$0x3F9D] =	sst s0  }
0x9: {  	[smem:$0x3F9E] =	sst s1  }
0xa: {  	[smem:$0x3F9F] =	sst s2  }
0xb: {  	[smem:$0x3FA0] =	sst s3  }
0xc: {  	[smem:$0x3FA1] =	sst s4  }
0xd: {  	[smem:$0x3FA2] =	sst s5  }
0xe: {  	[smem:$0x3FA3] =	sst s6  }
0xf: {  	[smem:$0x3FA4] =	sst s7  }
0x10: {  	[smem:$0x3FA5] =	sst s8  }
0x11: {  	[smem:$0x3FA6] =	sst s9;
	s0 =	simm.s32 @!p0 $0x0  }
0x12: {  	s1 =	sld [smem:$0x3F8C];
	s0 =	simm.s32 @p0 $0x1  }
0x13: {  	[smem:$0x3FA7] =	sst s0;
	s0 =	simm.s32 @!p1 $0x0  }
0x14: {  	s2 =	sld [smem:$0x3F8B];
	s0 =	simm.s32 @p1 $0x1  }
0x15: {  	[smem:$0x3FA8] =	sst s0;
	s0 =	simm.s32 @!p2 $0x0  }
0x16: {  	s3 =	sld [smem:$0x3FDB];
	s0 =	simm.s32 @p2 $0x1  }
0x17: {  	s4 =	simm.s32 $0x1BF5;
	[smem:$0x3FAA] =	sst s0  }
0x18: {  	s0 =	sld [smem:$0x3F8D];
	_ =	swait.ge [sflag:s4], $0x0  }
0x19: {  	s7 =	sld [smem:$0x3F8E]  }
0x1a: {  	s8 =	sadd.s32 $0xFFFFE003, lr  }
0x1b: {  	s9 =	sadd.s32 $0xFFFFFEF7, lr;
	s5 =	simm.s32 $0xFFFFFFFF;
	p2 =	slt.u32 s8, $0xFFFFF086  }
0x1c: {  	p1 =	slt.u32 s9, $0xF7A;
	s5 =	simm.s32 @!p2 $0x0  }
0x1d: {  	s5 =	simm.s32 @p1 $0x1;
	p0 =	seq.s32 s7, s2  }
0x1e: {  	s7 =	smul.u32 @!p0 $0xF7A, s2;
	p2 =	seq.s32 @!p0 s5, $0x0  }
0x1f: {  	s9 =	smul.u32 $0xF7A, s1;
	s8 =	simm.s32 @!p0 $0x1BF5;
	p2 =	por !p2, p0  }
0x20: {  	[sflag:s8] =	ssyncset.s32 @!p0 $0xFFFFF086;
	s6 =	sadd.s32 @!p0 s3, s7;
	s7 =	simm.s32 @!p0 $0x108  }
0x21: {  	s3 =	sadd.s32 s3, s9;
	s6 =	sadd.s32 @!p0 $0x88, s6;
	s7 =	simm.s32 @p2 $0x1082  }
0x22: {  	[simem:s7], [sflag:s8] =	dma.local @!p0 [hbm:s6], $0xF7A  }
0x23: {  	s9 =	sor.u32 $0xD0000000, s2;
	s6 =	simm.s32 $0x108;
	_ =	swait.ge @!p0 [sflag:s8], $0x0  }
0x24: {  	s3 =	sadd.s32 $0x88, s3;
	s6 =	simm.s32 @!p1 $0x1082;
	[sflag:s4] =	ssyncset.s32 $0xFFFFF086  }
0x25: {  	[simem:s6], [sflag:s4] =	dma.local [hbm:s3], $0xF7A  }
0x26: {  	[smem:$0x3F8E] =	sst s1;
	(tag) =	ssettag s2;
	_ =	strace s9  }
0x27: {  	s1 =	sld [smem:$0x3F9E]  }
0x28: {  	s2 =	sld [smem:$0x3F9F]  }
0x29: {  	s4 =	sld [smem:$0x3FA1]  }
0x2a: {  	p0 =	seq.s32 s5, $0x0;
	s5 =	sld [smem:$0x3FA2]  }
0x2b: {  	s6 =	sld [smem:$0x3FA3]  }
0x2c: {  	s7 =	sld [smem:$0x3FA4]  }
0x2d: {  	s3 =	simm.s32 $0x108;
	s8 =	sld [smem:$0x3FA5]  }
0x2e: {  	s3 =	simm.s32 @!p0 $0x1082;
	s9 =	sld [smem:$0x3FA6]  }
0x2f: {  	lr =	sadd.s32 s0, s3;
	s0 =	sld [smem:$0x3F9D]  }
0x30: {  	s3 =	sld [smem:$0x3FA0]  }
0x31: {  	[smem:$0x3FA9] =	sst s10  }
0x32: {  	s10 =	sld [smem:$0x3FA7];
	_ =	sdelay $0x3  }
0x33: {  	p0 =	seq.s32 s10, $0x1;
	s10 =	sld [smem:$0x3FA9];
	_ =	sdelay $0x3  }
0x34: {  	[smem:$0x3FA9] =	sst s10  }
0x35: {  	s10 =	sld [smem:$0x3FA8];
	_ =	sdelay $0x3  }
0x36: {  	p1 =	seq.s32 s10, $0x1;
	s10 =	sld [smem:$0x3FA9];
	_ =	sdelay $0x3  }
0x37: {  	[smem:$0x3FA9] =	sst s10  }
0x38: {  	s10 =	sld [smem:$0x3FAA]  }
0x39: {  	_ = 	snop;
	(pc) =	sbr.ind lr, $3  }
0x3a: {  	_ = 	snop  }
0x3b: {  	_ = 	snop  }
0x3c: {  	p2 =	seq.s32 s10, $0x1;
	s10 =	sld [smem:$0x3FA9]  }
0x3d: {  	_ =	shalt  }
0x3e: {  	_ =	shalt  }
0x3f: {  	_ =	shalt  }
0x40: {  	_ =	shalt  }
0x41: {  	_ =	shalt  }
0x42: {  	_ =	shalt  }
0x43: {  	_ =	shalt  }
0x44: {  	_ =	shalt  }
0x45: {  	_ =	shalt  }
0x46: {  	_ =	shalt  }
0x47: {  	_ =	shalt  }
0x48: {  	_ =	shalt  }
0x49: {  	_ =	shalt  }
0x4a: {  	_ =	shalt  }
0x4b: {  	_ =	shalt  }
0x4c: {  	_ =	shalt  }
0x4d: {  	_ =	shalt  }
0x4e: {  	_ =	shalt  }
0x4f: {  	_ =	shalt  }
0x50: {  	_ =	shalt  }
0x51: {  	_ =	shalt  }
0x52: {  	_ =	shalt  }
0x53: {  	_ =	shalt  }
0x54: {  	_ =	shalt  }
0x55: {  	_ =	shalt  }
0x56: {  	_ =	shalt  }
0x57: {  	_ =	shalt  }
0x58: {  	_ =	shalt  }
0x59: {  	_ =	shalt  }
0x5a: {  	_ =	shalt  }
0x5b: {  	_ =	shalt  }
0x5c: {  	_ =	shalt  }
0x5d: {  	_ =	shalt  }
0x5e: {  	_ =	shalt  }
0x5f: {  	_ =	shalt  }
0x60: {  	_ =	shalt  }
0x61: {  	_ =	shalt  }
0x62: {  	_ =	shalt  }
0x63: {  	_ =	shalt  }
0x64: {  	_ =	shalt  }
0x65: {  	_ =	shalt  }
0x66: {  	_ =	shalt  }
0x67: {  	_ =	shalt  }
0x68: {  	_ =	shalt  }
0x69: {  	_ =	shalt  }
0x6a: {  	_ =	shalt  }
0x6b: {  	_ =	shalt  }
0x6c: {  	_ =	shalt  }
0x6d: {  	_ =	shalt  }
0x6e: {  	_ =	shalt  }
0x6f: {  	_ =	shalt  }
0x70: {  	_ =	shalt  }
0x71: {  	_ =	shalt  }
0x72: {  	_ =	shalt  }
0x73: {  	_ =	shalt  }
0x74: {  	_ =	shalt  }
0x75: {  	_ =	shalt  }
0x76: {  	_ =	shalt  }
0x77: {  	_ =	shalt  }
0x78: {  	_ =	shalt  }
0x79: {  	_ =	shalt  }
0x7a: {  	_ =	shalt  }
0x7b: {  	_ =	shalt  }
0x7c: {  	_ =	shalt  }
0x7d: {  	_ =	shalt  }
0x7e: {  	_ =	shalt  }
0x7f: {  	_ =	shalt  }
0x80: {  	_ =	shalt  }
0x81: {  	_ =	shalt  }
0x82: {  	_ =	shalt  }
0x83: {  	_ =	shalt  }
0x84: {  	_ =	shalt  }
0x85: {  	_ =	shalt  }
0x86: {  	_ =	shalt  }
0x87: {  	_ =	shalt  }
.Lfunc_end0:
.L_simem_size_0:
called_computation.3_lowered:
.L_overlay_start_0:
0x88: {  	s2 =	sld [smem:$0x3FD9]  }
0x89: {  	s3 =	sld [smem:$0x3FFE];
	_ =	sdelay $0x1  }
0x8a: {  	s1 =	srdreg.scid  }
0x8b: {  	s0 =	sand.u32 $0x1, s1  }
0x8c: {  	s16 =	sshll.u32 s0, $0xA;
	s2 =	sadd.s32 s3, s2  }
0x8d: {  	s2 =	sadd.s32 s2, s16  }
0x8e: {  	[smem:$0x3FB5] =	sst s2  }
0x8f: {  	_ = 	snop  }
0x90: {  	(tm) =	ssettm $0x1  }
0x91: {  	s17 =	sld [smem:$0x3FFB];
	_ =	sdelay $0x3  }
0x92: {  	_ =	strace s17  }
0x93: {  	s2 =	sld [smem:$0x3FFC];
	_ =	sdelay $0x3  }
0x94: {  	_ =	strace s2  }
0x95: {  	s2 =	sld [smem:$0x3FFD];
	_ =	sdelay $0x3  }
0x96: {  	_ =	strace s2  }
0x97: {  	_ =	strace $0x8FFFFFFF  }
0x98: {  	s18 =	sld [smem:$0x3FDB];
	_ =	sdelay $0x1  }
0x99: {  	s19 =	simm.s32 $_scs_section_size  }
0x9a: {  	s4 =	simm.s32 $_size__tile_overlayer_lowered;
	s5 =	simm.s32 $_tile_overlayer_lowered  }
0x9b: {  	s22 =	simm.s32 $0x1BFF;
	s21 =	sshll.u32 s5, $0x1;
	s2 =	sadd.s32 s19, s18  }
0x9c: {  	s6 =	simm.s32 $0x0;
	s20 =	sshll.u32 s4, $0x1;
	s4 =	sadd.s32 s21, s2  }
0x9d: {  	[timem:s6], [sflag:s22] =	dma.local [hbm:s4], s20  }
0x9e: {  	_ =	swait.ge [sflag:s22], s20  }
0x9f: {  	s3 =	ssub.s32 $0x0, s20;
	[sflag:s22] =	ssyncset.done $0x0  }
0xa0: {  	[sflag:s22] =	ssyncadd.s32 s3;
	_ =	sdelay $0x1  }
0xa1: {  	s23 =	simm.s32 $0x1B8B  }
0xa2: {  	_ =	swait.ge [sflag:s23], $0x1  }
0xa3: {  	[sflag:s23] =	ssyncset.done $0x0  }
0xa4: {  	s25 =	simm.s32 $0x1B8E;
	s24 =	sld [smem:$0x3FFE];
	[sflag:s23] =	ssyncadd.s32 $0xFFFFFFFF  }
0xa5: {  	s26 =	simm.s32 $execute0_lowered;
	[smem:$0x3FD2] =	sst s25  }
0xa6: {  	s4 =	sshll.u32 s26, $0x1;
	_ =	strace $0x8000004F;
	[dreg:$0x1] =	wrdreg $0xFFFFFFFF  }
0xa7: {  	s28 =	simm.s32 $_size_execute0_lowered;
	s2 =	sadd.s32 s2, s4;
	[dreg:$0x0] =	wrdreg $0x0  }
0xa8: {  	s4 =	sshll.u32 s28, $0x1;
	[dreg:$0x2] =	wrdreg s2  }
0xa9: {  	[dreg:$0x3] =	wrdreg s4  }
0xaa: {  	[dreg:$0x4] =	wrdreg $0xC0  }
0xab: {  	_ =	task [dreg:s6], $0x5FFFF  }
0xac: {  	[dreg:$0x1] =	wrdreg $0xFFFFFFFF  }
0xad: {  	[dreg:$0x0] =	wrdreg $0x60  }
0xae: {  	[dreg:$0x2] =	wrdreg s24  }
0xaf: {  	[dreg:$0x3] =	wrdreg $0x14C800  }
0xb0: {  	[dreg:$0x4] =	wrdreg $0x9  }
0xb1: {  	_ =	task.clear_ibuf [dreg:s6], $0x5FFFF;
	_ =	strace $0x9000004F  }
0xb2: {  	s29 =	simm.s32 $0x9;
	_ =	strace $0x80000051  }
0xb3: {  	_ =	swait.ge [sflag:s29], $0x1  }
0xb4: {  	[sflag:s29] =	ssyncadd.s32 $0xFFFFFFFF  }
0xb5: {  	_ =	strace $0x90000051  }
0xb6: {  	_ =	sfence  }
0xb7: {  	s30 =	sld [smem:$0x0];
	_ =	sdelay $0x2  }
0xb8: {  	s31 =	sshll.u32 s1, $0xD;
	s1 =	sshrl.u32 s1, $0x2  }
0xb9: {  	s3 =	sand.u32 $0x4000, s31;
	s1 =	sadd.s32 s1, s30  }
0xba: {  	s0 =	sor.u32 s3, s0;
	s1 =	sshll.u32 s1, $0x11  }
0xbb: {  	s0 =	sor.u32 s1, s0  }
0xbc: {  	s0 =	sadd.s32 $0x8F2B, s0  }
0xbd: {  	[sflag:s0] =	ssyncadd.remote.s32 $0x1  }
0xbe: {  	_ =	sfence.sel $0xFFFF  }
0xbf: {  	[dreg:$0x0] =	wrdreg $0xFFFFFFFF;
	(pc) =	sbr.abs _section_cstart, $3  }
0xc0: {  	[dreg:$0x1] =	wrdreg $0xFFFFFFFF  }
0xc1: {  	_ =	task.clear_ibuf [dreg:s6], $0x2FFFF;
	_ =	strace $0x9FFFFFFF  }
0xc2: {  	(tm) =	ssettm $0x7FFFFFFF  }
0xc3: {  	_ =	shalt  }
tec
execute0_lowered:
.L_overlay_start_1:
0x0: {  	(tag) =	ssettag $0x1  }
0x1: {  	s0 =	srdreg.scid  }
0x2: {  	s13 =	stileid.u32;
	s4 =	rddreg [dreg:$0x0]  }
0x3: {  	s1 =	rddreg [dreg:$0x1];
	s2 =	simm.s32 $0x0;
	s11 =	simm.s32 $0x7D  }
0x4: {  	s12 =	simm.s32 $0x1;
	s15 =	simm.s32 $0x0;
	s3 =	sand.u32 $0x1, s0  }
0x5: {  	[smem:$0x7FF] =	sst s2;
	s8 =	smul.u32 $0x2800, s13;
	p0 =	sne.s32 s13, $0x0  }
0x6: {  	s0 =	sshll.u32 s3, $0x4;
	s7 =	smul.u32 $0x28000, s3;
	s9 =	ssub.s32 $0x2, s3  }
0x7: {  	s3 =	sadd.s32 $0x62800, s4;
	s5 =	sor.u32 s13, s0;
	s0 =	rddreg [dreg:$0x2]  }
0x8: {  	_ =	strace $0x80000050;
	s10 =	sshrl.u32 s9, $0x1;
	s6 =	smul.u32 $0x2710, s5  }
0x9: {  	s14 =	sadd.s32 s8, s1;
	s13 =	sshll.u32 s13, $0x6;
	s5 =	smul.u32 $0x280, s5  }
0xa: {  	s7 =	sadd.s32 s8, s7;
	s9 =	ssub.s32 s9, s10;
	s8 =	simm.s32 $0x2  }
0xb: {  	s10 =	sshrl.u32 @!p0 s1, $0x3;
	s13 =	sor.u32 $0x1C02, s13;
	s14 =	sshrl.u32 s14, $0x3  }
0xc: {  	s7 =	sshrl.u32 s7, $0x3;
	s6 =	sadd.s32 s6, s4;
	s5 =	sadd.s32 s5, s4  }
0xd: {  	s7 =	sadd.s32 s7, s4;
	s4 =	sadd.s32 $0x5D800, s5;
	s5 =	sadd.s32 $0xF600, s6  }
0xe: {  	s6 =	sadd.s32 $0x67800, s7;
	s7 =	smax.u32 s9, $0x1;
	s9 =	simm.s32 $0x1400  }
.LBB2_1:
0xf: {  	[tilespmem:s2], [sflag:$0x2] =	stream.linear.gather [hbm4b:s4+s2], $0x1400, $0x38;
	[tilespmem:$0x17480] =	vst v63  }
0x10: {  	_ =	swait.ge [sflag:s8], $0x1400  }
0x11: {  	[sflag:s8] =	ssyncset.done $0x0  }
0x12: {  	[sflag:s8] =	ssyncadd.s32 $0xFFFFEC00  }
0x13: {  	[tilespmem:s9], [sflag:$0x2] =	stream.linear.gather [hbm4b:s5+s2], $0x13880, $0x38;
	[tilespmem:$0x17480] =	vst v63  }
0x14: {  	_ =	swait.ge [sflag:s8], $0x13880  }
0x15: {  	[sflag:s8] =	ssyncset.done $0x0  }
0x16: {  	s16 =	simm.s32 @!p0 $0x1C02;
	[sflag:s8] =	ssyncadd.s32 $0xFFFEC780  }
0x17: {  	[spmem:s10], [sflag:s16] =	dma.local @!p0 [hbm:s3], $0x5000  }
0x18: {  	s16 =	simm.s32 @!p0 $0x2  }
0x19: {  	_ =	swait.ge @!p0 [sflag:s16], $0x5000  }
0x1a: {  	[sflag:s16] =	ssyncset.done @!p0 $0x0  }
0x1b: {  	s19 =	simm.s32 $0x0;
	s17 =	simm.s32 $0x1BD0;
	[sflag:s16] =	ssyncadd.s32 @!p0 $0xFFFFB000  }
0x1c: {  	s18 =	simm.s32 $0x1400;
	s16 =	simm.s32 $0x200;
	[bflag:$0x0] =	sbarrier.arrive $0xFFFF  }
.LBB2_2:
0x1d: {  	[spmem:s1] =	stream.indirect.scatter.add.f32 [tilespmem:s18], [sflag:$0x1], $0x10, s19, s11, $0xb8;
	[tilespmem:$0x17480] =	vst v63  }
0x1e: {  	s19 =	smov.u32 s16;
	s18 =	smov.u32 s17;
	p1 =	sne.s32 s16, $0x4E00  }
.Ltmp0:
0x1f: {  	s16 =	sadd.s32 $0x200, s16;
	(pc) =	sbr.rel @p1 .LBB2_2-.Ltmp0, $2  }
0x20: {  	_ =	sdelay $0x2  }
0x21: {  	s17 =	sadd.s32 $0x7D0, s17;
	s19 =	sshra.s32 s19, $0x2  }
0x22: {  	[spmem:s1] =	stream.indirect.scatter.add.f32 [tilespmem:s18], [sflag:$0x1], $0x10, s19, s11, $0xb8;
	[tilespmem:$0x17480] =	vst v63  }
0x23: {  	_ =	swait.ge [sflag:s12], $0x13880  }
0x24: {  	s15 =	sadd.s32 $0x1, s15;
	[sflag:s12] =	ssyncset.done $0x0  }
0x25: {  	p1 =	sne.s32 s15, s7;
	[sflag:s12] =	ssyncadd.s32 $0xFFFEC780  }
.Ltmp1:
0x26: {  	[bflag:$0x0] =	sbarrier.arrive $0xFFFF;
	(pc) =	sbr.rel @p1 .LBB2_1-.Ltmp1, $4  }
0x27: {  	[hbm:s6], [sflag:s13] =	dma.local [spmem:s14], $0x500  }
0x28: {  	_ =	swait.ge [sflag:s8], $0x500  }
0x29: {  	[sflag:s8] =	ssyncset.done $0x0  }
0x2a: {  	[sflag:s8] =	ssyncadd.s32 $0xFFFFFB00  }
0x2b: {  	_ =	sfence.sel $0x180000  }
0x2c: {  	[bflag:$0x0] =	sbarrier.arrive $0xFFFF  }
0x2d: {  	_ =	strace $0x90000050  }
0x2e: {  	s0 =	sadd.s32 @!p0 $0x100000, s0;
	[bflag:$0x2] =	sbarrier.arrive $0xFFFF  }
0x2f: {  	[sflag:s0] =	ssyncadd.tile.s32 @!p0 $0x1;
	_ =	shalt  }
.Lfunc_end2:
_tile_overlayer_lowered:
.L_overlay_start_2:
0x30: {  	(tag) =	ssettag $0x2  }
0x31: {  	s0 =	rddreg [dreg:$0x0];
	s2 =	stileid.u32  }
0x32: {  	s1 =	rddreg [dreg:$0x1];
	p0 =	sne.s32 s2, $0x0  }
0x33: {  	s3 =	rddreg [dreg:$0x2];
	[bflag:$0x3] =	sbarrier.arrive $0xFFFF;
	s2 =	simm.s32 @!p0 $0x1C02  }
0x34: {  	[timem:s3], [sflag:s2] =	dma.local @!p0 [hbm:s0], s1  }
0x35: {  	s0 =	simm.s32 @!p0 $0x2  }
0x36: {  	_ =	swait.ge @!p0 [sflag:s0], s1  }
0x37: {  	s1 =	ssub.s32 @!p0 $0x0, s1;
	[sflag:s0] =	ssyncset.done @!p0 $0x0  }
0x38: {  	[sflag:s0] =	ssyncadd.s32 @!p0 s1  }
0x39: {  	[bflag:$0x3] =	sbarrier.arrive $0xFFFF  }
0x3a: {  	_ =	shalt  }

// kernel: kernel.27.cloned.1.call-start
scs
__scs_entry_jumppad:
0x0: {  	(pc) =	sbr.rel $0x88, $3  }
0x1: {  	(tag) =	ssettag $0x0;
	lr =	simm.s32 $0x1  }
0x2: {  	[smem:$0x3F8E] =	sst lr;
	_ =	strace $0xD0000000  }
0x3: {  	_ = 	snop  }
0x4: {  	_ = 	snop  }
0x5: {  	_ = 	snop  }
0x6: {  	_ = 	snop  }
0x7: {  	_ = 	snop  }
__scs_overlays_trampoline_lowered:
0x8: {  	[smem:$0x3F9D] =	sst s0  }
0x9: {  	[smem:$0x3F9E] =	sst s1  }
0xa: {  	[smem:$0x3F9F] =	sst s2  }
0xb: {  	[smem:$0x3FA0] =	sst s3  }
0xc: {  	[smem:$0x3FA1] =	sst s4  }
0xd: {  	[smem:$0x3FA2] =	sst s5  }
0xe: {  	[smem:$0x3FA3] =	sst s6  }
0xf: {  	[smem:$0x3FA4] =	sst s7  }
0x10: {  	[smem:$0x3FA5] =	sst s8  }
0x11: {  	[smem:$0x3FA6] =	sst s9;
	s0 =	simm.s32 @!p0 $0x0  }
0x12: {  	s1 =	sld [smem:$0x3F8C];
	s0 =	simm.s32 @p0 $0x1  }
0x13: {  	[smem:$0x3FA7] =	sst s0;
	s0 =	simm.s32 @!p1 $0x0  }
0x14: {  	s2 =	sld [smem:$0x3F8B];
	s0 =	simm.s32 @p1 $0x1  }
0x15: {  	[smem:$0x3FA8] =	sst s0;
	s0 =	simm.s32 @!p2 $0x0  }
0x16: {  	s3 =	sld [smem:$0x3FDB];
	s0 =	simm.s32 @p2 $0x1  }
0x17: {  	s4 =	simm.s32 $0x1BF5;
	[smem:$0x3FAA] =	sst s0  }
0x18: {  	s0 =	sld [smem:$0x3F8D];
	_ =	swait.ge [sflag:s4], $0x0  }
0x19: {  	s7 =	sld [smem:$0x3F8E]  }
0x1a: {  	s8 =	sadd.s32 $0xFFFFE003, lr  }
0x1b: {  	s9 =	sadd.s32 $0xFFFFFEF7, lr;
	s5 =	simm.s32 $0xFFFFFFFF;
	p2 =	slt.u32 s8, $0xFFFFF086  }
0x1c: {  	p1 =	slt.u32 s9, $0xF7A;
	s5 =	simm.s32 @!p2 $0x0  }
0x1d: {  	s5 =	simm.s32 @p1 $0x1;
	p0 =	seq.s32 s7, s2  }
0x1e: {  	s7 =	smul.u32 @!p0 $0xF7A, s2;
	p2 =	seq.s32 @!p0 s5, $0x0  }
0x1f: {  	s9 =	smul.u32 $0xF7A, s1;
	s8 =	simm.s32 @!p0 $0x1BF5;
	p2 =	por !p2, p0  }
0x20: {  	[sflag:s8] =	ssyncset.s32 @!p0 $0xFFFFF086;
	s6 =	sadd.s32 @!p0 s3, s7;
	s7 =	simm.s32 @!p0 $0x108  }
0x21: {  	s3 =	sadd.s32 s3, s9;
	s6 =	sadd.s32 @!p0 $0x88, s6;
	s7 =	simm.s32 @p2 $0x1082  }
0x22: {  	[simem:s7], [sflag:s8] =	dma.local @!p0 [hbm:s6], $0xF7A  }
0x23: {  	s9 =	sor.u32 $0xD0000000, s2;
	s6 =	simm.s32 $0x108;
	_ =	swait.ge @!p0 [sflag:s8], $0x0  }
0x24: {  	s3 =	sadd.s32 $0x88, s3;
	s6 =	simm.s32 @!p1 $0x1082;
	[sflag:s4] =	ssyncset.s32 $0xFFFFF086  }
0x25: {  	[simem:s6], [sflag:s4] =	dma.local [hbm:s3], $0xF7A  }
0x26: {  	[smem:$0x3F8E] =	sst s1;
	(tag) =	ssettag s2;
	_ =	strace s9  }
0x27: {  	s1 =	sld [smem:$0x3F9E]  }
0x28: {  	s2 =	sld [smem:$0x3F9F]  }
0x29: {  	s4 =	sld [smem:$0x3FA1]  }
0x2a: {  	p0 =	seq.s32 s5, $0x0;
	s5 =	sld [smem:$0x3FA2]  }
0x2b: {  	s6 =	sld [smem:$0x3FA3]  }
0x2c: {  	s7 =	sld [smem:$0x3FA4]  }
0x2d: {  	s3 =	simm.s32 $0x108;
	s8 =	sld [smem:$0x3FA5]  }
0x2e: {  	s3 =	simm.s32 @!p0 $0x1082;
	s9 =	sld [smem:$0x3FA6]  }
0x2f: {  	lr =	sadd.s32 s0, s3;
	s0 =	sld [smem:$0x3F9D]  }
0x30: {  	s3 =	sld [smem:$0x3FA0]  }
0x31: {  	[smem:$0x3FA9] =	sst s10  }
0x32: {  	s10 =	sld [smem:$0x3FA7];
	_ =	sdelay $0x3  }
0x33: {  	p0 =	seq.s32 s10, $0x1;
	s10 =	sld [smem:$0x3FA9];
	_ =	sdelay $0x3  }
0x34: {  	[smem:$0x3FA9] =	sst s10  }
0x35: {  	s10 =	sld [smem:$0x3FA8];
	_ =	sdelay $0x3  }
0x36: {  	p1 =	seq.s32 s10, $0x1;
	s10 =	sld [smem:$0x3FA9];
	_ =	sdelay $0x3  }
0x37: {  	[smem:$0x3FA9] =	sst s10  }
0x38: {  	s10 =	sld [smem:$0x3FAA]  }
0x39: {  	_ = 	snop;
	(pc) =	sbr.ind lr, $3  }
0x3a: {  	_ = 	snop  }
0x3b: {  	_ = 	snop  }
0x3c: {  	p2 =	seq.s32 s10, $0x1;
	s10 =	sld [smem:$0x3FA9]  }
0x3d: {  	_ =	shalt  }
0x3e: {  	_ =	shalt  }
0x3f: {  	_ =	shalt  }
0x40: {  	_ =	shalt  }
0x41: {  	_ =	shalt  }
0x42: {  	_ =	shalt  }
0x43: {  	_ =	shalt  }
0x44: {  	_ =	shalt  }
0x45: {  	_ =	shalt  }
0x46: {  	_ =	shalt  }
0x47: {  	_ =	shalt  }
0x48: {  	_ =	shalt  }
0x49: {  	_ =	shalt  }
0x4a: {  	_ =	shalt  }
0x4b: {  	_ =	shalt  }
0x4c: {  	_ =	shalt  }
0x4d: {  	_ =	shalt  }
0x4e: {  	_ =	shalt  }
0x4f: {  	_ =	shalt  }
0x50: {  	_ =	shalt  }
0x51: {  	_ =	shalt  }
0x52: {  	_ =	shalt  }
0x53: {  	_ =	shalt  }
0x54: {  	_ =	shalt  }
0x55: {  	_ =	shalt  }
0x56: {  	_ =	shalt  }
0x57: {  	_ =	shalt  }
0x58: {  	_ =	shalt  }
0x59: {  	_ =	shalt  }
0x5a: {  	_ =	shalt  }
0x5b: {  	_ =	shalt  }
0x5c: {  	_ =	shalt  }
0x5d: {  	_ =	shalt  }
0x5e: {  	_ =	shalt  }
0x5f: {  	_ =	shalt  }
0x60: {  	_ =	shalt  }
0x61: {  	_ =	shalt  }
0x62: {  	_ =	shalt  }
0x63: {  	_ =	shalt  }
0x64: {  	_ =	shalt  }
0x65: {  	_ =	shalt  }
0x66: {  	_ =	shalt  }
0x67: {  	_ =	shalt  }
0x68: {  	_ =	shalt  }
0x69: {  	_ =	shalt  }
0x6a: {  	_ =	shalt  }
0x6b: {  	_ =	shalt  }
0x6c: {  	_ =	shalt  }
0x6d: {  	_ =	shalt  }
0x6e: {  	_ =	shalt  }
0x6f: {  	_ =	shalt  }
0x70: {  	_ =	shalt  }
0x71: {  	_ =	shalt  }
0x72: {  	_ =	shalt  }
0x73: {  	_ =	shalt  }
0x74: {  	_ =	shalt  }
0x75: {  	_ =	shalt  }
0x76: {  	_ =	shalt  }
0x77: {  	_ =	shalt  }
0x78: {  	_ =	shalt  }
0x79: {  	_ =	shalt  }
0x7a: {  	_ =	shalt  }
0x7b: {  	_ =	shalt  }
0x7c: {  	_ =	shalt  }
0x7d: {  	_ =	shalt  }
0x7e: {  	_ =	shalt  }
0x7f: {  	_ =	shalt  }
0x80: {  	_ =	shalt  }
0x81: {  	_ =	shalt  }
0x82: {  	_ =	shalt  }
0x83: {  	_ =	shalt  }
0x84: {  	_ =	shalt  }
0x85: {  	_ =	shalt  }
0x86: {  	_ =	shalt  }
0x87: {  	_ =	shalt  }
.Lfunc_end0:
.L_simem_size_0:
called_computation.4_lowered:
.L_overlay_start_0:
0x88: {  	s2 =	sld [smem:$0x3FD9]  }
0x89: {  	s3 =	sld [smem:$0x3FFE];
	_ =	sdelay $0x1  }
0x8a: {  	s1 =	srdreg.scid  }
0x8b: {  	s0 =	sand.u32 $0x1, s1  }
0x8c: {  	s16 =	sshll.u32 s0, $0xA;
	s2 =	sadd.s32 s3, s2  }
0x8d: {  	s2 =	sadd.s32 s2, s16  }
0x8e: {  	[smem:$0x3FB5] =	sst s2  }
0x8f: {  	_ = 	snop  }
0x90: {  	(tm) =	ssettm $0x1  }
0x91: {  	s17 =	sld [smem:$0x3FFB];
	_ =	sdelay $0x3  }
0x92: {  	_ =	strace s17  }
0x93: {  	s2 =	sld [smem:$0x3FFC];
	_ =	sdelay $0x3  }
0x94: {  	_ =	strace s2  }
0x95: {  	s2 =	sld [smem:$0x3FFD];
	_ =	sdelay $0x3  }
0x96: {  	_ =	strace s2  }
0x97: {  	_ =	strace $0x8FFFFFFF  }
0x98: {  	s18 =	sld [smem:$0x3FDB];
	_ =	sdelay $0x1  }
0x99: {  	s19 =	simm.s32 $_scs_section_size  }
0x9a: {  	s4 =	simm.s32 $_size__tile_overlayer_lowered;
	s5 =	simm.s32 $_tile_overlayer_lowered  }
0x9b: {  	s22 =	simm.s32 $0x1BFF;
	s21 =	sshll.u32 s5, $0x1;
	s2 =	sadd.s32 s19, s18  }
0x9c: {  	s6 =	simm.s32 $0x0;
	s20 =	sshll.u32 s4, $0x1;
	s4 =	sadd.s32 s21, s2  }
0x9d: {  	[timem:s6], [sflag:s22] =	dma.local [hbm:s4], s20  }
0x9e: {  	_ =	swait.ge [sflag:s22], s20  }
0x9f: {  	s3 =	ssub.s32 $0x0, s20;
	[sflag:s22] =	ssyncset.done $0x0  }
0xa0: {  	[sflag:s22] =	ssyncadd.s32 s3;
	_ =	sdelay $0x1  }
0xa1: {  	s23 =	simm.s32 $0x1B8B  }
0xa2: {  	_ =	swait.ge [sflag:s23], $0x1  }
0xa3: {  	[sflag:s23] =	ssyncset.done $0x0  }
0xa4: {  	s25 =	simm.s32 $0x1B8E;
	s24 =	sld [smem:$0x3FFE];
	[sflag:s23] =	ssyncadd.s32 $0xFFFFFFFF  }
0xa5: {  	s26 =	simm.s32 $execute0_lowered;
	[smem:$0x3FD2] =	sst s25  }
0xa6: {  	s4 =	sshll.u32 s26, $0x1;
	_ =	strace $0x80000052;
	[dreg:$0x1] =	wrdreg $0xFFFFFFFF  }
0xa7: {  	s28 =	simm.s32 $_size_execute0_lowered;
	s2 =	sadd.s32 s2, s4;
	[dreg:$0x0] =	wrdreg $0x0  }
0xa8: {  	s4 =	sshll.u32 s28, $0x1;
	[dreg:$0x2] =	wrdreg s2  }
0xa9: {  	[dreg:$0x3] =	wrdreg s4  }
0xaa: {  	[dreg:$0x4] =	wrdreg $0xC0  }
0xab: {  	_ =	task [dreg:s6], $0x5FFFF  }
0xac: {  	[dreg:$0x1] =	wrdreg $0xFFFFFFFF  }
0xad: {  	[dreg:$0x0] =	wrdreg $0x60  }
0xae: {  	[dreg:$0x2] =	wrdreg s24  }
0xaf: {  	[dreg:$0x3] =	wrdreg $0x9  }
0xb0: {  	_ =	task.clear_ibuf [dreg:s6], $0x4FFFF;
	_ =	strace $0x90000052  }
0xb1: {  	s29 =	simm.s32 $0x9;
	_ =	strace $0x80000054  }
0xb2: {  	_ =	swait.ge [sflag:s29], $0x1  }
0xb3: {  	[sflag:s29] =	ssyncadd.s32 $0xFFFFFFFF  }
0xb4: {  	_ =	strace $0x90000054  }
0xb5: {  	_ =	sfence  }
0xb6: {  	s30 =	sld [smem:$0x0];
	_ =	sdelay $0x2  }
0xb7: {  	s31 =	sshll.u32 s1, $0xD;
	s1 =	sshrl.u32 s1, $0x2  }
0xb8: {  	s3 =	sand.u32 $0x4000, s31;
	s1 =	sadd.s32 s1, s30  }
0xb9: {  	s0 =	sor.u32 s3, s0;
	s1 =	sshll.u32 s1, $0x11  }
0xba: {  	s0 =	sor.u32 s1, s0  }
0xbb: {  	s0 =	sadd.s32 $0x8F2B, s0  }
0xbc: {  	[sflag:s0] =	ssyncadd.remote.s32 $0x1  }
0xbd: {  	_ =	sfence.sel $0xFFFF  }
0xbe: {  	[dreg:$0x0] =	wrdreg $0xFFFFFFFF;
	(pc) =	sbr.abs _section_cstart, $3  }
0xbf: {  	[dreg:$0x1] =	wrdreg $0xFFFFFFFF  }
0xc0: {  	_ =	task.clear_ibuf [dreg:s6], $0x2FFFF;
	_ =	strace $0x9FFFFFFF  }
0xc1: {  	(tm) =	ssettm $0x7FFFFFFF  }
tec
execute0_lowered:
.L_overlay_start_1:
0x0: {  	(tag) =	ssettag $0x1  }
0x1: {  	s0 =	srdreg.scid;
	s5 =	rddreg [dreg:$0x0]  }
0x2: {  	s2 =	simm.s32 $0x0;
	s8 =	simm.s32 $0x7D;
	s4 =	sand.u32 $0x1, s0  }
0x3: {  	s9 =	simm.s32 $0x1;
	s0 =	stileid.u32;
	s1 =	sshll.u32 s4, $0x4  }
0x4: {  	s10 =	simm.s32 $0x1400;
	s11 =	simm.s32 $0x0;
	s3 =	sor.u32 s0, s1  }
0x5: {  	[smem:$0x7FF] =	sst s2;
	s4 =	ssub.s32 $0x2, s4;
	s6 =	smul.u32 $0x280, s3  }
0x6: {  	s1 =	rddreg [dreg:$0x1];
	_ =	strace $0x80000053;
	s7 =	smul.u32 $0x2710, s3  }
0x7: {  	s31 =	sshrl.u32 s4, $0x1;
	s3 =	sadd.s32 $0x5600, s5;
	s6 =	sadd.s32 s6, s5  }
0x8: {  	s5 =	sadd.s32 s7, s5;
	s7 =	ssub.s32 s4, s31;
	s4 =	sadd.s32 $0xA600, s6  }
0x9: {  	s5 =	sadd.s32 $0xF600, s5;
	s6 =	smax.u32 s7, $0x1;
	s7 =	simm.s32 $0x2  }
.LBB2_1:
0xa: {  	[tilespmem:s2], [sflag:$0x2] =	stream.linear.gather [hbm4b:s4+s2], $0x1400, $0x38;
	[tilespmem:$0x14C80] =	vst v63  }
0xb: {  	_ =	swait.ge [sflag:s7], $0x1400  }
0xc: {  	s12 =	simm.s32 $0x200;
	s15 =	simm.s32 $0x0;
	[sflag:s7] =	ssyncset.done $0x0  }
0xd: {  	s13 =	simm.s32 $0x1BD0;
	s14 =	simm.s32 $0x1400;
	[sflag:s7] =	ssyncadd.s32 $0xFFFFEC00  }
.LBB2_2:
0xe: {  	[tilespmem:s14], [sflag:$0x1] =	stream.indirect.gather [hbm4b:s3+s8], $0x10, s15, s8, $0xb8;
	[tilespmem:$0x14C80] =	vst v63  }
0xf: {  	s15 =	smov.u32 s12;
	s14 =	smov.u32 s13;
	p0 =	sne.s32 s12, $0x4E00  }
.Ltmp0:
0x10: {  	s12 =	sadd.s32 $0x200, s12;
	(pc) =	sbr.rel @p0 .LBB2_2-.Ltmp0, $2  }
0x11: {  	_ =	sdelay $0x2  }
0x12: {  	s13 =	sadd.s32 $0x7D0, s13;
	s15 =	sshra.s32 s15, $0x2  }
0x13: {  	[tilespmem:s14], [sflag:$0x1] =	stream.indirect.gather [hbm4b:s3+s8], $0x10, s15, s8, $0xb8;
	[tilespmem:$0x14C80] =	vst v63  }
0x14: {  	s11 =	sadd.s32 $0x1, s11;
	_ =	swait.ge [sflag:s9], $0x13880  }
0x15: {  	p0 =	sne.s32 s11, s6;
	[sflag:s9] =	ssyncset.done $0x0  }
.Ltmp1:
0x16: {  	[sflag:s9] =	ssyncadd.s32 $0xFFFEC780;
	(pc) =	sbr.rel @p0 .LBB2_1-.Ltmp1, $4  }
0x17: {  	[hbm4b:s5+s2] =	stream.linear.scatter [tilespmem:s10], [sflag:$0x2], $0x13880, $0x38;
	[tilespmem:$0x14C80] =	vst v63  }
0x18: {  	_ =	swait.ge [sflag:s7], $0x13880  }
0x19: {  	[sflag:s7] =	ssyncset.done $0x0  }
0x1a: {  	[sflag:s7] =	ssyncadd.s32 $0xFFFEC780  }
0x1b: {  	_ =	sfence.sel $0x180000  }
0x1c: {  	[bflag:$0x0] =	sbarrier.arrive $0xFFFF  }
0x1d: {  	p0 =	sne.s32 s0, $0x0;
	_ =	strace $0x90000053  }
0x1e: {  	s0 =	sadd.s32 @!p0 $0x100000, s1;
	[bflag:$0x2] =	sbarrier.arrive $0xFFFF  }
0x1f: {  	[sflag:s0] =	ssyncadd.tile.s32 @!p0 $0x1;
	_ =	shalt  }
.Lfunc_end2:
_tile_overlayer_lowered:
.L_overlay_start_2:
0x20: {  	(tag) =	ssettag $0x2  }
0x21: {  	s0 =	rddreg [dreg:$0x0];
	s2 =	stileid.u32  }
0x22: {  	s1 =	rddreg [dreg:$0x1];
	p0 =	sne.s32 s2, $0x0  }
0x23: {  	s3 =	rddreg [dreg:$0x2];
	[bflag:$0x3] =	sbarrier.arrive $0xFFFF;
	s2 =	simm.s32 @!p0 $0x1C02  }
0x24: {  	[timem:s3], [sflag:s2] =	dma.local @!p0 [hbm:s0], s1  }
0x25: {  	s0 =	simm.s32 @!p0 $0x2  }
0x26: {  	_ =	swait.ge @!p0 [sflag:s0], s1  }
0x27: {  	s1 =	ssub.s32 @!p0 $0x0, s1;
	[sflag:s0] =	ssyncset.done @!p0 $0x0  }
0x28: {  	[sflag:s0] =	ssyncadd.s32 @!p0 s1  }
0x29: {  	[bflag:$0x3] =	sbarrier.arrive $0xFFFF  }
0x2a: {  	_ =	shalt  }

// kernel: kernel.30.cloned.1.call-start
scs
__scs_entry_jumppad:
0x0: {  	(pc) =	sbr.rel $0x88, $3  }
0x1: {  	(tag) =	ssettag $0x0;
	lr =	simm.s32 $0x1  }
0x2: {  	[smem:$0x3F8E] =	sst lr;
	_ =	strace $0xD0000000  }
0x3: {  	_ = 	snop  }
0x4: {  	_ = 	snop  }
0x5: {  	_ = 	snop  }
0x6: {  	_ = 	snop  }
0x7: {  	_ = 	snop  }
__scs_overlays_trampoline_lowered:
0x8: {  	[smem:$0x3F9D] =	sst s0  }
0x9: {  	[smem:$0x3F9E] =	sst s1  }
0xa: {  	[smem:$0x3F9F] =	sst s2  }
0xb: {  	[smem:$0x3FA0] =	sst s3  }
0xc: {  	[smem:$0x3FA1] =	sst s4  }
0xd: {  	[smem:$0x3FA2] =	sst s5  }
0xe: {  	[smem:$0x3FA3] =	sst s6  }
0xf: {  	[smem:$0x3FA4] =	sst s7  }
0x10: {  	[smem:$0x3FA5] =	sst s8  }
0x11: {  	[smem:$0x3FA6] =	sst s9;
	s0 =	simm.s32 @!p0 $0x0  }
0x12: {  	s1 =	sld [smem:$0x3F8C];
	s0 =	simm.s32 @p0 $0x1  }
0x13: {  	[smem:$0x3FA7] =	sst s0;
	s0 =	simm.s32 @!p1 $0x0  }
0x14: {  	s2 =	sld [smem:$0x3F8B];
	s0 =	simm.s32 @p1 $0x1  }
0x15: {  	[smem:$0x3FA8] =	sst s0;
	s0 =	simm.s32 @!p2 $0x0  }
0x16: {  	s3 =	sld [smem:$0x3FDB];
	s0 =	simm.s32 @p2 $0x1  }
0x17: {  	s4 =	simm.s32 $0x1BF5;
	[smem:$0x3FAA] =	sst s0  }
0x18: {  	s0 =	sld [smem:$0x3F8D];
	_ =	swait.ge [sflag:s4], $0x0  }
0x19: {  	s7 =	sld [smem:$0x3F8E]  }
0x1a: {  	s8 =	sadd.s32 $0xFFFFE003, lr  }
0x1b: {  	s9 =	sadd.s32 $0xFFFFFEF7, lr;
	s5 =	simm.s32 $0xFFFFFFFF;
	p2 =	slt.u32 s8, $0xFFFFF086  }
0x1c: {  	p1 =	slt.u32 s9, $0xF7A;
	s5 =	simm.s32 @!p2 $0x0  }
0x1d: {  	s5 =	simm.s32 @p1 $0x1;
	p0 =	seq.s32 s7, s2  }
0x1e: {  	s7 =	smul.u32 @!p0 $0xF7A, s2;
	p2 =	seq.s32 @!p0 s5, $0x0  }
0x1f: {  	s9 =	smul.u32 $0xF7A, s1;
	s8 =	simm.s32 @!p0 $0x1BF5;
	p2 =	por !p2, p0  }
0x20: {  	[sflag:s8] =	ssyncset.s32 @!p0 $0xFFFFF086;
	s6 =	sadd.s32 @!p0 s3, s7;
	s7 =	simm.s32 @!p0 $0x108  }
0x21: {  	s3 =	sadd.s32 s3, s9;
	s6 =	sadd.s32 @!p0 $0x88, s6;
	s7 =	simm.s32 @p2 $0x1082  }
0x22: {  	[simem:s7], [sflag:s8] =	dma.local @!p0 [hbm:s6], $0xF7A  }
0x23: {  	s9 =	sor.u32 $0xD0000000, s2;
	s6 =	simm.s32 $0x108;
	_ =	swait.ge @!p0 [sflag:s8], $0x0  }
0x24: {  	s3 =	sadd.s32 $0x88, s3;
	s6 =	simm.s32 @!p1 $0x1082;
	[sflag:s4] =	ssyncset.s32 $0xFFFFF086  }
0x25: {  	[simem:s6], [sflag:s4] =	dma.local [hbm:s3], $0xF7A  }
0x26: {  	[smem:$0x3F8E] =	sst s1;
	(tag) =	ssettag s2;
	_ =	strace s9  }
0x27: {  	s1 =	sld [smem:$0x3F9E]  }
0x28: {  	s2 =	sld [smem:$0x3F9F]  }
0x29: {  	s4 =	sld [smem:$0x3FA1]  }
0x2a: {  	p0 =	seq.s32 s5, $0x0;
	s5 =	sld [smem:$0x3FA2]  }
0x2b: {  	s6 =	sld [smem:$0x3FA3]  }
0x2c: {  	s7 =	sld [smem:$0x3FA4]  }
0x2d: {  	s3 =	simm.s32 $0x108;
	s8 =	sld [smem:$0x3FA5]  }
0x2e: {  	s3 =	simm.s32 @!p0 $0x1082;
	s9 =	sld [smem:$0x3FA6]  }
0x2f: {  	lr =	sadd.s32 s0, s3;
	s0 =	sld [smem:$0x3F9D]  }
0x30: {  	s3 =	sld [smem:$0x3FA0]  }
0x31: {  	[smem:$0x3FA9] =	sst s10  }
0x32: {  	s10 =	sld [smem:$0x3FA7];
	_ =	sdelay $0x3  }
0x33: {  	p0 =	seq.s32 s10, $0x1;
	s10 =	sld [smem:$0x3FA9];
	_ =	sdelay $0x3  }
0x34: {  	[smem:$0x3FA9] =	sst s10  }
0x35: {  	s10 =	sld [smem:$0x3FA8];
	_ =	sdelay $0x3  }
0x36: {  	p1 =	seq.s32 s10, $0x1;
	s10 =	sld [smem:$0x3FA9];
	_ =	sdelay $0x3  }
0x37: {  	[smem:$0x3FA9] =	sst s10  }
0x38: {  	s10 =	sld [smem:$0x3FAA]  }
0x39: {  	_ = 	snop;
	(pc) =	sbr.ind lr, $3  }
0x3a: {  	_ = 	snop  }
0x3b: {  	_ = 	snop  }
0x3c: {  	p2 =	seq.s32 s10, $0x1;
	s10 =	sld [smem:$0x3FA9]  }
0x3d: {  	_ =	shalt  }
0x3e: {  	_ =	shalt  }
0x3f: {  	_ =	shalt  }
0x40: {  	_ =	shalt  }
0x41: {  	_ =	shalt  }
0x42: {  	_ =	shalt  }
0x43: {  	_ =	shalt  }
0x44: {  	_ =	shalt  }
0x45: {  	_ =	shalt  }
0x46: {  	_ =	shalt  }
0x47: {  	_ =	shalt  }
0x48: {  	_ =	shalt  }
0x49: {  	_ =	shalt  }
0x4a: {  	_ =	shalt  }
0x4b: {  	_ =	shalt  }
0x4c: {  	_ =	shalt  }
0x4d: {  	_ =	shalt  }
0x4e: {  	_ =	shalt  }
0x4f: {  	_ =	shalt  }
0x50: {  	_ =	shalt  }
0x51: {  	_ =	shalt  }
0x52: {  	_ =	shalt  }
0x53: {  	_ =	shalt  }
0x54: {  	_ =	shalt  }
0x55: {  	_ =	shalt  }
0x56: {  	_ =	shalt  }
0x57: {  	_ =	shalt  }
0x58: {  	_ =	shalt  }
0x59: {  	_ =	shalt  }
0x5a: {  	_ =	shalt  }
0x5b: {  	_ =	shalt  }
0x5c: {  	_ =	shalt  }
0x5d: {  	_ =	shalt  }
0x5e: {  	_ =	shalt  }
0x5f: {  	_ =	shalt  }
0x60: {  	_ =	shalt  }
0x61: {  	_ =	shalt  }
0x62: {  	_ =	shalt  }
0x63: {  	_ =	shalt  }
0x64: {  	_ =	shalt  }
0x65: {  	_ =	shalt  }
0x66: {  	_ =	shalt  }
0x67: {  	_ =	shalt  }
0x68: {  	_ =	shalt  }
0x69: {  	_ =	shalt  }
0x6a: {  	_ =	shalt  }
0x6b: {  	_ =	shalt  }
0x6c: {  	_ =	shalt  }
0x6d: {  	_ =	shalt  }
0x6e: {  	_ =	shalt  }
0x6f: {  	_ =	shalt  }
0x70: {  	_ =	shalt  }
0x71: {  	_ =	shalt  }
0x72: {  	_ =	shalt  }
0x73: {  	_ =	shalt  }
0x74: {  	_ =	shalt  }
0x75: {  	_ =	shalt  }
0x76: {  	_ =	shalt  }
0x77: {  	_ =	shalt  }
0x78: {  	_ =	shalt  }
0x79: {  	_ =	shalt  }
0x7a: {  	_ =	shalt  }
0x7b: {  	_ =	shalt  }
0x7c: {  	_ =	shalt  }
0x7d: {  	_ =	shalt  }
0x7e: {  	_ =	shalt  }
0x7f: {  	_ =	shalt  }
0x80: {  	_ =	shalt  }
0x81: {  	_ =	shalt  }
0x82: {  	_ =	shalt  }
0x83: {  	_ =	shalt  }
0x84: {  	_ =	shalt  }
0x85: {  	_ =	shalt  }
0x86: {  	_ =	shalt  }
0x87: {  	_ =	shalt  }
.Lfunc_end0:
.L_simem_size_0:
called_computation.5_lowered:
.L_overlay_start_0:
0x88: {  	s2 =	sld [smem:$0x3FD9]  }
0x89: {  	s3 =	sld [smem:$0x3FFE];
	_ =	sdelay $0x1  }
0x8a: {  	s1 =	srdreg.scid  }
0x8b: {  	s0 =	sand.u32 $0x1, s1  }
0x8c: {  	s16 =	sshll.u32 s0, $0xA;
	s2 =	sadd.s32 s3, s2  }
0x8d: {  	s2 =	sadd.s32 s2, s16  }
0x8e: {  	[smem:$0x3FB5] =	sst s2  }
0x8f: {  	_ = 	snop  }
0x90: {  	(tm) =	ssettm $0x1  }
0x91: {  	s17 =	sld [smem:$0x3FFB];
	_ =	sdelay $0x3  }
0x92: {  	_ =	strace s17  }
0x93: {  	s2 =	sld [smem:$0x3FFC];
	_ =	sdelay $0x3  }
0x94: {  	_ =	strace s2  }
0x95: {  	s2 =	sld [smem:$0x3FFD];
	_ =	sdelay $0x3  }
0x96: {  	_ =	strace s2  }
0x97: {  	_ =	strace $0x8FFFFFFF  }
0x98: {  	s18 =	sld [smem:$0x3FDB];
	_ =	sdelay $0x1  }
0x99: {  	s19 =	simm.s32 $_scs_section_size  }
0x9a: {  	s4 =	simm.s32 $_size__tile_overlayer_lowered;
	s5 =	simm.s32 $_tile_overlayer_lowered  }
0x9b: {  	s22 =	simm.s32 $0x1BFF;
	s21 =	sshll.u32 s5, $0x1;
	s2 =	sadd.s32 s19, s18  }
0x9c: {  	s6 =	simm.s32 $0x0;
	s20 =	sshll.u32 s4, $0x1;
	s4 =	sadd.s32 s21, s2  }
0x9d: {  	[timem:s6], [sflag:s22] =	dma.local [hbm:s4], s20  }
0x9e: {  	_ =	swait.ge [sflag:s22], s20  }
0x9f: {  	s3 =	ssub.s32 $0x0, s20;
	[sflag:s22] =	ssyncset.done $0x0  }
0xa0: {  	[sflag:s22] =	ssyncadd.s32 s3;
	_ =	sdelay $0x1  }
0xa1: {  	s23 =	simm.s32 $0x1B8B  }
0xa2: {  	_ =	swait.ge [sflag:s23], $0x1  }
0xa3: {  	[sflag:s23] =	ssyncset.done $0x0  }
0xa4: {  	s25 =	simm.s32 $0x1B8E;
	s24 =	sld [smem:$0x3FFE];
	[sflag:s23] =	ssyncadd.s32 $0xFFFFFFFF  }
0xa5: {  	s26 =	simm.s32 $execute0_lowered;
	[smem:$0x3FD2] =	sst s25  }
0xa6: {  	s4 =	sshll.u32 s26, $0x1;
	_ =	strace $0x80000055;
	[dreg:$0x1] =	wrdreg $0xFFFFFFFF  }
0xa7: {  	s28 =	simm.s32 $_size_execute0_lowered;
	s2 =	sadd.s32 s2, s4;
	[dreg:$0x0] =	wrdreg $0x0  }
0xa8: {  	s4 =	sshll.u32 s28, $0x1;
	[dreg:$0x2] =	wrdreg s2  }
0xa9: {  	[dreg:$0x3] =	wrdreg s4  }
0xaa: {  	[dreg:$0x4] =	wrdreg $0xC0  }
0xab: {  	_ =	task [dreg:s6], $0x5FFFF  }
0xac: {  	[dreg:$0x1] =	wrdreg $0xFFFFFFFF  }
0xad: {  	[dreg:$0x0] =	wrdreg $0x60  }
0xae: {  	[dreg:$0x2] =	wrdreg s24  }
0xaf: {  	[dreg:$0x3] =	wrdreg $0x14C800  }
0xb0: {  	[dreg:$0x4] =	wrdreg $0x9  }
0xb1: {  	_ =	task.clear_ibuf [dreg:s6], $0x5FFFF;
	_ =	strace $0x90000055  }
0xb2: {  	s29 =	simm.s32 $0x9;
	_ =	strace $0x80000057  }
0xb3: {  	_ =	swait.ge [sflag:s29], $0x1  }
0xb4: {  	[sflag:s29] =	ssyncadd.s32 $0xFFFFFFFF  }
0xb5: {  	_ =	strace $0x90000057  }
0xb6: {  	_ =	sfence  }
0xb7: {  	s30 =	sld [smem:$0x0];
	_ =	sdelay $0x2  }
0xb8: {  	s31 =	sshll.u32 s1, $0xD;
	s1 =	sshrl.u32 s1, $0x2  }
0xb9: {  	s3 =	sand.u32 $0x4000, s31;
	s1 =	sadd.s32 s1, s30  }
0xba: {  	s0 =	sor.u32 s3, s0;
	s1 =	sshll.u32 s1, $0x11  }
0xbb: {  	s0 =	sor.u32 s1, s0  }
0xbc: {  	s0 =	sadd.s32 $0x8F2B, s0  }
0xbd: {  	[sflag:s0] =	ssyncadd.remote.s32 $0x1  }
0xbe: {  	_ =	sfence.sel $0xFFFF  }
0xbf: {  	[dreg:$0x0] =	wrdreg $0xFFFFFFFF;
	(pc) =	sbr.abs _section_cstart, $3  }
0xc0: {  	[dreg:$0x1] =	wrdreg $0xFFFFFFFF  }
0xc1: {  	_ =	task.clear_ibuf [dreg:s6], $0x2FFFF;
	_ =	strace $0x9FFFFFFF  }
0xc2: {  	(tm) =	ssettm $0x7FFFFFFF  }
0xc3: {  	_ =	shalt  }
tec
execute0_lowered:
.L_overlay_start_1:
0x0: {  	(tag) =	ssettag $0x1  }
0x1: {  	s0 =	srdreg.scid  }
0x2: {  	s13 =	stileid.u32;
	s4 =	rddreg [dreg:$0x0]  }
0x3: {  	s1 =	rddreg [dreg:$0x1];
	s2 =	simm.s32 $0x0;
	s11 =	simm.s32 $0x7D  }
0x4: {  	s12 =	simm.s32 $0x1;
	s15 =	simm.s32 $0x0;
	s3 =	sand.u32 $0x1, s0  }
0x5: {  	[smem:$0x7FF] =	sst s2;
	s8 =	smul.u32 $0x2800, s13;
	p0 =	sne.s32 s13, $0x0  }
0x6: {  	s0 =	sshll.u32 s3, $0x4;
	s7 =	smul.u32 $0x28000, s3;
	s9 =	ssub.s32 $0x2, s3  }
0x7: {  	s3 =	sadd.s32 $0x62800, s4;
	s5 =	sor.u32 s13, s0;
	s0 =	rddreg [dreg:$0x2]  }
0x8: {  	_ =	strace $0x80000056;
	s10 =	sshrl.u32 s9, $0x1;
	s6 =	smul.u32 $0x2710, s5  }
0x9: {  	s14 =	sadd.s32 s8, s1;
	s13 =	sshll.u32 s13, $0x6;
	s5 =	smul.u32 $0x280, s5  }
0xa: {  	s7 =	sadd.s32 s8, s7;
	s9 =	ssub.s32 s9, s10;
	s8 =	simm.s32 $0x2  }
0xb: {  	s10 =	sshrl.u32 @!p0 s1, $0x3;
	s13 =	sor.u32 $0x1C02, s13;
	s14 =	sshrl.u32 s14, $0x3  }
0xc: {  	s7 =	sshrl.u32 s7, $0x3;
	s6 =	sadd.s32 s6, s4;
	s5 =	sadd.s32 s5, s4  }
0xd: {  	s7 =	sadd.s32 s7, s4;
	s4 =	sadd.s32 $0x5D800, s5;
	s5 =	sadd.s32 $0xA600, s6  }
0xe: {  	s6 =	sadd.s32 $0x67800, s7;
	s7 =	smax.u32 s9, $0x1;
	s9 =	simm.s32 $0x1400  }
.LBB2_1:
0xf: {  	[tilespmem:s2], [sflag:$0x2] =	stream.linear.gather [hbm4b:s4+s2], $0x1400, $0x38;
	[tilespmem:$0x17480] =	vst v63  }
0x10: {  	_ =	swait.ge [sflag:s8], $0x1400  }
0x11: {  	[sflag:s8] =	ssyncset.done $0x0  }
0x12: {  	[sflag:s8] =	ssyncadd.s32 $0xFFFFEC00  }
0x13: {  	[tilespmem:s9], [sflag:$0x2] =	stream.linear.gather [hbm4b:s5+s2], $0x13880, $0x38;
	[tilespmem:$0x17480] =	vst v63  }
0x14: {  	_ =	swait.ge [sflag:s8], $0x13880  }
0x15: {  	[sflag:s8] =	ssyncset.done $0x0  }
0x16: {  	s16 =	simm.s32 @!p0 $0x1C02;
	[sflag:s8] =	ssyncadd.s32 $0xFFFEC780  }
0x17: {  	[spmem:s10], [sflag:s16] =	dma.local @!p0 [hbm:s3], $0x5000  }
0x18: {  	s16 =	simm.s32 @!p0 $0x2  }
0x19: {  	_ =	swait.ge @!p0 [sflag:s16], $0x5000  }
0x1a: {  	[sflag:s16] =	ssyncset.done @!p0 $0x0  }
0x1b: {  	s19 =	simm.s32 $0x0;
	s17 =	simm.s32 $0x1BD0;
	[sflag:s16] =	ssyncadd.s32 @!p0 $0xFFFFB000  }
0x1c: {  	s18 =	simm.s32 $0x1400;
	s16 =	simm.s32 $0x200;
	[bflag:$0x0] =	sbarrier.arrive $0xFFFF  }
.LBB2_2:
0x1d: {  	[spmem:s1] =	stream.indirect.scatter.add.f32 [tilespmem:s18], [sflag:$0x1], $0x10, s19, s11, $0xb8;
	[tilespmem:$0x17480] =	vst v63  }
0x1e: {  	s19 =	smov.u32 s16;
	s18 =	smov.u32 s17;
	p1 =	sne.s32 s16, $0x4E00  }
.Ltmp0:
0x1f: {  	s16 =	sadd.s32 $0x200, s16;
	(pc) =	sbr.rel @p1 .LBB2_2-.Ltmp0, $2  }
0x20: {  	_ =	sdelay $0x2  }
0x21: {  	s17 =	sadd.s32 $0x7D0, s17;
	s19 =	sshra.s32 s19, $0x2  }
0x22: {  	[spmem:s1] =	stream.indirect.scatter.add.f32 [tilespmem:s18], [sflag:$0x1], $0x10, s19, s11, $0xb8;
	[tilespmem:$0x17480] =	vst v63  }
0x23: {  	_ =	swait.ge [sflag:s12], $0x13880  }
0x24: {  	s15 =	sadd.s32 $0x1, s15;
	[sflag:s12] =	ssyncset.done $0x0  }
0x25: {  	p1 =	sne.s32 s15, s7;
	[sflag:s12] =	ssyncadd.s32 $0xFFFEC780  }
.Ltmp1:
0x26: {  	[bflag:$0x0] =	sbarrier.arrive $0xFFFF;
	(pc) =	sbr.rel @p1 .LBB2_1-.Ltmp1, $4  }
0x27: {  	[hbm:s6], [sflag:s13] =	dma.local [spmem:s14], $0x500  }
0x28: {  	_ =	swait.ge [sflag:s8], $0x500  }
0x29: {  	[sflag:s8] =	ssyncset.done $0x0  }
0x2a: {  	[sflag:s8] =	ssyncadd.s32 $0xFFFFFB00  }
0x2b: {  	_ =	sfence.sel $0x180000  }
0x2c: {  	[bflag:$0x0] =	sbarrier.arrive $0xFFFF  }
0x2d: {  	_ =	strace $0x90000056  }
0x2e: {  	s0 =	sadd.s32 @!p0 $0x100000, s0;
	[bflag:$0x2] =	sbarrier.arrive $0xFFFF  }
0x2f: {  	[sflag:s0] =	ssyncadd.tile.s32 @!p0 $0x1;
	_ =	shalt  }
.Lfunc_end2:
_tile_overlayer_lowered:
.L_overlay_start_2:
0x30: {  	(tag) =	ssettag $0x2  }
0x31: {  	s0 =	rddreg [dreg:$0x0];
	s2 =	stileid.u32  }
0x32: {  	s1 =	rddreg [dreg:$0x1];
	p0 =	sne.s32 s2, $0x0  }
0x33: {  	s3 =	rddreg [dreg:$0x2];
	[bflag:$0x3] =	sbarrier.arrive $0xFFFF;
	s2 =	simm.s32 @!p0 $0x1C02  }
0x34: {  	[timem:s3], [sflag:s2] =	dma.local @!p0 [hbm:s0], s1  }
0x35: {  	s0 =	simm.s32 @!p0 $0x2  }
0x36: {  	_ =	swait.ge @!p0 [sflag:s0], s1  }
0x37: {  	s1 =	ssub.s32 @!p0 $0x0, s1;
	[sflag:s0] =	ssyncset.done @!p0 $0x0  }
0x38: {  	[sflag:s0] =	ssyncadd.s32 @!p0 s1  }
0x39: {  	[bflag:$0x3] =	sbarrier.arrive $0xFFFF  }
0x3a: {  	_ =	shalt  }

</sc_bundles>
